<compile_context>
chip_gen: v7x
topology: tpu7x:2x2x1
jax: 0.10.2.dev20260603
libtpu: 0.0.44.dev20260713+nightly
codegen_flags: <defaults>
</compile_context>

<pallas_src>
import functools

import jax
import jax.numpy as jnp
from jax import lax
from jax.experimental import pallas as pl
from jax.experimental.pallas import tpu as pltpu
from jax.experimental.pallas import tpu_sc as plsc

B = 4096
DENSE = 13
SPARSE = 26
VOCAB = 100000
EMB = 64
ATT = 64
NPAIR = (SPARSE * (SPARSE - 1)) // 2
PPAD = 328

NC = 2
NS = 16
NW = NC * NS
ROWS_W = SPARSE * B // NW
CH = 128
NCH = ROWS_W // CH
HALF = NCH // 2

KW = 16
TW = SPARSE * VOCAB // 8


def _sc_gather_body(table_hbm, idx_hbm, out_hbm, idx_v, win_v, outb, sem):
    wid = lax.axis_index("s") * NC + lax.axis_index("c")
    base = wid * ROWS_W
    pltpu.sync_copy(idx_hbm.at[wid], idx_v)

    def chunk_body(c, carry):
        def group_body(g, carry2):
            jbase = g * KW
            idxvec = idx_v[c, pl.ds(jbase, KW)]
            basev = lax.sub(idxvec, lax.rem(idxvec, 8))
            rmv = lax.rem(idxvec, 8)
            for k in range(KW):
                b8 = pl.multiple_of(basev[k], 8)
                pltpu.make_async_copy(
                    table_hbm.at[pl.ds(b8, 8)], win_v.at[k], sem).start()
            for k in range(KW):
                b8 = pl.multiple_of(basev[k], 8)
                pltpu.make_async_copy(
                    table_hbm.at[pl.ds(b8, 8)], win_v.at[k], sem).wait()
            for k in range(KW):
                rm = rmv[k]
                for t in range(EMB // 16):
                    outb[jbase + k, pl.ds(16 * t, 16)] = \
                        win_v[k, rm, pl.ds(16 * t, 16)]
            return carry2

        lax.fori_loop(0, CH // KW, group_body, 0)
        off = pl.multiple_of(base + c * CH, CH)
        pltpu.sync_copy(outb, out_hbm.at[pl.ds(off, CH)])
        return carry

    lax.fori_loop(0, NCH, chunk_body, 0)


@functools.cache
def _sc_gather_kernel():
    return pl.kernel(
        _sc_gather_body,
        out_type=jax.ShapeDtypeStruct((SPARSE * B, EMB), jnp.float32),
        mesh=plsc.VectorSubcoreMesh(core_axis_name="c", subcore_axis_name="s"),
        scratch_types=[
            pltpu.VMEM((NCH, CH), jnp.int32),
            pltpu.VMEM((KW, 8, EMB), jnp.float32),
            pltpu.VMEM((CH, EMB), jnp.float32),
            pltpu.SemaphoreType.DMA,
        ],
    )


BB = 128
NB = B // BB


def _afm_body(emb_ref, xd_ref, w1_ref, b1_ref, w2_ref, wp_ref, dw_ref,
              wlr_ref, blr_ref, out_ref, l_scr, s_scr):
    emb = emb_ref[...]
    w1 = w1_ref[...]
    b1 = b1_ref[...]
    w2 = w2_ref[...]
    wp = wp_ref[...]
    off = 0
    for i in range(SPARSE - 1):
        w = SPARSE - 1 - i
        prod = emb[i + 1:] * emb[i][None]
        prodf = prod.reshape(w * BB, EMB)
        h = jax.lax.dot_general(prodf, w1, (((1,), (1,)), ((), ())),
                                preferred_element_type=jnp.float32)
        h = jnp.maximum(h + b1, 0.0)
        l = jnp.sum((h * w2).reshape(w, BB, ATT), axis=2)
        s = jnp.sum((prodf * wp).reshape(w, BB, EMB), axis=2)
        l_scr[off:off + w, :] = l
        s_scr[off:off + w, :] = s
        off += w
    l_scr[NPAIR:, :] = jnp.full((PPAD - NPAIR, BB), -1e30, jnp.float32)
    s_scr[NPAIR:, :] = jnp.zeros((PPAD - NPAIR, BB), jnp.float32)
    la = l_scr[...]
    m = jnp.max(la, axis=0)
    e = jnp.exp(la - m[None, :])
    den = jnp.sum(e, axis=0)
    num = jnp.sum(e * s_scr[...], axis=0)
    afm = num / den
    xd = xd_ref[...]
    dw = dw_ref[...]
    ds = xd[:, 0:1] * dw[0:1, :]
    for f in range(1, DENSE):
        ds = ds + xd[:, f:f + 1] * dw[f:f + 1, :]
    ds_r = ds.astype(jnp.bfloat16).astype(jnp.float32)
    wlr_r = wlr_ref[...].astype(jnp.bfloat16).astype(jnp.float32)
    lr = jnp.sum(ds_r * wlr_r, axis=1)
    z = lr + afm + blr_ref[0, 0]
    out_ref[0, 0, :] = 1.0 / (1.0 + jnp.exp(-z))


_afm_in_specs = [
    pl.BlockSpec((SPARSE, BB, EMB), lambda i: (0, i, 0)),
    pl.BlockSpec((BB, DENSE), lambda i: (i, 0)),
    pl.BlockSpec((ATT, EMB), lambda i: (0, 0)),
    pl.BlockSpec((1, ATT), lambda i: (0, 0)),
    pl.BlockSpec((1, ATT), lambda i: (0, 0)),
    pl.BlockSpec((1, EMB), lambda i: (0, 0)),
    pl.BlockSpec((DENSE, EMB), lambda i: (0, 0)),
    pl.BlockSpec((1, EMB), lambda i: (0, 0)),
    pl.BlockSpec(memory_space=pltpu.SMEM),
]
_afm_out_spec = pl.BlockSpec((1, 1, BB), lambda i: (i, 0, 0))
_afm_scratch = [pltpu.VMEM((PPAD, BB), jnp.float32),
                pltpu.VMEM((PPAD, BB), jnp.float32)]


def _tc_afm(emb3, Xd, W1, b1_2d, W2, Wp, dense_W, Wlr, blr_2d):
    return pl.pallas_call(
        _afm_body,
        grid=(NB,),
        in_specs=_afm_in_specs,
        out_specs=_afm_out_spec,
        out_shape=jax.ShapeDtypeStruct((NB, 1, BB), jnp.float32),
        scratch_shapes=_afm_scratch,
    )(emb3, Xd, W1, b1_2d, W2, Wp, dense_W, Wlr, blr_2d)


def kernel(X, y, tables, dense_W, W1, b1, W2, Wp, Wlr, b_lr):
    Xd = X[:, :DENSE].astype(jnp.float32)
    offsets = jnp.arange(SPARSE, dtype=jnp.int32) * VOCAB
    idx = X[:, DENSE:].T + offsets[:, None]
    idx2 = idx.reshape(NW, NCH, CH)
    flat_table = tables.reshape(SPARSE * VOCAB, EMB)
    emb_flat = _sc_gather_kernel()(flat_table, idx2)
    emb3 = emb_flat.reshape(SPARSE, B, EMB)
    yp = _tc_afm(emb3, Xd, W1, b1.reshape(1, ATT), W2, Wp, dense_W, Wlr,
                 b_lr.reshape(1, 1))
    y_pred = yp.reshape(B, 1)
    return (y.reshape(-1, 1), y_pred)

# --- scband reference (transcript-rebuilt; emitter-appended) ---
"""Pipeline reference for scband-afm-53884659696187 (READ-ONLY COPY).

The authoritative reference and input builder live on the scoring server;
editing this copy changes nothing except your own understanding.
"""

import jax, jax.numpy as jnp
import numpy as np
from itertools import combinations

B = 4096
DENSE = 13
SPARSE = 26
VOCAB = 100000
EMB = 64
ATT = 64

_p, _q = zip(*list(combinations(range(SPARSE), 2)))
FIELD_P = np.array(_p, dtype=np.int32)
FIELD_Q = np.array(_q, dtype=np.int32)


def setup_inputs(seed: int = 0) -> dict:
    key = jax.random.key(seed)
    ks = jax.random.split(key, 10)
    X = jax.random.randint(ks[0], (B, DENSE + SPARSE), 0, VOCAB, dtype=jnp.int32)
    y = jax.random.uniform(ks[1], (B,), dtype=jnp.float32)
    tables = jax.random.normal(ks[2], (SPARSE, VOCAB, EMB), dtype=jnp.float32) * 0.01
    dense_W = jax.random.normal(ks[3], (DENSE, EMB), dtype=jnp.float32) * 0.01
    W1 = jax.random.normal(ks[4], (ATT, EMB), dtype=jnp.float32) * 0.05
    b1 = jnp.zeros((ATT,), dtype=jnp.float32)
    W2 = jax.random.normal(ks[5], (1, ATT), dtype=jnp.float32) * 0.05
    Wp = jax.random.normal(ks[6], (1, EMB), dtype=jnp.float32) * 0.05
    Wlr = jax.random.normal(ks[7], (1, EMB), dtype=jnp.float32) * 0.05
    b_lr = jnp.zeros((1,), dtype=jnp.float32)
    return {"X": X, "y": y, "tables": tables, "dense_W": dense_W, "W1": W1, "b1": b1, "W2": W2, "Wp": Wp, "Wlr": Wlr, "b_lr": b_lr}


def reference(X, y, tables, dense_W, W1, b1, W2, Wp, Wlr, b_lr):
    # dense part: Linear(1, emb, bias=False) per dense feature == scalar * weight vector
    dense_feature = X[:, :DENSE].astype(jnp.float32)              # [B, DENSE]
    dense_emb = dense_feature[:, :, None] * dense_W[None, :, :]   # [B, DENSE, EMB]
    # sparse part: per-field embedding lookup (gather -> SparseCore)
    sparse_idx = X[:, DENSE:]                                     # [B, SPARSE]
    flat_table = tables.reshape(SPARSE * VOCAB, EMB)
    offsets = jnp.arange(SPARSE, dtype=sparse_idx.dtype) * VOCAB
    flat_idx = (sparse_idx + offsets[None, :]).reshape(-1)
    sparse_emb = jnp.take(flat_table, flat_idx, axis=0).reshape(B, SPARSE, EMB)
    # pairwise interactions over field combinations (index_select on dim 1)
    emb1 = jnp.take(sparse_emb, jnp.asarray(FIELD_P), axis=1)     # [B, P, EMB]
    emb2 = jnp.take(sparse_emb, jnp.asarray(FIELD_Q), axis=1)     # [B, P, EMB]
    elementwise_product = emb1 * emb2                             # [B, P, EMB]
    # attention net: Linear(EMB, ATT) + ReLU + Linear(ATT, 1, bias=False) + Softmax(dim=1)
    att_h = jax.nn.relu(jnp.einsum('bpe,ae->bpa', elementwise_product, W1) + b1[None, None, :])
    att_logits = jnp.einsum('bpa,oa->bpo', att_h, W2)             # [B, P, 1]
    attention_weight = jax.nn.softmax(att_logits, axis=1)
    attention_sum = jnp.sum(attention_weight * elementwise_product, axis=1)  # [B, EMB]
    afm_out = attention_sum @ Wp.T                                # [B, 1]
    lr_out = dense_emb.sum(axis=1) @ Wlr.T + b_lr[None, :]        # [B, 1]
    y_pred = jax.nn.sigmoid(lr_out + afm_out)
    y_true = y.reshape(-1, 1)
    return (y_true, y_pred)

if __name__ == "__main__":
    import jax
    _d = setup_inputs()
    print(jax.jit(kernel)(*tuple(_d.values())))

</pallas_src>

<mosaic_0001>
#map = affine_map<(d0, d1) -> (0, 0)>
#map1 = affine_map<(d0, d1) -> (0, 0, 0)>
module attributes {stable_mosaic.version = 14 : i64} {
  func.func @_sc_gather_body(%arg0: i32, %arg1: i32, %arg2: memref<2600000x64xf32, #tpu.memory_space<hbm>>, %arg3: memref<32x26x128xi32, #tpu.memory_space<hbm>>, %arg4: memref<106496x64xf32, #tpu.memory_space<hbm>>, %arg5: memref<26x128xi32, #tpu.memory_space<vmem>>, %arg6: memref<16x8x64xf32, #tpu.memory_space<vmem>>, %arg7: memref<128x64xf32, #tpu.memory_space<vmem>>, %arg8: memref<!tpu.dma_semaphore, #tpu.memory_space<semaphore_mem>>) attributes {dimension_semantics = [#tpu.dimension_semantics<core_parallel>, #tpu.dimension_semantics<subcore_parallel>], iteration_bounds = array<i64: 2, 16>, scalar_prefetch = 0 : i64, scratch_operands = 4 : i64, tpu.core_type = #tpu.core_type<sc_vector_subcore>, window_params = [{transform_indices = #map}, {transform_indices = #map1}, {transform_indices = #map}]} {
    %mul3A = arith.constant 2 : i32
    %mul3A_0 = arith.muli %arg1, %mul3A : i32
    %add3A = arith.addi %mul3A_0, %arg0 : i32
    %mul3A_1 = arith.constant 3328 : i32
    %mul3A_2 = arith.muli %add3A, %mul3A_1 : i32
    "tpu.region"() ({
      %run_scoped3A = tpu.sem_alloc : memref<!tpu.dma_semaphore, #tpu.memory_space<semaphore_mem>>
      %dma_start3A = arith.constant 0 : i32
      %dma_start3A_8 = arith.constant 0 : i32
      %dma_start3A_9 = tpu.memref_slice %arg3[%add3A, %dma_start3A, %dma_start3A_8] : memref<32x26x128xi32, #tpu.memory_space<hbm>> -> memref<1x26x128xi32, #tpu.memory_space<hbm>>
      %dma_start3A_10 = tpu.memref_squeeze %dma_start3A_9 : memref<1x26x128xi32, #tpu.memory_space<hbm>> -> memref<26x128xi32, #tpu.memory_space<hbm>>
      %dma_start3A_11 = arith.constant 0 : i32
      %dma_start3A_12 = arith.constant 0 : i32
      %dma_start3A_13 = tpu.memref_slice %arg3[%add3A, %dma_start3A_11, %dma_start3A_12] : memref<32x26x128xi32, #tpu.memory_space<hbm>> -> memref<1x26x128xi32, #tpu.memory_space<hbm>>
      %dma_start3A_14 = tpu.memref_squeeze %dma_start3A_13 : memref<1x26x128xi32, #tpu.memory_space<hbm>> -> memref<26x128xi32, #tpu.memory_space<hbm>>
      tpu.enqueue_dma source(%dma_start3A_14 : memref<26x128xi32, #tpu.memory_space<hbm>>) target(%arg5 : memref<26x128xi32, #tpu.memory_space<vmem>>) target_semaphore(%run_scoped3A : memref<!tpu.dma_semaphore, #tpu.memory_space<semaphore_mem>>)
      %dma_wait3A = arith.constant 0 : i32
      %dma_wait3A_15 = arith.constant 0 : i32
      %dma_wait3A_16 = tpu.memref_slice %arg3[%add3A, %dma_wait3A, %dma_wait3A_15] : memref<32x26x128xi32, #tpu.memory_space<hbm>> -> memref<1x26x128xi32, #tpu.memory_space<hbm>>
      %dma_wait3A_17 = tpu.memref_squeeze %dma_wait3A_16 : memref<1x26x128xi32, #tpu.memory_space<hbm>> -> memref<26x128xi32, #tpu.memory_space<hbm>>
      %dma_wait3A_18 = arith.constant 0 : i32
      %dma_wait3A_19 = arith.constant 0 : i32
      %dma_wait3A_20 = tpu.memref_slice %arg3[%add3A, %dma_wait3A_18, %dma_wait3A_19] : memref<32x26x128xi32, #tpu.memory_space<hbm>> -> memref<1x26x128xi32, #tpu.memory_space<hbm>>
      %dma_wait3A_21 = tpu.memref_squeeze %dma_wait3A_20 : memref<1x26x128xi32, #tpu.memory_space<hbm>> -> memref<26x128xi32, #tpu.memory_space<hbm>>
      tpu.wait_dma2 semaphore(%run_scoped3A : memref<!tpu.dma_semaphore, #tpu.memory_space<semaphore_mem>>) src(%dma_wait3A_21 : memref<26x128xi32, #tpu.memory_space<hbm>>) dst(%arg5 : memref<26x128xi32, #tpu.memory_space<vmem>>)
      tpu.yield
    }) : () -> ()
    %scan3A = arith.constant 0 : i32
    %scan3A_3 = arith.constant 0 : i32
    %scan3A_4 = arith.constant 26 : i32
    %scan3A_5 = arith.addi %scan3A_3, %scan3A_4 : i32
    %scan3A_6 = arith.constant 1 : i32
    scf.for %scan3A_8 = %scan3A_3 to %scan3A_5 step %scan3A_6  : i32 {
      %scan3A_9 = arith.constant 0 : i32
      %scan3A_10 = arith.constant 0 : i32
      %scan3A_11 = arith.constant 8 : i32
      %scan3A_12 = arith.addi %scan3A_10, %scan3A_11 : i32
      %scan3A_13 = arith.constant 1 : i32
      scf.for %scan3A_18 = %scan3A_10 to %scan3A_12 step %scan3A_13  : i32 {
        %mul3A_19 = arith.constant 16 : i32
        %mul3A_20 = arith.muli %scan3A_18, %mul3A_19 : i32
        %get3A = arith.index_cast %scan3A_8 : i32 to index
        %get3A_21 = arith.index_cast %mul3A_20 : i32 to index
        %get3A_22 = tpu.vector_load %arg5[%get3A, %get3A_21] {strides = array<i32>} : memref<26x128xi32, #tpu.memory_space<vmem>>, vector<1x16xi32>,
        %get3A_23 = vector.shape_cast %get3A_22 : vector<1x16xi32> to vector<16xi32>
        %rem3A = arith.constant 8 : i32
        %rem3A_24 = vector.broadcast %rem3A : i32 to vector<16xi32>
        %rem3A_25 = arith.remsi %get3A_23, %rem3A_24 : vector<16xi32>
        %sub3A = arith.subi %get3A_23, %rem3A_25 : vector<16xi32>
        %rem3A_26 = arith.constant 8 : i32
        %rem3A_27 = vector.broadcast %rem3A_26 : i32 to vector<16xi32>
        %rem3A_28 = arith.remsi %get3A_23, %rem3A_27 : vector<16xi32>
        %slice3A = vector.extract_strided_slice %sub3A {offsets = [0], sizes = [1], strides = [1]} : vector<16xi32> to vector<1xi32>
        %squeeze3A = vector.extract %slice3A[0] : i32 from vector<1xi32>
        %multiple_of3A_29 = tpu.assume_multiple %squeeze3A, 8 : i32
        %dma_start3A = arith.constant 0 : i32
        %dma_start3A_30 = arith.constant 0 : i32
        %dma_start3A_31 = arith.constant 0 : i32
        %dma_start3A_32 = tpu.memref_slice %arg6[%dma_start3A, %dma_start3A_30, %dma_start3A_31] : memref<16x8x64xf32, #tpu.memory_space<vmem>> -> memref<1x8x64xf32, #tpu.memory_space<vmem>>
        %dma_start3A_33 = tpu.memref_squeeze %dma_start3A_32 : memref<1x8x64xf32, #tpu.memory_space<vmem>> -> memref<8x64xf32, #tpu.memory_space<vmem>>
        %dma_start3A_34 = arith.constant 0 : i32
        %dma_start3A_35 = tpu.memref_slice %arg2[%multiple_of3A_29, %dma_start3A_34] : memref<2600000x64xf32, #tpu.memory_space<hbm>> -> memref<8x64xf32, #tpu.memory_space<hbm>>
        %dma_start3A_36 = arith.constant 0 : i32
        %dma_start3A_37 = arith.constant 0 : i32
        %dma_start3A_38 = tpu.memref_slice %arg6[%dma_start3A, %dma_start3A_36, %dma_start3A_37] : memref<16x8x64xf32, #tpu.memory_space<vmem>> -> memref<1x8x64xf32, #tpu.memory_space<vmem>>
        %dma_start3A_39 = tpu.memref_squeeze %dma_start3A_38 : memref<1x8x64xf32, #tpu.memory_space<vmem>> -> memref<8x64xf32, #tpu.memory_space<vmem>>
        %dma_start3A_40 = arith.constant 0 : i32
        %dma_start3A_41 = tpu.memref_slice %arg2[%multiple_of3A_29, %dma_start3A_40] : memref<2600000x64xf32, #tpu.memory_space<hbm>> -> memref<8x64xf32, #tpu.memory_space<hbm>>
        tpu.enqueue_dma source(%dma_start3A_41 : memref<8x64xf32, #tpu.memory_space<hbm>>) target(%dma_start3A_39 : memref<8x64xf32, #tpu.memory_space<vmem>>) target_semaphore(%arg8 : memref<!tpu.dma_semaphore, #tpu.memory_space<semaphore_mem>>)
        %slice3A_42 = vector.extract_strided_slice %sub3A {offsets = [1], sizes = [1], strides = [1]} : vector<16xi32> to vector<1xi32>
        %squeeze3A_43 = vector.extract %slice3A_42[0] : i32 from vector<1xi32>
        %multiple_of3A_44 = tpu.assume_multiple %squeeze3A_43, 8 : i32
        %dma_start3A_45 = arith.constant 1 : i32
        %dma_start3A_46 = arith.constant 0 : i32
        %dma_start3A_47 = arith.constant 0 : i32
        %dma_start3A_48 = tpu.memref_slice %arg6[%dma_start3A_45, %dma_start3A_46, %dma_start3A_47] : memref<16x8x64xf32, #tpu.memory_space<vmem>> -> memref<1x8x64xf32, #tpu.memory_space<vmem>>
        %dma_start3A_49 = tpu.memref_squeeze %dma_start3A_48 : memref<1x8x64xf32, #tpu.memory_space<vmem>> -> memref<8x64xf32, #tpu.memory_space<vmem>>
        %dma_start3A_50 = arith.constant 0 : i32
        %dma_start3A_51 = tpu.memref_slice %arg2[%multiple_of3A_44, %dma_start3A_50] : memref<2600000x64xf32, #tpu.memory_space<hbm>> -> memref<8x64xf32, #tpu.memory_space<hbm>>
        %dma_start3A_52 = arith.constant 0 : i32
        %dma_start3A_53 = arith.constant 0 : i32
        %dma_start3A_54 = tpu.memref_slice %arg6[%dma_start3A_45, %dma_start3A_52, %dma_start3A_53] : memref<16x8x64xf32, #tpu.memory_space<vmem>> -> memref<1x8x64xf32, #tpu.memory_space<vmem>>
        %dma_start3A_55 = tpu.memref_squeeze %dma_start3A_54 : memref<1x8x64xf32, #tpu.memory_space<vmem>> -> memref<8x64xf32, #tpu.memory_space<vmem>>
        %dma_start3A_56 = arith.constant 0 : i32
        %dma_start3A_57 = tpu.memref_slice %arg2[%multiple_of3A_44, %dma_start3A_56] : memref<2600000x64xf32, #tpu.memory_space<hbm>> -> memref<8x64xf32, #tpu.memory_space<hbm>>
        tpu.enqueue_dma source(%dma_start3A_57 : memref<8x64xf32, #tpu.memory_space<hbm>>) target(%dma_start3A_55 : memref<8x64xf32, #tpu.memory_space<vmem>>) target_semaphore(%arg8 : memref<!tpu.dma_semaphore, #tpu.memory_space<semaphore_mem>>)
        %slice3A_58 = vector.extract_strided_slice %sub3A {offsets = [2], sizes = [1], strides = [1]} : vector<16xi32> to vector<1xi32>
        %squeeze3A_59 = vector.extract %slice3A_58[0] : i32 from vector<1xi32>
        %multiple_of3A_60 = tpu.assume_multiple %squeeze3A_59, 8 : i32
        %dma_start3A_61 = arith.constant 2 : i32
        %dma_start3A_62 = arith.constant 0 : i32
        %dma_start3A_63 = arith.constant 0 : i32
        %dma_start3A_64 = tpu.memref_slice %arg6[%dma_start3A_61, %dma_start3A_62, %dma_start3A_63] : memref<16x8x64xf32, #tpu.memory_space<vmem>> -> memref<1x8x64xf32, #tpu.memory_space<vmem>>
        %dma_start3A_65 = tpu.memref_squeeze %dma_start3A_64 : memref<1x8x64xf32, #tpu.memory_space<vmem>> -> memref<8x64xf32, #tpu.memory_space<vmem>>
        %dma_start3A_66 = arith.constant 0 : i32
        %dma_start3A_67 = tpu.memref_slice %arg2[%multiple_of3A_60, %dma_start3A_66] : memref<2600000x64xf32, #tpu.memory_space<hbm>> -> memref<8x64xf32, #tpu.memory_space<hbm>>
        %dma_start3A_68 = arith.constant 0 : i32
        %dma_start3A_69 = arith.constant 0 : i32
        %dma_start3A_70 = tpu.memref_slice %arg6[%dma_start3A_61, %dma_start3A_68, %dma_start3A_69] : memref<16x8x64xf32, #tpu.memory_space<vmem>> -> memref<1x8x64xf32, #tpu.memory_space<vmem>>
        %dma_start3A_71 = tpu.memref_squeeze %dma_start3A_70 : memref<1x8x64xf32, #tpu.memory_space<vmem>> -> memref<8x64xf32, #tpu.memory_space<vmem>>
        %dma_start3A_72 = arith.constant 0 : i32
        %dma_start3A_73 = tpu.memref_slice %arg2[%multiple_of3A_60, %dma_start3A_72] : memref<2600000x64xf32, #tpu.memory_space<hbm>> -> memref<8x64xf32, #tpu.memory_space<hbm>>
        tpu.enqueue_dma source(%dma_start3A_73 : memref<8x64xf32, #tpu.memory_space<hbm>>) target(%dma_start3A_71 : memref<8x64xf32, #tpu.memory_space<vmem>>) target_semaphore(%arg8 : memref<!tpu.dma_semaphore, #tpu.memory_space<semaphore_mem>>)
        %slice3A_74 = vector.extract_strided_slice %sub3A {offsets = [3], sizes = [1], strides = [1]} : vector<16xi32> to vector<1xi32>
        %squeeze3A_75 = vector.extract %slice3A_74[0] : i32 from vector<1xi32>
        %multiple_of3A_76 = tpu.assume_multiple %squeeze3A_75, 8 : i32
        %dma_start3A_77 = arith.constant 3 : i32
        %dma_start3A_78 = arith.constant 0 : i32
        %dma_start3A_79 = arith.constant 0 : i32
        %dma_start3A_80 = tpu.memref_slice %arg6[%dma_start3A_77, %dma_start3A_78, %dma_start3A_79] : memref<16x8x64xf32, #tpu.memory_space<vmem>> -> memref<1x8x64xf32, #tpu.memory_space<vmem>>
        %dma_start3A_81 = tpu.memref_squeeze %dma_start3A_80 : memref<1x8x64xf32, #tpu.memory_space<vmem>> -> memref<8x64xf32, #tpu.memory_space<vmem>>
        %dma_start3A_82 = arith.constant 0 : i32
        %dma_start3A_83 = tpu.memref_slice %arg2[%multiple_of3A_76, %dma_start3A_82] : memref<2600000x64xf32, #tpu.memory_space<hbm>> -> memref<8x64xf32, #tpu.memory_space<hbm>>
        %dma_start3A_84 = arith.constant 0 : i32
        %dma_start3A_85 = arith.constant 0 : i32
        %dma_start3A_86 = tpu.memref_slice %arg6[%dma_start3A_77, %dma_start3A_84, %dma_start3A_85] : memref<16x8x64xf32, #tpu.memory_space<vmem>> -> memref<1x8x64xf32, #tpu.memory_space<vmem>>
        %dma_start3A_87 = tpu.memref_squeeze %dma_start3A_86 : memref<1x8x64xf32, #tpu.memory_space<vmem>> -> memref<8x64xf32, #tpu.memory_space<vmem>>
        %dma_start3A_88 = arith.constant 0 : i32
        %dma_start3A_89 = tpu.memref_slice %arg2[%multiple_of3A_76, %dma_start3A_88] : memref<2600000x64xf32, #tpu.memory_space<hbm>> -> memref<8x64xf32, #tpu.memory_space<hbm>>
        tpu.enqueue_dma source(%dma_start3A_89 : memref<8x64xf32, #tpu.memory_space<hbm>>) target(%dma_start3A_87 : memref<8x64xf32, #tpu.memory_space<vmem>>) target_semaphore(%arg8 : memref<!tpu.dma_semaphore, #tpu.memory_space<semaphore_mem>>)
        %slice3A_90 = vector.extract_strided_slice %sub3A {offsets = [4], sizes = [1], strides = [1]} : vector<16xi32> to vector<1xi32>
        %squeeze3A_91 = vector.extract %slice3A_90[0] : i32 from vector<1xi32>
        %multiple_of3A_92 = tpu.assume_multiple %squeeze3A_91, 8 : i32
        %dma_start3A_93 = arith.constant 4 : i32
        %dma_start3A_94 = arith.constant 0 : i32
        %dma_start3A_95 = arith.constant 0 : i32
        %dma_start3A_96 = tpu.memref_slice %arg6[%dma_start3A_93, %dma_start3A_94, %dma_start3A_95] : memref<16x8x64xf32, #tpu.memory_space<vmem>> -> memref<1x8x64xf32, #tpu.memory_space<vmem>>
        %dma_start3A_97 = tpu.memref_squeeze %dma_start3A_96 : memref<1x8x64xf32, #tpu.memory_space<vmem>> -> memref<8x64xf32, #tpu.memory_space<vmem>>
        %dma_start3A_98 = arith.constant 0 : i32
        %dma_start3A_99 = tpu.memref_slice %arg2[%multiple_of3A_92, %dma_start3A_98] : memref<2600000x64xf32, #tpu.memory_space<hbm>> -> memref<8x64xf32, #tpu.memory_space<hbm>>
        %dma_start3A_100 = arith.constant 0 : i32
        %dma_start3A_101 = arith.constant 0 : i32
        %dma_start3A_102 = tpu.memref_slice %arg6[%dma_start3A_93, %dma_start3A_100, %dma_start3A_101] : memref<16x8x64xf32, #tpu.memory_space<vmem>> -> memref<1x8x64xf32, #tpu.memory_space<vmem>>
        %dma_start3A_103 = tpu.memref_squeeze %dma_start3A_102 : memref<1x8x64xf32, #tpu.memory_space<vmem>> -> memref<8x64xf32, #tpu.memory_space<vmem>>
        %dma_start3A_104 = arith.constant 0 : i32
        %dma_start3A_105 = tpu.memref_slice %arg2[%multiple_of3A_92, %dma_start3A_104] : memref<2600000x64xf32, #tpu.memory_space<hbm>> -> memref<8x64xf32, #tpu.memory_space<hbm>>
        tpu.enqueue_dma source(%dma_start3A_105 : memref<8x64xf32, #tpu.memory_space<hbm>>) target(%dma_start3A_103 : memref<8x64xf32, #tpu.memory_space<vmem>>) target_semaphore(%arg8 : memref<!tpu.dma_semaphore, #tpu.memory_space<semaphore_mem>>)
        %slice3A_106 = vector.extract_strided_slice %sub3A {offsets = [5], sizes = [1], strides = [1]} : vector<16xi32> to vector<1xi32>
        %squeeze3A_107 = vector.extract %slice3A_106[0] : i32 from vector<1xi32>
        %multiple_of3A_108 = tpu.assume_multiple %squeeze3A_107, 8 : i32
        %dma_start3A_109 = arith.constant 5 : i32
        %dma_start3A_110 = arith.constant 0 : i32
        %dma_start3A_111 = arith.constant 0 : i32
        %dma_start3A_112 = tpu.memref_slice %arg6[%dma_start3A_109, %dma_start3A_110, %dma_start3A_111] : memref<16x8x64xf32, #tpu.memory_space<vmem>> -> memref<1x8x64xf32, #tpu.memory_space<vmem>>
        %dma_start3A_113 = tpu.memref_squeeze %dma_start3A_112 : memref<1x8x64xf32, #tpu.memory_space<vmem>> -> memref<8x64xf32, #tpu.memory_space<vmem>>
        %dma_start3A_114 = arith.constant 0 : i32
        %dma_start3A_115 = tpu.memref_slice %arg2[%multiple_of3A_108, %dma_start3A_114] : memref<2600000x64xf32, #tpu.memory_space<hbm>> -> memref<8x64xf32, #tpu.memory_space<hbm>>
        %dma_start3A_116 = arith.constant 0 : i32
        %dma_start3A_117 = arith.constant 0 : i32
        %dma_start3A_118 = tpu.memref_slice %arg6[%dma_start3A_109, %dma_start3A_116, %dma_start3A_117] : memref<16x8x64xf32, #tpu.memory_space<vmem>> -> memref<1x8x64xf32, #tpu.memory_space<vmem>>
        %dma_start3A_119 = tpu.memref_squeeze %dma_start3A_118 : memref<1x8x64xf32, #tpu.memory_space<vmem>> -> memref<8x64xf32, #tpu.memory_space<vmem>>
        %dma_start3A_120 = arith.constant 0 : i32
        %dma_start3A_121 = tpu.memref_slice %arg2[%multiple_of3A_108, %dma_start3A_120] : memref<2600000x64xf32, #tpu.memory_space<hbm>> -> memref<8x64xf32, #tpu.memory_space<hbm>>
        tpu.enqueue_dma source(%dma_start3A_121 : memref<8x64xf32, #tpu.memory_space<hbm>>) target(%dma_start3A_119 : memref<8x64xf32, #tpu.memory_space<vmem>>) target_semaphore(%arg8 : memref<!tpu.dma_semaphore, #tpu.memory_space<semaphore_mem>>)
        %slice3A_122 = vector.extract_strided_slice %sub3A {offsets = [6], sizes = [1], strides = [1]} : vector<16xi32> to vector<1xi32>
        %squeeze3A_123 = vector.extract %slice3A_122[0] : i32 from vector<1xi32>
        %multiple_of3A_124 = tpu.assume_multiple %squeeze3A_123, 8 : i32
        %dma_start3A_125 = arith.constant 6 : i32
        %dma_start3A_126 = arith.constant 0 : i32
        %dma_start3A_127 = arith.constant 0 : i32
        %dma_start3A_128 = tpu.memref_slice %arg6[%dma_start3A_125, %dma_start3A_126, %dma_start3A_127] : memref<16x8x64xf32, #tpu.memory_space<vmem>> -> memref<1x8x64xf32, #tpu.memory_space<vmem>>
        %dma_start3A_129 = tpu.memref_squeeze %dma_start3A_128 : memref<1x8x64xf32, #tpu.memory_space<vmem>> -> memref<8x64xf32, #tpu.memory_space<vmem>>
        %dma_start3A_130 = arith.constant 0 : i32
        %dma_start3A_131 = tpu.memref_slice %arg2[%multiple_of3A_124, %dma_start3A_130] : memref<2600000x64xf32, #tpu.memory_space<hbm>> -> memref<8x64xf32, #tpu.memory_space<hbm>>
        %dma_start3A_132 = arith.constant 0 : i32
        %dma_start3A_133 = arith.constant 0 : i32
        %dma_start3A_134 = tpu.memref_slice %arg6[%dma_start3A_125, %dma_start3A_132, %dma_start3A_133] : memref<16x8x64xf32, #tpu.memory_space<vmem>> -> memref<1x8x64xf32, #tpu.memory_space<vmem>>
        %dma_start3A_135 = tpu.memref_squeeze %dma_start3A_134 : memref<1x8x64xf32, #tpu.memory_space<vmem>> -> memref<8x64xf32, #tpu.memory_space<vmem>>
        %dma_start3A_136 = arith.constant 0 : i32
        %dma_start3A_137 = tpu.memref_slice %arg2[%multiple_of3A_124, %dma_start3A_136] : memref<2600000x64xf32, #tpu.memory_space<hbm>> -> memref<8x64xf32, #tpu.memory_space<hbm>>
        tpu.enqueue_dma source(%dma_start3A_137 : memref<8x64xf32, #tpu.memory_space<hbm>>) target(%dma_start3A_135 : memref<8x64xf32, #tpu.memory_space<vmem>>) target_semaphore(%arg8 : memref<!tpu.dma_semaphore, #tpu.memory_space<semaphore_mem>>)
        %slice3A_138 = vector.extract_strided_slice %sub3A {offsets = [7], sizes = [1], strides = [1]} : vector<16xi32> to vector<1xi32>
        %squeeze3A_139 = vector.extract %slice3A_138[0] : i32 from vector<1xi32>
        %multiple_of3A_140 = tpu.assume_multiple %squeeze3A_139, 8 : i32
        %dma_start3A_141 = arith.constant 7 : i32
        %dma_start3A_142 = arith.constant 0 : i32
        %dma_start3A_143 = arith.constant 0 : i32
        %dma_start3A_144 = tpu.memref_slice %arg6[%dma_start3A_141, %dma_start3A_142, %dma_start3A_143] : memref<16x8x64xf32, #tpu.memory_space<vmem>> -> memref<1x8x64xf32, #tpu.memory_space<vmem>>
        %dma_start3A_145 = tpu.memref_squeeze %dma_start3A_144 : memref<1x8x64xf32, #tpu.memory_space<vmem>> -> memref<8x64xf32, #tpu.memory_space<vmem>>
        %dma_start3A_146 = arith.constant 0 : i32
        %dma_start3A_147 = tpu.memref_slice %arg2[%multiple_of3A_140, %dma_start3A_146] : memref<2600000x64xf32, #tpu.memory_space<hbm>> -> memref<8x64xf32, #tpu.memory_space<hbm>>
        %dma_start3A_148 = arith.constant 0 : i32
        %dma_start3A_149 = arith.constant 0 : i32
        %dma_start3A_150 = tpu.memref_slice %arg6[%dma_start3A_141, %dma_start3A_148, %dma_start3A_149] : memref<16x8x64xf32, #tpu.memory_space<vmem>> -> memref<1x8x64xf32, #tpu.memory_space<vmem>>
        %dma_start3A_151 = tpu.memref_squeeze %dma_start3A_150 : memref<1x8x64xf32, #tpu.memory_space<vmem>> -> memref<8x64xf32, #tpu.memory_space<vmem>>
        %dma_start3A_152 = arith.constant 0 : i32
        %dma_start3A_153 = tpu.memref_slice %arg2[%multiple_of3A_140, %dma_start3A_152] : memref<2600000x64xf32, #tpu.memory_space<hbm>> -> memref<8x64xf32, #tpu.memory_space<hbm>>
        tpu.enqueue_dma source(%dma_start3A_153 : memref<8x64xf32, #tpu.memory_space<hbm>>) target(%dma_start3A_151 : memref<8x64xf32, #tpu.memory_space<vmem>>) target_semaphore(%arg8 : memref<!tpu.dma_semaphore, #tpu.memory_space<semaphore_mem>>)
        %slice3A_154 = vector.extract_strided_slice %sub3A {offsets = [8], sizes = [1], strides = [1]} : vector<16xi32> to vector<1xi32>
        %squeeze3A_155 = vector.extract %slice3A_154[0] : i32 from vector<1xi32>
        %multiple_of3A_156 = tpu.assume_multiple %squeeze3A_155, 8 : i32
        %dma_start3A_157 = arith.constant 8 : i32
        %dma_start3A_158 = arith.constant 0 : i32
        %dma_start3A_159 = arith.constant 0 : i32
        %dma_start3A_160 = tpu.memref_slice %arg6[%dma_start3A_157, %dma_start3A_158, %dma_start3A_159] : memref<16x8x64xf32, #tpu.memory_space<vmem>> -> memref<1x8x64xf32, #tpu.memory_space<vmem>>
        %dma_start3A_161 = tpu.memref_squeeze %dma_start3A_160 : memref<1x8x64xf32, #tpu.memory_space<vmem>> -> memref<8x64xf32, #tpu.memory_space<vmem>>
        %dma_start3A_162 = arith.constant 0 : i32
        %dma_start3A_163 = tpu.memref_slice %arg2[%multiple_of3A_156, %dma_start3A_162] : memref<2600000x64xf32, #tpu.memory_space<hbm>> -> memref<8x64xf32, #tpu.memory_space<hbm>>
        %dma_start3A_164 = arith.constant 0 : i32
        %dma_start3A_165 = arith.constant 0 : i32
        %dma_start3A_166 = tpu.memref_slice %arg6[%dma_start3A_157, %dma_start3A_164, %dma_start3A_165] : memref<16x8x64xf32, #tpu.memory_space<vmem>> -> memref<1x8x64xf32, #tpu.memory_space<vmem>>
        %dma_start3A_167 = tpu.memref_squeeze %dma_start3A_166 : memref<1x8x64xf32, #tpu.memory_space<vmem>> -> memref<8x64xf32, #tpu.memory_space<vmem>>
        %dma_start3A_168 = arith.constant 0 : i32
        %dma_start3A_169 = tpu.memref_slice %arg2[%multiple_of3A_156, %dma_start3A_168] : memref<2600000x64xf32, #tpu.memory_space<hbm>> -> memref<8x64xf32, #tpu.memory_space<hbm>>
        tpu.enqueue_dma source(%dma_start3A_169 : memref<8x64xf32, #tpu.memory_space<hbm>>) target(%dma_start3A_167 : memref<8x64xf32, #tpu.memory_space<vmem>>) target_semaphore(%arg8 : memref<!tpu.dma_semaphore, #tpu.memory_space<semaphore_mem>>)
        %slice3A_170 = vector.extract_strided_slice %sub3A {offsets = [9], sizes = [1], strides = [1]} : vector<16xi32> to vector<1xi32>
        %squeeze3A_171 = vector.extract %slice3A_170[0] : i32 from vector<1xi32>
        %multiple_of3A_172 = tpu.assume_multiple %squeeze3A_171, 8 : i32
        %dma_start3A_173 = arith.constant 9 : i32
        %dma_start3A_174 = arith.constant 0 : i32
        %dma_start3A_175 = arith.constant 0 : i32
        %dma_start3A_176 = tpu.memref_slice %arg6[%dma_start3A_173, %dma_start3A_174, %dma_start3A_175] : memref<16x8x64xf32, #tpu.memory_space<vmem>> -> memref<1x8x64xf32, #tpu.memory_space<vmem>>
        %dma_start3A_177 = tpu.memref_squeeze %dma_start3A_176 : memref<1x8x64xf32, #tpu.memory_space<vmem>> -> memref<8x64xf32, #tpu.memory_space<vmem>>
        %dma_start3A_178 = arith.constant 0 : i32
        %dma_start3A_179 = tpu.memref_slice %arg2[%multiple_of3A_172, %dma_start3A_178] : memref<2600000x64xf32, #tpu.memory_space<hbm>> -> memref<8x64xf32, #tpu.memory_space<hbm>>
        %dma_start3A_180 = arith.constant 0 : i32
        %dma_start3A_181 = arith.constant 0 : i32
        %dma_start3A_182 = tpu.memref_slice %arg6[%dma_start3A_173, %dma_start3A_180, %dma_start3A_181] : memref<16x8x64xf32, #tpu.memory_space<vmem>> -> memref<1x8x64xf32, #tpu.memory_space<vmem>>
        %dma_start3A_183 = tpu.memref_squeeze %dma_start3A_182 : memref<1x8x64xf32, #tpu.memory_space<vmem>> -> memref<8x64xf32, #tpu.memory_space<vmem>>
        %dma_start3A_184 = arith.constant 0 : i32
        %dma_start3A_185 = tpu.memref_slice %arg2[%multiple_of3A_172, %dma_start3A_184] : memref<2600000x64xf32, #tpu.memory_space<hbm>> -> memref<8x64xf32, #tpu.memory_space<hbm>>
        tpu.enqueue_dma source(%dma_start3A_185 : memref<8x64xf32, #tpu.memory_space<hbm>>) target(%dma_start3A_183 : memref<8x64xf32, #tpu.memory_space<vmem>>) target_semaphore(%arg8 : memref<!tpu.dma_semaphore, #tpu.memory_space<semaphore_mem>>)
        %slice3A_186 = vector.extract_strided_slice %sub3A {offsets = [10], sizes = [1], strides = [1]} : vector<16xi32> to vector<1xi32>
        %squeeze3A_187 = vector.extract %slice3A_186[0] : i32 from vector<1xi32>
        %multiple_of3A_188 = tpu.assume_multiple %squeeze3A_187, 8 : i32
        %dma_start3A_189 = arith.constant 10 : i32
        %dma_start3A_190 = arith.constant 0 : i32
        %dma_start3A_191 = arith.constant 0 : i32
        %dma_start3A_192 = tpu.memref_slice %arg6[%dma_start3A_189, %dma_start3A_190, %dma_start3A_191] : memref<16x8x64xf32, #tpu.memory_space<vmem>> -> memref<1x8x64xf32, #tpu.memory_space<vmem>>
        %dma_start3A_193 = tpu.memref_squeeze %dma_start3A_192 : memref<1x8x64xf32, #tpu.memory_space<vmem>> -> memref<8x64xf32, #tpu.memory_space<vmem>>
        %dma_start3A_194 = arith.constant 0 : i32
        %dma_start3A_195 = tpu.memref_slice %arg2[%multiple_of3A_188, %dma_start3A_194] : memref<2600000x64xf32, #tpu.memory_space<hbm>> -> memref<8x64xf32, #tpu.memory_space<hbm>>
        %dma_start3A_196 = arith.constant 0 : i32
        %dma_start3A_197 = arith.constant 0 : i32
        %dma_start3A_198 = tpu.memref_slice %arg6[%dma_start3A_189, %dma_start3A_196, %dma_start3A_197] : memref<16x8x64xf32, #tpu.memory_space<vmem>> -> memref<1x8x64xf32, #tpu.memory_space<vmem>>
        %dma_start3A_199 = tpu.memref_squeeze %dma_start3A_198 : memref<1x8x64xf32, #tpu.memory_space<vmem>> -> memref<8x64xf32, #tpu.memory_space<vmem>>
        %dma_start3A_200 = arith.constant 0 : i32
        %dma_start3A_201 = tpu.memref_slice %arg2[%multiple_of3A_188, %dma_start3A_200] : memref<2600000x64xf32, #tpu.memory_space<hbm>> -> memref<8x64xf32, #tpu.memory_space<hbm>>
        tpu.enqueue_dma source(%dma_start3A_201 : memref<8x64xf32, #tpu.memory_space<hbm>>) target(%dma_start3A_199 : memref<8x64xf32, #tpu.memory_space<vmem>>) target_semaphore(%arg8 : memref<!tpu.dma_semaphore, #tpu.memory_space<semaphore_mem>>)
        %slice3A_202 = vector.extract_strided_slice %sub3A {offsets = [11], sizes = [1], strides = [1]} : vector<16xi32> to vector<1xi32>
        %squeeze3A_203 = vector.extract %slice3A_202[0] : i32 from vector<1xi32>
        %multiple_of3A_204 = tpu.assume_multiple %squeeze3A_203, 8 : i32
        %dma_start3A_205 = arith.constant 11 : i32
        %dma_start3A_206 = arith.constant 0 : i32
        %dma_start3A_207 = arith.constant 0 : i32
        %dma_start3A_208 = tpu.memref_slice %arg6[%dma_start3A_205, %dma_start3A_206, %dma_start3A_207] : memref<16x8x64xf32, #tpu.memory_space<vmem>> -> memref<1x8x64xf32, #tpu.memory_space<vmem>>
        %dma_start3A_209 = tpu.memref_squeeze %dma_start3A_208 : memref<1x8x64xf32, #tpu.memory_space<vmem>> -> memref<8x64xf32, #tpu.memory_space<vmem>>
        %dma_start3A_210 = arith.constant 0 : i32
        %dma_start3A_211 = tpu.memref_slice %arg2[%multiple_of3A_204, %dma_start3A_210] : memref<2600000x64xf32, #tpu.memory_space<hbm>> -> memref<8x64xf32, #tpu.memory_space<hbm>>
        %dma_start3A_212 = arith.constant 0 : i32
        %dma_start3A_213 = arith.constant 0 : i32
        %dma_start3A_214 = tpu.memref_slice %arg6[%dma_start3A_205, %dma_start3A_212, %dma_start3A_213] : memref<16x8x64xf32, #tpu.memory_space<vmem>> -> memref<1x8x64xf32, #tpu.memory_space<vmem>>
        %dma_start3A_215 = tpu.memref_squeeze %dma_start3A_214 : memref<1x8x64xf32, #tpu.memory_space<vmem>> -> memref<8x64xf32, #tpu.memory_space<vmem>>
        %dma_start3A_216 = arith.constant 0 : i32
        %dma_start3A_217 = tpu.memref_slice %arg2[%multiple_of3A_204, %dma_start3A_216] : memref<2600000x64xf32, #tpu.memory_space<hbm>> -> memref<8x64xf32, #tpu.memory_space<hbm>>
        tpu.enqueue_dma source(%dma_start3A_217 : memref<8x64xf32, #tpu.memory_space<hbm>>) target(%dma_start3A_215 : memref<8x64xf32, #tpu.memory_space<vmem>>) target_semaphore(%arg8 : memref<!tpu.dma_semaphore, #tpu.memory_space<semaphore_mem>>)
        %slice3A_218 = vector.extract_strided_slice %sub3A {offsets = [12], sizes = [1], strides = [1]} : vector<16xi32> to vector<1xi32>
        %squeeze3A_219 = vector.extract %slice3A_218[0] : i32 from vector<1xi32>
        %multiple_of3A_220 = tpu.assume_multiple %squeeze3A_219, 8 : i32
        %dma_start3A_221 = arith.constant 12 : i32
        %dma_start3A_222 = arith.constant 0 : i32
        %dma_start3A_223 = arith.constant 0 : i32
        %dma_start3A_224 = tpu.memref_slice %arg6[%dma_start3A_221, %dma_start3A_222, %dma_start3A_223] : memref<16x8x64xf32, #tpu.memory_space<vmem>> -> memref<1x8x64xf32, #tpu.memory_space<vmem>>
        %dma_start3A_225 = tpu.memref_squeeze %dma_start3A_224 : memref<1x8x64xf32, #tpu.memory_space<vmem>> -> memref<8x64xf32, #tpu.memory_space<vmem>>
        %dma_start3A_226 = arith.constant 0 : i32
        %dma_start3A_227 = tpu.memref_slice %arg2[%multiple_of3A_220, %dma_start3A_226] : memref<2600000x64xf32, #tpu.memory_space<hbm>> -> memref<8x64xf32, #tpu.memory_space<hbm>>
        %dma_start3A_228 = arith.constant 0 : i32
        %dma_start3A_229 = arith.constant 0 : i32
        %dma_start3A_230 = tpu.memref_slice %arg6[%dma_start3A_221, %dma_start3A_228, %dma_start3A_229] : memref<16x8x64xf32, #tpu.memory_space<vmem>> -> memref<1x8x64xf32, #tpu.memory_space<vmem>>
        %dma_start3A_231 = tpu.memref_squeeze %dma_start3A_230 : memref<1x8x64xf32, #tpu.memory_space<vmem>> -> memref<8x64xf32, #tpu.memory_space<vmem>>
        %dma_start3A_232 = arith.constant 0 : i32
        %dma_start3A_233 = tpu.memref_slice %arg2[%multiple_of3A_220, %dma_start3A_232] : memref<2600000x64xf32, #tpu.memory_space<hbm>> -> memref<8x64xf32, #tpu.memory_space<hbm>>
        tpu.enqueue_dma source(%dma_start3A_233 : memref<8x64xf32, #tpu.memory_space<hbm>>) target(%dma_start3A_231 : memref<8x64xf32, #tpu.memory_space<vmem>>) target_semaphore(%arg8 : memref<!tpu.dma_semaphore, #tpu.memory_space<semaphore_mem>>)
        %slice3A_234 = vector.extract_strided_slice %sub3A {offsets = [13], sizes = [1], strides = [1]} : vector<16xi32> to vector<1xi32>
        %squeeze3A_235 = vector.extract %slice3A_234[0] : i32 from vector<1xi32>
        %multiple_of3A_236 = tpu.assume_multiple %squeeze3A_235, 8 : i32
        %dma_start3A_237 = arith.constant 13 : i32
        %dma_start3A_238 = arith.constant 0 : i32
        %dma_start3A_239 = arith.constant 0 : i32
        %dma_start3A_240 = tpu.memref_slice %arg6[%dma_start3A_237, %dma_start3A_238, %dma_start3A_239] : memref<16x8x64xf32, #tpu.memory_space<vmem>> -> memref<1x8x64xf32, #tpu.memory_space<vmem>>
        %dma_start3A_241 = tpu.memref_squeeze %dma_start3A_240 : memref<1x8x64xf32, #tpu.memory_space<vmem>> -> memref<8x64xf32, #tpu.memory_space<vmem>>
        %dma_start3A_242 = arith.constant 0 : i32
        %dma_start3A_243 = tpu.memref_slice %arg2[%multiple_of3A_236, %dma_start3A_242] : memref<2600000x64xf32, #tpu.memory_space<hbm>> -> memref<8x64xf32, #tpu.memory_space<hbm>>
        %dma_start3A_244 = arith.constant 0 : i32
        %dma_start3A_245 = arith.constant 0 : i32
        %dma_start3A_246 = tpu.memref_slice %arg6[%dma_start3A_237, %dma_start3A_244, %dma_start3A_245] : memref<16x8x64xf32, #tpu.memory_space<vmem>> -> memref<1x8x64xf32, #tpu.memory_space<vmem>>
        %dma_start3A_247 = tpu.memref_squeeze %dma_start3A_246 : memref<1x8x64xf32, #tpu.memory_space<vmem>> -> memref<8x64xf32, #tpu.memory_space<vmem>>
        %dma_start3A_248 = arith.constant 0 : i32
        %dma_start3A_249 = tpu.memref_slice %arg2[%multiple_of3A_236, %dma_start3A_248] : memref<2600000x64xf32, #tpu.memory_space<hbm>> -> memref<8x64xf32, #tpu.memory_space<hbm>>
        tpu.enqueue_dma source(%dma_start3A_249 : memref<8x64xf32, #tpu.memory_space<hbm>>) target(%dma_start3A_247 : memref<8x64xf32, #tpu.memory_space<vmem>>) target_semaphore(%arg8 : memref<!tpu.dma_semaphore, #tpu.memory_space<semaphore_mem>>)
        %slice3A_250 = vector.extract_strided_slice %sub3A {offsets = [14], sizes = [1], strides = [1]} : vector<16xi32> to vector<1xi32>
        %squeeze3A_251 = vector.extract %slice3A_250[0] : i32 from vector<1xi32>
        %multiple_of3A_252 = tpu.assume_multiple %squeeze3A_251, 8 : i32
        %dma_start3A_253 = arith.constant 14 : i32
        %dma_start3A_254 = arith.constant 0 : i32
        %dma_start3A_255 = arith.constant 0 : i32
        %dma_start3A_256 = tpu.memref_slice %arg6[%dma_start3A_253, %dma_start3A_254, %dma_start3A_255] : memref<16x8x64xf32, #tpu.memory_space<vmem>> -> memref<1x8x64xf32, #tpu.memory_space<vmem>>
        %dma_start3A_257 = tpu.memref_squeeze %dma_start3A_256 : memref<1x8x64xf32, #tpu.memory_space<vmem>> -> memref<8x64xf32, #tpu.memory_space<vmem>>
        %dma_start3A_258 = arith.constant 0 : i32
        %dma_start3A_259 = tpu.memref_slice %arg2[%multiple_of3A_252, %dma_start3A_258] : memref<2600000x64xf32, #tpu.memory_space<hbm>> -> memref<8x64xf32, #tpu.memory_space<hbm>>
        %dma_start3A_260 = arith.constant 0 : i32
        %dma_start3A_261 = arith.constant 0 : i32
        %dma_start3A_262 = tpu.memref_slice %arg6[%dma_start3A_253, %dma_start3A_260, %dma_start3A_261] : memref<16x8x64xf32, #tpu.memory_space<vmem>> -> memref<1x8x64xf32, #tpu.memory_space<vmem>>
        %dma_start3A_263 = tpu.memref_squeeze %dma_start3A_262 : memref<1x8x64xf32, #tpu.memory_space<vmem>> -> memref<8x64xf32, #tpu.memory_space<vmem>>
        %dma_start3A_264 = arith.constant 0 : i32
        %dma_start3A_265 = tpu.memref_slice %arg2[%multiple_of3A_252, %dma_start3A_264] : memref<2600000x64xf32, #tpu.memory_space<hbm>> -> memref<8x64xf32, #tpu.memory_space<hbm>>
        tpu.enqueue_dma source(%dma_start3A_265 : memref<8x64xf32, #tpu.memory_space<hbm>>) target(%dma_start3A_263 : memref<8x64xf32, #tpu.memory_space<vmem>>) target_semaphore(%arg8 : memref<!tpu.dma_semaphore, #tpu.memory_space<semaphore_mem>>)
        %slice3A_266 = vector.extract_strided_slice %sub3A {offsets = [15], sizes = [1], strides = [1]} : vector<16xi32> to vector<1xi32>
        %squeeze3A_267 = vector.extract %slice3A_266[0] : i32 from vector<1xi32>
        %multiple_of3A_268 = tpu.assume_multiple %squeeze3A_267, 8 : i32
        %dma_start3A_269 = arith.constant 15 : i32
        %dma_start3A_270 = arith.constant 0 : i32
        %dma_start3A_271 = arith.constant 0 : i32
        %dma_start3A_272 = tpu.memref_slice %arg6[%dma_start3A_269, %dma_start3A_270, %dma_start3A_271] : memref<16x8x64xf32, #tpu.memory_space<vmem>> -> memref<1x8x64xf32, #tpu.memory_space<vmem>>
        %dma_start3A_273 = tpu.memref_squeeze %dma_start3A_272 : memref<1x8x64xf32, #tpu.memory_space<vmem>> -> memref<8x64xf32, #tpu.memory_space<vmem>>
        %dma_start3A_274 = arith.constant 0 : i32
        %dma_start3A_275 = tpu.memref_slice %arg2[%multiple_of3A_268, %dma_start3A_274] : memref<2600000x64xf32, #tpu.memory_space<hbm>> -> memref<8x64xf32, #tpu.memory_space<hbm>>
        %dma_start3A_276 = arith.constant 0 : i32
        %dma_start3A_277 = arith.constant 0 : i32
        %dma_start3A_278 = tpu.memref_slice %arg6[%dma_start3A_269, %dma_start3A_276, %dma_start3A_277] : memref<16x8x64xf32, #tpu.memory_space<vmem>> -> memref<1x8x64xf32, #tpu.memory_space<vmem>>
        %dma_start3A_279 = tpu.memref_squeeze %dma_start3A_278 : memref<1x8x64xf32, #tpu.memory_space<vmem>> -> memref<8x64xf32, #tpu.memory_space<vmem>>
        %dma_start3A_280 = arith.constant 0 : i32
        %dma_start3A_281 = tpu.memref_slice %arg2[%multiple_of3A_268, %dma_start3A_280] : memref<2600000x64xf32, #tpu.memory_space<hbm>> -> memref<8x64xf32, #tpu.memory_space<hbm>>
        tpu.enqueue_dma source(%dma_start3A_281 : memref<8x64xf32, #tpu.memory_space<hbm>>) target(%dma_start3A_279 : memref<8x64xf32, #tpu.memory_space<vmem>>) target_semaphore(%arg8 : memref<!tpu.dma_semaphore, #tpu.memory_space<semaphore_mem>>)
        %slice3A_282 = vector.extract_strided_slice %sub3A {offsets = [0], sizes = [1], strides = [1]} : vector<16xi32> to vector<1xi32>
        %squeeze3A_283 = vector.extract %slice3A_282[0] : i32 from vector<1xi32>
        %multiple_of3A_284 = tpu.assume_multiple %squeeze3A_283, 8 : i32
        %dma_wait3A = arith.constant 0 : i32
        %dma_wait3A_285 = arith.constant 0 : i32
        %dma_wait3A_286 = arith.constant 0 : i32
        %dma_wait3A_287 = tpu.memref_slice %arg6[%dma_wait3A, %dma_wait3A_285, %dma_wait3A_286] : memref<16x8x64xf32, #tpu.memory_space<vmem>> -> memref<1x8x64xf32, #tpu.memory_space<vmem>>
        %dma_wait3A_288 = tpu.memref_squeeze %dma_wait3A_287 : memref<1x8x64xf32, #tpu.memory_space<vmem>> -> memref<8x64xf32, #tpu.memory_space<vmem>>
        %dma_wait3A_289 = arith.constant 0 : i32
        %dma_wait3A_290 = tpu.memref_slice %arg2[%multiple_of3A_284, %dma_wait3A_289] : memref<2600000x64xf32, #tpu.memory_space<hbm>> -> memref<8x64xf32, #tpu.memory_space<hbm>>
        %dma_wait3A_291 = arith.constant 0 : i32
        %dma_wait3A_292 = arith.constant 0 : i32
        %dma_wait3A_293 = tpu.memref_slice %arg6[%dma_wait3A, %dma_wait3A_291, %dma_wait3A_292] : memref<16x8x64xf32, #tpu.memory_space<vmem>> -> memref<1x8x64xf32, #tpu.memory_space<vmem>>
        %dma_wait3A_294 = tpu.memref_squeeze %dma_wait3A_293 : memref<1x8x64xf32, #tpu.memory_space<vmem>> -> memref<8x64xf32, #tpu.memory_space<vmem>>
        %dma_wait3A_295 = arith.constant 0 : i32
        %dma_wait3A_296 = tpu.memref_slice %arg2[%multiple_of3A_284, %dma_wait3A_295] : memref<2600000x64xf32, #tpu.memory_space<hbm>> -> memref<8x64xf32, #tpu.memory_space<hbm>>
        tpu.wait_dma2 semaphore(%arg8 : memref<!tpu.dma_semaphore, #tpu.memory_space<semaphore_mem>>) src(%dma_wait3A_296 : memref<8x64xf32, #tpu.memory_space<hbm>>) dst(%dma_wait3A_294 : memref<8x64xf32, #tpu.memory_space<vmem>>)
        %slice3A_297 = vector.extract_strided_slice %sub3A {offsets = [1], sizes = [1], strides = [1]} : vector<16xi32> to vector<1xi32>
        %squeeze3A_298 = vector.extract %slice3A_297[0] : i32 from vector<1xi32>
        %multiple_of3A_299 = tpu.assume_multiple %squeeze3A_298, 8 : i32
        %dma_wait3A_300 = arith.constant 1 : i32
        %dma_wait3A_301 = arith.constant 0 : i32
        %dma_wait3A_302 = arith.constant 0 : i32
        %dma_wait3A_303 = tpu.memref_slice %arg6[%dma_wait3A_300, %dma_wait3A_301, %dma_wait3A_302] : memref<16x8x64xf32, #tpu.memory_space<vmem>> -> memref<1x8x64xf32, #tpu.memory_space<vmem>>
        %dma_wait3A_304 = tpu.memref_squeeze %dma_wait3A_303 : memref<1x8x64xf32, #tpu.memory_space<vmem>> -> memref<8x64xf32, #tpu.memory_space<vmem>>
        %dma_wait3A_305 = arith.constant 0 : i32
        %dma_wait3A_306 = tpu.memref_slice %arg2[%multiple_of3A_299, %dma_wait3A_305] : memref<2600000x64xf32, #tpu.memory_space<hbm>> -> memref<8x64xf32, #tpu.memory_space<hbm>>
        %dma_wait3A_307 = arith.constant 0 : i32
        %dma_wait3A_308 = arith.constant 0 : i32
        %dma_wait3A_309 = tpu.memref_slice %arg6[%dma_wait3A_300, %dma_wait3A_307, %dma_wait3A_308] : memref<16x8x64xf32, #tpu.memory_space<vmem>> -> memref<1x8x64xf32, #tpu.memory_space<vmem>>
        %dma_wait3A_310 = tpu.memref_squeeze %dma_wait3A_309 : memref<1x8x64xf32, #tpu.memory_space<vmem>> -> memref<8x64xf32, #tpu.memory_space<vmem>>
        %dma_wait3A_311 = arith.constant 0 : i32
        %dma_wait3A_312 = tpu.memref_slice %arg2[%multiple_of3A_299, %dma_wait3A_311] : memref<2600000x64xf32, #tpu.memory_space<hbm>> -> memref<8x64xf32, #tpu.memory_space<hbm>>
        tpu.wait_dma2 semaphore(%arg8 : memref<!tpu.dma_semaphore, #tpu.memory_space<semaphore_mem>>) src(%dma_wait3A_312 : memref<8x64xf32, #tpu.memory_space<hbm>>) dst(%dma_wait3A_310 : memref<8x64xf32, #tpu.memory_space<vmem>>)
        %slice3A_313 = vector.extract_strided_slice %sub3A {offsets = [2], sizes = [1], strides = [1]} : vector<16xi32> to vector<1xi32>
        %squeeze3A_314 = vector.extract %slice3A_313[0] : i32 from vector<1xi32>
        %multiple_of3A_315 = tpu.assume_multiple %squeeze3A_314, 8 : i32
        %dma_wait3A_316 = arith.constant 2 : i32
        %dma_wait3A_317 = arith.constant 0 : i32
        %dma_wait3A_318 = arith.constant 0 : i32
        %dma_wait3A_319 = tpu.memref_slice %arg6[%dma_wait3A_316, %dma_wait3A_317, %dma_wait3A_318] : memref<16x8x64xf32, #tpu.memory_space<vmem>> -> memref<1x8x64xf32, #tpu.memory_space<vmem>>
        %dma_wait3A_320 = tpu.memref_squeeze %dma_wait3A_319 : memref<1x8x64xf32, #tpu.memory_space<vmem>> -> memref<8x64xf32, #tpu.memory_space<vmem>>
        %dma_wait3A_321 = arith.constant 0 : i32
        %dma_wait3A_322 = tpu.memref_slice %arg2[%multiple_of3A_315, %dma_wait3A_321] : memref<2600000x64xf32, #tpu.memory_space<hbm>> -> memref<8x64xf32, #tpu.memory_space<hbm>>
        %dma_wait3A_323 = arith.constant 0 : i32
        %dma_wait3A_324 = arith.constant 0 : i32
        %dma_wait3A_325 = tpu.memref_slice %arg6[%dma_wait3A_316, %dma_wait3A_323, %dma_wait3A_324] : memref<16x8x64xf32, #tpu.memory_space<vmem>> -> memref<1x8x64xf32, #tpu.memory_space<vmem>>
        %dma_wait3A_326 = tpu.memref_squeeze %dma_wait3A_325 : memref<1x8x64xf32, #tpu.memory_space<vmem>> -> memref<8x64xf32, #tpu.memory_space<vmem>>
        %dma_wait3A_327 = arith.constant 0 : i32
        %dma_wait3A_328 = tpu.memref_slice %arg2[%multiple_of3A_315, %dma_wait3A_327] : memref<2600000x64xf32, #tpu.memory_space<hbm>> -> memref<8x64xf32, #tpu.memory_space<hbm>>
        tpu.wait_dma2 semaphore(%arg8 : memref<!tpu.dma_semaphore, #tpu.memory_space<semaphore_mem>>) src(%dma_wait3A_328 : memref<8x64xf32, #tpu.memory_space<hbm>>) dst(%dma_wait3A_326 : memref<8x64xf32, #tpu.memory_space<vmem>>)
        %slice3A_329 = vector.extract_strided_slice %sub3A {offsets = [3], sizes = [1], strides = [1]} : vector<16xi32> to vector<1xi32>
        %squeeze3A_330 = vector.extract %slice3A_329[0] : i32 from vector<1xi32>
        %multiple_of3A_331 = tpu.assume_multiple %squeeze3A_330, 8 : i32
        %dma_wait3A_332 = arith.constant 3 : i32
        %dma_wait3A_333 = arith.constant 0 : i32
        %dma_wait3A_334 = arith.constant 0 : i32
        %dma_wait3A_335 = tpu.memref_slice %arg6[%dma_wait3A_332, %dma_wait3A_333, %dma_wait3A_334] : memref<16x8x64xf32, #tpu.memory_space<vmem>> -> memref<1x8x64xf32, #tpu.memory_space<vmem>>
        %dma_wait3A_336 = tpu.memref_squeeze %dma_wait3A_335 : memref<1x8x64xf32, #tpu.memory_space<vmem>> -> memref<8x64xf32, #tpu.memory_space<vmem>>
        %dma_wait3A_337 = arith.constant 0 : i32
        %dma_wait3A_338 = tpu.memref_slice %arg2[%multiple_of3A_331, %dma_wait3A_337] : memref<2600000x64xf32, #tpu.memory_space<hbm>> -> memref<8x64xf32, #tpu.memory_space<hbm>>
        %dma_wait3A_339 = arith.constant 0 : i32
        %dma_wait3A_340 = arith.constant 0 : i32
        %dma_wait3A_341 = tpu.memref_slice %arg6[%dma_wait3A_332, %dma_wait3A_339, %dma_wait3A_340] : memref<16x8x64xf32, #tpu.memory_space<vmem>> -> memref<1x8x64xf32, #tpu.memory_space<vmem>>
        %dma_wait3A_342 = tpu.memref_squeeze %dma_wait3A_341 : memref<1x8x64xf32, #tpu.memory_space<vmem>> -> memref<8x64xf32, #tpu.memory_space<vmem>>
        %dma_wait3A_343 = arith.constant 0 : i32
        %dma_wait3A_344 = tpu.memref_slice %arg2[%multiple_of3A_331, %dma_wait3A_343] : memref<2600000x64xf32, #tpu.memory_space<hbm>> -> memref<8x64xf32, #tpu.memory_space<hbm>>
        tpu.wait_dma2 semaphore(%arg8 : memref<!tpu.dma_semaphore, #tpu.memory_space<semaphore_mem>>) src(%dma_wait3A_344 : memref<8x64xf32, #tpu.memory_space<hbm>>) dst(%dma_wait3A_342 : memref<8x64xf32, #tpu.memory_space<vmem>>)
        %slice3A_345 = vector.extract_strided_slice %sub3A {offsets = [4], sizes = [1], strides = [1]} : vector<16xi32> to vector<1xi32>
        %squeeze3A_346 = vector.extract %slice3A_345[0] : i32 from vector<1xi32>
        %multiple_of3A_347 = tpu.assume_multiple %squeeze3A_346, 8 : i32
        %dma_wait3A_348 = arith.constant 4 : i32
        %dma_wait3A_349 = arith.constant 0 : i32
        %dma_wait3A_350 = arith.constant 0 : i32
        %dma_wait3A_351 = tpu.memref_slice %arg6[%dma_wait3A_348, %dma_wait3A_349, %dma_wait3A_350] : memref<16x8x64xf32, #tpu.memory_space<vmem>> -> memref<1x8x64xf32, #tpu.memory_space<vmem>>
        %dma_wait3A_352 = tpu.memref_squeeze %dma_wait3A_351 : memref<1x8x64xf32, #tpu.memory_space<vmem>> -> memref<8x64xf32, #tpu.memory_space<vmem>>
        %dma_wait3A_353 = arith.constant 0 : i32
        %dma_wait3A_354 = tpu.memref_slice %arg2[%multiple_of3A_347, %dma_wait3A_353] : memref<2600000x64xf32, #tpu.memory_space<hbm>> -> memref<8x64xf32, #tpu.memory_space<hbm>>
        %dma_wait3A_355 = arith.constant 0 : i32
        %dma_wait3A_356 = arith.constant 0 : i32
        %dma_wait3A_357 = tpu.memref_slice %arg6[%dma_wait3A_348, %dma_wait3A_355, %dma_wait3A_356] : memref<16x8x64xf32, #tpu.memory_space<vmem>> -> memref<1x8x64xf32, #tpu.memory_space<vmem>>
        %dma_wait3A_358 = tpu.memref_squeeze %dma_wait3A_357 : memref<1x8x64xf32, #tpu.memory_space<vmem>> -> memref<8x64xf32, #tpu.memory_space<vmem>>
        %dma_wait3A_359 = arith.constant 0 : i32
        %dma_wait3A_360 = tpu.memref_slice %arg2[%multiple_of3A_347, %dma_wait3A_359] : memref<2600000x64xf32, #tpu.memory_space<hbm>> -> memref<8x64xf32, #tpu.memory_space<hbm>>
        tpu.wait_dma2 semaphore(%arg8 : memref<!tpu.dma_semaphore, #tpu.memory_space<semaphore_mem>>) src(%dma_wait3A_360 : memref<8x64xf32, #tpu.memory_space<hbm>>) dst(%dma_wait3A_358 : memref<8x64xf32, #tpu.memory_space<vmem>>)
        %slice3A_361 = vector.extract_strided_slice %sub3A {offsets = [5], sizes = [1], strides = [1]} : vector<16xi32> to vector<1xi32>
        %squeeze3A_362 = vector.extract %slice3A_361[0] : i32 from vector<1xi32>
        %multiple_of3A_363 = tpu.assume_multiple %squeeze3A_362, 8 : i32
        %dma_wait3A_364 = arith.constant 5 : i32
        %dma_wait3A_365 = arith.constant 0 : i32
        %dma_wait3A_366 = arith.constant 0 : i32
        %dma_wait3A_367 = tpu.memref_slice %arg6[%dma_wait3A_364, %dma_wait3A_365, %dma_wait3A_366] : memref<16x8x64xf32, #tpu.memory_space<vmem>> -> memref<1x8x64xf32, #tpu.memory_space<vmem>>
        %dma_wait3A_368 = tpu.memref_squeeze %dma_wait3A_367 : memref<1x8x64xf32, #tpu.memory_space<vmem>> -> memref<8x64xf32, #tpu.memory_space<vmem>>
        %dma_wait3A_369 = arith.constant 0 : i32
        %dma_wait3A_370 = tpu.memref_slice %arg2[%multiple_of3A_363, %dma_wait3A_369] : memref<2600000x64xf32, #tpu.memory_space<hbm>> -> memref<8x64xf32, #tpu.memory_space<hbm>>
        %dma_wait3A_371 = arith.constant 0 : i32
        %dma_wait3A_372 = arith.constant 0 : i32
        %dma_wait3A_373 = tpu.memref_slice %arg6[%dma_wait3A_364, %dma_wait3A_371, %dma_wait3A_372] : memref<16x8x64xf32, #tpu.memory_space<vmem>> -> memref<1x8x64xf32, #tpu.memory_space<vmem>>
        %dma_wait3A_374 = tpu.memref_squeeze %dma_wait3A_373 : memref<1x8x64xf32, #tpu.memory_space<vmem>> -> memref<8x64xf32, #tpu.memory_space<vmem>>
        %dma_wait3A_375 = arith.constant 0 : i32
        %dma_wait3A_376 = tpu.memref_slice %arg2[%multiple_of3A_363, %dma_wait3A_375] : memref<2600000x64xf32, #tpu.memory_space<hbm>> -> memref<8x64xf32, #tpu.memory_space<hbm>>
        tpu.wait_dma2 semaphore(%arg8 : memref<!tpu.dma_semaphore, #tpu.memory_space<semaphore_mem>>) src(%dma_wait3A_376 : memref<8x64xf32, #tpu.memory_space<hbm>>) dst(%dma_wait3A_374 : memref<8x64xf32, #tpu.memory_space<vmem>>)
        %slice3A_377 = vector.extract_strided_slice %sub3A {offsets = [6], sizes = [1], strides = [1]} : vector<16xi32> to vector<1xi32>
        %squeeze3A_378 = vector.extract %slice3A_377[0] : i32 from vector<1xi32>
        %multiple_of3A_379 = tpu.assume_multiple %squeeze3A_378, 8 : i32
        %dma_wait3A_380 = arith.constant 6 : i32
        %dma_wait3A_381 = arith.constant 0 : i32
        %dma_wait3A_382 = arith.constant 0 : i32
        %dma_wait3A_383 = tpu.memref_slice %arg6[%dma_wait3A_380, %dma_wait3A_381, %dma_wait3A_382] : memref<16x8x64xf32, #tpu.memory_space<vmem>> -> memref<1x8x64xf32, #tpu.memory_space<vmem>>
        %dma_wait3A_384 = tpu.memref_squeeze %dma_wait3A_383 : memref<1x8x64xf32, #tpu.memory_space<vmem>> -> memref<8x64xf32, #tpu.memory_space<vmem>>
        %dma_wait3A_385 = arith.constant 0 : i32
        %dma_wait3A_386 = tpu.memref_slice %arg2[%multiple_of3A_379, %dma_wait3A_385] : memref<2600000x64xf32, #tpu.memory_space<hbm>> -> memref<8x64xf32, #tpu.memory_space<hbm>>
        %dma_wait3A_387 = arith.constant 0 : i32
        %dma_wait3A_388 = arith.constant 0 : i32
        %dma_wait3A_389 = tpu.memref_slice %arg6[%dma_wait3A_380, %dma_wait3A_387, %dma_wait3A_388] : memref<16x8x64xf32, #tpu.memory_space<vmem>> -> memref<1x8x64xf32, #tpu.memory_space<vmem>>
        %dma_wait3A_390 = tpu.memref_squeeze %dma_wait3A_389 : memref<1x8x64xf32, #tpu.memory_space<vmem>> -> memref<8x64xf32, #tpu.memory_space<vmem>>
        %dma_wait3A_391 = arith.constant 0 : i32
        %dma_wait3A_392 = tpu.memref_slice %arg2[%multiple_of3A_379, %dma_wait3A_391] : memref<2600000x64xf32, #tpu.memory_space<hbm>> -> memref<8x64xf32, #tpu.memory_space<hbm>>
        tpu.wait_dma2 semaphore(%arg8 : memref<!tpu.dma_semaphore, #tpu.memory_space<semaphore_mem>>) src(%dma_wait3A_392 : memref<8x64xf32, #tpu.memory_space<hbm>>) dst(%dma_wait3A_390 : memref<8x64xf32, #tpu.memory_space<vmem>>)
        %slice3A_393 = vector.extract_strided_slice %sub3A {offsets = [7], sizes = [1], strides = [1]} : vector<16xi32> to vector<1xi32>
        %squeeze3A_394 = vector.extract %slice3A_393[0] : i32 from vector<1xi32>
        %multiple_of3A_395 = tpu.assume_multiple %squeeze3A_394, 8 : i32
        %dma_wait3A_396 = arith.constant 7 : i32
        %dma_wait3A_397 = arith.constant 0 : i32
        %dma_wait3A_398 = arith.constant 0 : i32
        %dma_wait3A_399 = tpu.memref_slice %arg6[%dma_wait3A_396, %dma_wait3A_397, %dma_wait3A_398] : memref<16x8x64xf32, #tpu.memory_space<vmem>> -> memref<1x8x64xf32, #tpu.memory_space<vmem>>
        %dma_wait3A_400 = tpu.memref_squeeze %dma_wait3A_399 : memref<1x8x64xf32, #tpu.memory_space<vmem>> -> memref<8x64xf32, #tpu.memory_space<vmem>>
        %dma_wait3A_401 = arith.constant 0 : i32
        %dma_wait3A_402 = tpu.memref_slice %arg2[%multiple_of3A_395, %dma_wait3A_401] : memref<2600000x64xf32, #tpu.memory_space<hbm>> -> memref<8x64xf32, #tpu.memory_space<hbm>>
        %dma_wait3A_403 = arith.constant 0 : i32
        %dma_wait3A_404 = arith.constant 0 : i32
        %dma_wait3A_405 = tpu.memref_slice %arg6[%dma_wait3A_396, %dma_wait3A_403, %dma_wait3A_404] : memref<16x8x64xf32, #tpu.memory_space<vmem>> -> memref<1x8x64xf32, #tpu.memory_space<vmem>>
        %dma_wait3A_406 = tpu.memref_squeeze %dma_wait3A_405 : memref<1x8x64xf32, #tpu.memory_space<vmem>> -> memref<8x64xf32, #tpu.memory_space<vmem>>
        %dma_wait3A_407 = arith.constant 0 : i32
        %dma_wait3A_408 = tpu.memref_slice %arg2[%multiple_of3A_395, %dma_wait3A_407] : memref<2600000x64xf32, #tpu.memory_space<hbm>> -> memref<8x64xf32, #tpu.memory_space<hbm>>
        tpu.wait_dma2 semaphore(%arg8 : memref<!tpu.dma_semaphore, #tpu.memory_space<semaphore_mem>>) src(%dma_wait3A_408 : memref<8x64xf32, #tpu.memory_space<hbm>>) dst(%dma_wait3A_406 : memref<8x64xf32, #tpu.memory_space<vmem>>)
        %slice3A_409 = vector.extract_strided_slice %sub3A {offsets = [8], sizes = [1], strides = [1]} : vector<16xi32> to vector<1xi32>
        %squeeze3A_410 = vector.extract %slice3A_409[0] : i32 from vector<1xi32>
        %multiple_of3A_411 = tpu.assume_multiple %squeeze3A_410, 8 : i32
        %dma_wait3A_412 = arith.constant 8 : i32
        %dma_wait3A_413 = arith.constant 0 : i32
        %dma_wait3A_414 = arith.constant 0 : i32
        %dma_wait3A_415 = tpu.memref_slice %arg6[%dma_wait3A_412, %dma_wait3A_413, %dma_wait3A_414] : memref<16x8x64xf32, #tpu.memory_space<vmem>> -> memref<1x8x64xf32, #tpu.memory_space<vmem>>
        %dma_wait3A_416 = tpu.memref_squeeze %dma_wait3A_415 : memref<1x8x64xf32, #tpu.memory_space<vmem>> -> memref<8x64xf32, #tpu.memory_space<vmem>>
        %dma_wait3A_417 = arith.constant 0 : i32
        %dma_wait3A_418 = tpu.memref_slice %arg2[%multiple_of3A_411, %dma_wait3A_417] : memref<2600000x64xf32, #tpu.memory_space<hbm>> -> memref<8x64xf32, #tpu.memory_space<hbm>>
        %dma_wait3A_419 = arith.constant 0 : i32
        %dma_wait3A_420 = arith.constant 0 : i32
        %dma_wait3A_421 = tpu.memref_slice %arg6[%dma_wait3A_412, %dma_wait3A_419, %dma_wait3A_420] : memref<16x8x64xf32, #tpu.memory_space<vmem>> -> memref<1x8x64xf32, #tpu.memory_space<vmem>>
        %dma_wait3A_422 = tpu.memref_squeeze %dma_wait3A_421 : memref<1x8x64xf32, #tpu.memory_space<vmem>> -> memref<8x64xf32, #tpu.memory_space<vmem>>
        %dma_wait3A_423 = arith.constant 0 : i32
        %dma_wait3A_424 = tpu.memref_slice %arg2[%multiple_of3A_411, %dma_wait3A_423] : memref<2600000x64xf32, #tpu.memory_space<hbm>> -> memref<8x64xf32, #tpu.memory_space<hbm>>
        tpu.wait_dma2 semaphore(%arg8 : memref<!tpu.dma_semaphore, #tpu.memory_space<semaphore_mem>>) src(%dma_wait3A_424 : memref<8x64xf32, #tpu.memory_space<hbm>>) dst(%dma_wait3A_422 : memref<8x64xf32, #tpu.memory_space<vmem>>)
        %slice3A_425 = vector.extract_strided_slice %sub3A {offsets = [9], sizes = [1], strides = [1]} : vector<16xi32> to vector<1xi32>
        %squeeze3A_426 = vector.extract %slice3A_425[0] : i32 from vector<1xi32>
        %multiple_of3A_427 = tpu.assume_multiple %squeeze3A_426, 8 : i32
        %dma_wait3A_428 = arith.constant 9 : i32
        %dma_wait3A_429 = arith.constant 0 : i32
        %dma_wait3A_430 = arith.constant 0 : i32
        %dma_wait3A_431 = tpu.memref_slice %arg6[%dma_wait3A_428, %dma_wait3A_429, %dma_wait3A_430] : memref<16x8x64xf32, #tpu.memory_space<vmem>> -> memref<1x8x64xf32, #tpu.memory_space<vmem>>
        %dma_wait3A_432 = tpu.memref_squeeze %dma_wait3A_431 : memref<1x8x64xf32, #tpu.memory_space<vmem>> -> memref<8x64xf32, #tpu.memory_space<vmem>>
        %dma_wait3A_433 = arith.constant 0 : i32
        %dma_wait3A_434 = tpu.memref_slice %arg2[%multiple_of3A_427, %dma_wait3A_433] : memref<2600000x64xf32, #tpu.memory_space<hbm>> -> memref<8x64xf32, #tpu.memory_space<hbm>>
        %dma_wait3A_435 = arith.constant 0 : i32
        %dma_wait3A_436 = arith.constant 0 : i32
        %dma_wait3A_437 = tpu.memref_slice %arg6[%dma_wait3A_428, %dma_wait3A_435, %dma_wait3A_436] : memref<16x8x64xf32, #tpu.memory_space<vmem>> -> memref<1x8x64xf32, #tpu.memory_space<vmem>>
        %dma_wait3A_438 = tpu.memref_squeeze %dma_wait3A_437 : memref<1x8x64xf32, #tpu.memory_space<vmem>> -> memref<8x64xf32, #tpu.memory_space<vmem>>
        %dma_wait3A_439 = arith.constant 0 : i32
        %dma_wait3A_440 = tpu.memref_slice %arg2[%multiple_of3A_427, %dma_wait3A_439] : memref<2600000x64xf32, #tpu.memory_space<hbm>> -> memref<8x64xf32, #tpu.memory_space<hbm>>
        tpu.wait_dma2 semaphore(%arg8 : memref<!tpu.dma_semaphore, #tpu.memory_space<semaphore_mem>>) src(%dma_wait3A_440 : memref<8x64xf32, #tpu.memory_space<hbm>>) dst(%dma_wait3A_438 : memref<8x64xf32, #tpu.memory_space<vmem>>)
        %slice3A_441 = vector.extract_strided_slice %sub3A {offsets = [10], sizes = [1], strides = [1]} : vector<16xi32> to vector<1xi32>
        %squeeze3A_442 = vector.extract %slice3A_441[0] : i32 from vector<1xi32>
        %multiple_of3A_443 = tpu.assume_multiple %squeeze3A_442, 8 : i32
        %dma_wait3A_444 = arith.constant 10 : i32
        %dma_wait3A_445 = arith.constant 0 : i32
        %dma_wait3A_446 = arith.constant 0 : i32
        %dma_wait3A_447 = tpu.memref_slice %arg6[%dma_wait3A_444, %dma_wait3A_445, %dma_wait3A_446] : memref<16x8x64xf32, #tpu.memory_space<vmem>> -> memref<1x8x64xf32, #tpu.memory_space<vmem>>
        %dma_wait3A_448 = tpu.memref_squeeze %dma_wait3A_447 : memref<1x8x64xf32, #tpu.memory_space<vmem>> -> memref<8x64xf32, #tpu.memory_space<vmem>>
        %dma_wait3A_449 = arith.constant 0 : i32
        %dma_wait3A_450 = tpu.memref_slice %arg2[%multiple_of3A_443, %dma_wait3A_449] : memref<2600000x64xf32, #tpu.memory_space<hbm>> -> memref<8x64xf32, #tpu.memory_space<hbm>>
        %dma_wait3A_451 = arith.constant 0 : i32
        %dma_wait3A_452 = arith.constant 0 : i32
        %dma_wait3A_453 = tpu.memref_slice %arg6[%dma_wait3A_444, %dma_wait3A_451, %dma_wait3A_452] : memref<16x8x64xf32, #tpu.memory_space<vmem>> -> memref<1x8x64xf32, #tpu.memory_space<vmem>>
        %dma_wait3A_454 = tpu.memref_squeeze %dma_wait3A_453 : memref<1x8x64xf32, #tpu.memory_space<vmem>> -> memref<8x64xf32, #tpu.memory_space<vmem>>
        %dma_wait3A_455 = arith.constant 0 : i32
        %dma_wait3A_456 = tpu.memref_slice %arg2[%multiple_of3A_443, %dma_wait3A_455] : memref<2600000x64xf32, #tpu.memory_space<hbm>> -> memref<8x64xf32, #tpu.memory_space<hbm>>
        tpu.wait_dma2 semaphore(%arg8 : memref<!tpu.dma_semaphore, #tpu.memory_space<semaphore_mem>>) src(%dma_wait3A_456 : memref<8x64xf32, #tpu.memory_space<hbm>>) dst(%dma_wait3A_454 : memref<8x64xf32, #tpu.memory_space<vmem>>)
        %slice3A_457 = vector.extract_strided_slice %sub3A {offsets = [11], sizes = [1], strides = [1]} : vector<16xi32> to vector<1xi32>
        %squeeze3A_458 = vector.extract %slice3A_457[0] : i32 from vector<1xi32>
        %multiple_of3A_459 = tpu.assume_multiple %squeeze3A_458, 8 : i32
        %dma_wait3A_460 = arith.constant 11 : i32
        %dma_wait3A_461 = arith.constant 0 : i32
        %dma_wait3A_462 = arith.constant 0 : i32
        %dma_wait3A_463 = tpu.memref_slice %arg6[%dma_wait3A_460, %dma_wait3A_461, %dma_wait3A_462] : memref<16x8x64xf32, #tpu.memory_space<vmem>> -> memref<1x8x64xf32, #tpu.memory_space<vmem>>
        %dma_wait3A_464 = tpu.memref_squeeze %dma_wait3A_463 : memref<1x8x64xf32, #tpu.memory_space<vmem>> -> memref<8x64xf32, #tpu.memory_space<vmem>>
        %dma_wait3A_465 = arith.constant 0 : i32
        %dma_wait3A_466 = tpu.memref_slice %arg2[%multiple_of3A_459, %dma_wait3A_465] : memref<2600000x64xf32, #tpu.memory_space<hbm>> -> memref<8x64xf32, #tpu.memory_space<hbm>>
        %dma_wait3A_467 = arith.constant 0 : i32
        %dma_wait3A_468 = arith.constant 0 : i32
        %dma_wait3A_469 = tpu.memref_slice %arg6[%dma_wait3A_460, %dma_wait3A_467, %dma_wait3A_468] : memref<16x8x64xf32, #tpu.memory_space<vmem>> -> memref<1x8x64xf32, #tpu.memory_space<vmem>>
        %dma_wait3A_470 = tpu.memref_squeeze %dma_wait3A_469 : memref<1x8x64xf32, #tpu.memory_space<vmem>> -> memref<8x64xf32, #tpu.memory_space<vmem>>
        %dma_wait3A_471 = arith.constant 0 : i32
        %dma_wait3A_472 = tpu.memref_slice %arg2[%multiple_of3A_459, %dma_wait3A_471] : memref<2600000x64xf32, #tpu.memory_space<hbm>> -> memref<8x64xf32, #tpu.memory_space<hbm>>
        tpu.wait_dma2 semaphore(%arg8 : memref<!tpu.dma_semaphore, #tpu.memory_space<semaphore_mem>>) src(%dma_wait3A_472 : memref<8x64xf32, #tpu.memory_space<hbm>>) dst(%dma_wait3A_470 : memref<8x64xf32, #tpu.memory_space<vmem>>)
        %slice3A_473 = vector.extract_strided_slice %sub3A {offsets = [12], sizes = [1], strides = [1]} : vector<16xi32> to vector<1xi32>
        %squeeze3A_474 = vector.extract %slice3A_473[0] : i32 from vector<1xi32>
        %multiple_of3A_475 = tpu.assume_multiple %squeeze3A_474, 8 : i32
        %dma_wait3A_476 = arith.constant 12 : i32
        %dma_wait3A_477 = arith.constant 0 : i32
        %dma_wait3A_478 = arith.constant 0 : i32
        %dma_wait3A_479 = tpu.memref_slice %arg6[%dma_wait3A_476, %dma_wait3A_477, %dma_wait3A_478] : memref<16x8x64xf32, #tpu.memory_space<vmem>> -> memref<1x8x64xf32, #tpu.memory_space<vmem>>
        %dma_wait3A_480 = tpu.memref_squeeze %dma_wait3A_479 : memref<1x8x64xf32, #tpu.memory_space<vmem>> -> memref<8x64xf32, #tpu.memory_space<vmem>>
        %dma_wait3A_481 = arith.constant 0 : i32
        %dma_wait3A_482 = tpu.memref_slice %arg2[%multiple_of3A_475, %dma_wait3A_481] : memref<2600000x64xf32, #tpu.memory_space<hbm>> -> memref<8x64xf32, #tpu.memory_space<hbm>>
        %dma_wait3A_483 = arith.constant 0 : i32
        %dma_wait3A_484 = arith.constant 0 : i32
        %dma_wait3A_485 = tpu.memref_slice %arg6[%dma_wait3A_476, %dma_wait3A_483, %dma_wait3A_484] : memref<16x8x64xf32, #tpu.memory_space<vmem>> -> memref<1x8x64xf32, #tpu.memory_space<vmem>>
        %dma_wait3A_486 = tpu.memref_squeeze %dma_wait3A_485 : memref<1x8x64xf32, #tpu.memory_space<vmem>> -> memref<8x64xf32, #tpu.memory_space<vmem>>
        %dma_wait3A_487 = arith.constant 0 : i32
        %dma_wait3A_488 = tpu.memref_slice %arg2[%multiple_of3A_475, %dma_wait3A_487] : memref<2600000x64xf32, #tpu.memory_space<hbm>> -> memref<8x64xf32, #tpu.memory_space<hbm>>
        tpu.wait_dma2 semaphore(%arg8 : memref<!tpu.dma_semaphore, #tpu.memory_space<semaphore_mem>>) src(%dma_wait3A_488 : memref<8x64xf32, #tpu.memory_space<hbm>>) dst(%dma_wait3A_486 : memref<8x64xf32, #tpu.memory_space<vmem>>)
        %slice3A_489 = vector.extract_strided_slice %sub3A {offsets = [13], sizes = [1], strides = [1]} : vector<16xi32> to vector<1xi32>
        %squeeze3A_490 = vector.extract %slice3A_489[0] : i32 from vector<1xi32>
        %multiple_of3A_491 = tpu.assume_multiple %squeeze3A_490, 8 : i32
        %dma_wait3A_492 = arith.constant 13 : i32
        %dma_wait3A_493 = arith.constant 0 : i32
        %dma_wait3A_494 = arith.constant 0 : i32
        %dma_wait3A_495 = tpu.memref_slice %arg6[%dma_wait3A_492, %dma_wait3A_493, %dma_wait3A_494] : memref<16x8x64xf32, #tpu.memory_space<vmem>> -> memref<1x8x64xf32, #tpu.memory_space<vmem>>
        %dma_wait3A_496 = tpu.memref_squeeze %dma_wait3A_495 : memref<1x8x64xf32, #tpu.memory_space<vmem>> -> memref<8x64xf32, #tpu.memory_space<vmem>>
        %dma_wait3A_497 = arith.constant 0 : i32
        %dma_wait3A_498 = tpu.memref_slice %arg2[%multiple_of3A_491, %dma_wait3A_497] : memref<2600000x64xf32, #tpu.memory_space<hbm>> -> memref<8x64xf32, #tpu.memory_space<hbm>>
        %dma_wait3A_499 = arith.constant 0 : i32
        %dma_wait3A_500 = arith.constant 0 : i32
        %dma_wait3A_501 = tpu.memref_slice %arg6[%dma_wait3A_492, %dma_wait3A_499, %dma_wait3A_500] : memref<16x8x64xf32, #tpu.memory_space<vmem>> -> memref<1x8x64xf32, #tpu.memory_space<vmem>>
        %dma_wait3A_502 = tpu.memref_squeeze %dma_wait3A_501 : memref<1x8x64xf32, #tpu.memory_space<vmem>> -> memref<8x64xf32, #tpu.memory_space<vmem>>
        %dma_wait3A_503 = arith.constant 0 : i32
        %dma_wait3A_504 = tpu.memref_slice %arg2[%multiple_of3A_491, %dma_wait3A_503] : memref<2600000x64xf32, #tpu.memory_space<hbm>> -> memref<8x64xf32, #tpu.memory_space<hbm>>
        tpu.wait_dma2 semaphore(%arg8 : memref<!tpu.dma_semaphore, #tpu.memory_space<semaphore_mem>>) src(%dma_wait3A_504 : memref<8x64xf32, #tpu.memory_space<hbm>>) dst(%dma_wait3A_502 : memref<8x64xf32, #tpu.memory_space<vmem>>)
        %slice3A_505 = vector.extract_strided_slice %sub3A {offsets = [14], sizes = [1], strides = [1]} : vector<16xi32> to vector<1xi32>
        %squeeze3A_506 = vector.extract %slice3A_505[0] : i32 from vector<1xi32>
        %multiple_of3A_507 = tpu.assume_multiple %squeeze3A_506, 8 : i32
        %dma_wait3A_508 = arith.constant 14 : i32
        %dma_wait3A_509 = arith.constant 0 : i32
        %dma_wait3A_510 = arith.constant 0 : i32
        %dma_wait3A_511 = tpu.memref_slice %arg6[%dma_wait3A_508, %dma_wait3A_509, %dma_wait3A_510] : memref<16x8x64xf32, #tpu.memory_space<vmem>> -> memref<1x8x64xf32, #tpu.memory_space<vmem>>
        %dma_wait3A_512 = tpu.memref_squeeze %dma_wait3A_511 : memref<1x8x64xf32, #tpu.memory_space<vmem>> -> memref<8x64xf32, #tpu.memory_space<vmem>>
        %dma_wait3A_513 = arith.constant 0 : i32
        %dma_wait3A_514 = tpu.memref_slice %arg2[%multiple_of3A_507, %dma_wait3A_513] : memref<2600000x64xf32, #tpu.memory_space<hbm>> -> memref<8x64xf32, #tpu.memory_space<hbm>>
        %dma_wait3A_515 = arith.constant 0 : i32
        %dma_wait3A_516 = arith.constant 0 : i32
        %dma_wait3A_517 = tpu.memref_slice %arg6[%dma_wait3A_508, %dma_wait3A_515, %dma_wait3A_516] : memref<16x8x64xf32, #tpu.memory_space<vmem>> -> memref<1x8x64xf32, #tpu.memory_space<vmem>>
        %dma_wait3A_518 = tpu.memref_squeeze %dma_wait3A_517 : memref<1x8x64xf32, #tpu.memory_space<vmem>> -> memref<8x64xf32, #tpu.memory_space<vmem>>
        %dma_wait3A_519 = arith.constant 0 : i32
        %dma_wait3A_520 = tpu.memref_slice %arg2[%multiple_of3A_507, %dma_wait3A_519] : memref<2600000x64xf32, #tpu.memory_space<hbm>> -> memref<8x64xf32, #tpu.memory_space<hbm>>
        tpu.wait_dma2 semaphore(%arg8 : memref<!tpu.dma_semaphore, #tpu.memory_space<semaphore_mem>>) src(%dma_wait3A_520 : memref<8x64xf32, #tpu.memory_space<hbm>>) dst(%dma_wait3A_518 : memref<8x64xf32, #tpu.memory_space<vmem>>)
        %slice3A_521 = vector.extract_strided_slice %sub3A {offsets = [15], sizes = [1], strides = [1]} : vector<16xi32> to vector<1xi32>
        %squeeze3A_522 = vector.extract %slice3A_521[0] : i32 from vector<1xi32>
        %multiple_of3A_523 = tpu.assume_multiple %squeeze3A_522, 8 : i32
        %dma_wait3A_524 = arith.constant 15 : i32
        %dma_wait3A_525 = arith.constant 0 : i32
        %dma_wait3A_526 = arith.constant 0 : i32
        %dma_wait3A_527 = tpu.memref_slice %arg6[%dma_wait3A_524, %dma_wait3A_525, %dma_wait3A_526] : memref<16x8x64xf32, #tpu.memory_space<vmem>> -> memref<1x8x64xf32, #tpu.memory_space<vmem>>
        %dma_wait3A_528 = tpu.memref_squeeze %dma_wait3A_527 : memref<1x8x64xf32, #tpu.memory_space<vmem>> -> memref<8x64xf32, #tpu.memory_space<vmem>>
        %dma_wait3A_529 = arith.constant 0 : i32
        %dma_wait3A_530 = tpu.memref_slice %arg2[%multiple_of3A_523, %dma_wait3A_529] : memref<2600000x64xf32, #tpu.memory_space<hbm>> -> memref<8x64xf32, #tpu.memory_space<hbm>>
        %dma_wait3A_531 = arith.constant 0 : i32
        %dma_wait3A_532 = arith.constant 0 : i32
        %dma_wait3A_533 = tpu.memref_slice %arg6[%dma_wait3A_524, %dma_wait3A_531, %dma_wait3A_532] : memref<16x8x64xf32, #tpu.memory_space<vmem>> -> memref<1x8x64xf32, #tpu.memory_space<vmem>>
        %dma_wait3A_534 = tpu.memref_squeeze %dma_wait3A_533 : memref<1x8x64xf32, #tpu.memory_space<vmem>> -> memref<8x64xf32, #tpu.memory_space<vmem>>
        %dma_wait3A_535 = arith.constant 0 : i32
        %dma_wait3A_536 = tpu.memref_slice %arg2[%multiple_of3A_523, %dma_wait3A_535] : memref<2600000x64xf32, #tpu.memory_space<hbm>> -> memref<8x64xf32, #tpu.memory_space<hbm>>
        tpu.wait_dma2 semaphore(%arg8 : memref<!tpu.dma_semaphore, #tpu.memory_space<semaphore_mem>>) src(%dma_wait3A_536 : memref<8x64xf32, #tpu.memory_space<hbm>>) dst(%dma_wait3A_534 : memref<8x64xf32, #tpu.memory_space<vmem>>)
        %slice3A_537 = vector.extract_strided_slice %rem3A_28 {offsets = [0], sizes = [1], strides = [1]} : vector<16xi32> to vector<1xi32>
        %squeeze3A_538 = vector.extract %slice3A_537[0] : i32 from vector<1xi32>
        %get3A_539 = arith.constant 0 : i32
        %get3A_540 = arith.index_cast %get3A_539 : i32 to index
        %get3A_541 = arith.index_cast %squeeze3A_538 : i32 to index
        %get3A_542 = arith.constant 0 : index
        %get3A_543 = tpu.vector_load %arg6[%get3A_540, %get3A_541, %get3A_542] {strides = array<i32>} : memref<16x8x64xf32, #tpu.memory_space<vmem>>, vector<1x1x16xf32>,
        %get3A_544 = vector.shape_cast %get3A_543 : vector<1x1x16xf32> to vector<16xf32>
        %add3A_545 = arith.constant 0 : i32
        %add3A_546 = arith.addi %mul3A_20, %add3A_545 : i32
        %swap3A = arith.index_cast %add3A_546 : i32 to index
        %swap3A_547 = arith.constant 0 : index
        %swap3A_548 = tpu.vector_load %arg7[%swap3A, %swap3A_547] {strides = array<i32>} : memref<128x64xf32, #tpu.memory_space<vmem>>, vector<1x16xf32>,
        %swap3A_549 = vector.shape_cast %swap3A_548 : vector<1x16xf32> to vector<16xf32>
        %swap3A_550 = vector.shape_cast %get3A_544 : vector<16xf32> to vector<1x16xf32>
        tpu.vector_store %arg7[%swap3A, %swap3A_547], %swap3A_550 {strides = array<i32>} : memref<128x64xf32, #tpu.memory_space<vmem>>, vector<1x16xf32>,
        %get3A_551 = arith.constant 0 : i32
        %get3A_552 = arith.index_cast %get3A_551 : i32 to index
        %get3A_553 = arith.index_cast %squeeze3A_538 : i32 to index
        %get3A_554 = arith.constant 16 : index
        %get3A_555 = tpu.vector_load %arg6[%get3A_552, %get3A_553, %get3A_554] {strides = array<i32>} : memref<16x8x64xf32, #tpu.memory_space<vmem>>, vector<1x1x16xf32>,
        %get3A_556 = vector.shape_cast %get3A_555 : vector<1x1x16xf32> to vector<16xf32>
        %add3A_557 = arith.constant 0 : i32
        %add3A_558 = arith.addi %mul3A_20, %add3A_557 : i32
        %swap3A_559 = arith.index_cast %add3A_558 : i32 to index
        %swap3A_560 = arith.constant 16 : index
        %swap3A_561 = tpu.vector_load %arg7[%swap3A_559, %swap3A_560] {strides = array<i32>} : memref<128x64xf32, #tpu.memory_space<vmem>>, vector<1x16xf32>,
        %swap3A_562 = vector.shape_cast %swap3A_561 : vector<1x16xf32> to vector<16xf32>
        %swap3A_563 = vector.shape_cast %get3A_556 : vector<16xf32> to vector<1x16xf32>
        tpu.vector_store %arg7[%swap3A_559, %swap3A_560], %swap3A_563 {strides = array<i32>} : memref<128x64xf32, #tpu.memory_space<vmem>>, vector<1x16xf32>,
        %get3A_564 = arith.constant 0 : i32
        %get3A_565 = arith.index_cast %get3A_564 : i32 to index
        %get3A_566 = arith.index_cast %squeeze3A_538 : i32 to index
        %get3A_567 = arith.constant 32 : index
        %get3A_568 = tpu.vector_load %arg6[%get3A_565, %get3A_566, %get3A_567] {strides = array<i32>} : memref<16x8x64xf32, #tpu.memory_space<vmem>>, vector<1x1x16xf32>,
        %get3A_569 = vector.shape_cast %get3A_568 : vector<1x1x16xf32> to vector<16xf32>
        %add3A_570 = arith.constant 0 : i32
        %add3A_571 = arith.addi %mul3A_20, %add3A_570 : i32
        %swap3A_572 = arith.index_cast %add3A_571 : i32 to index
        %swap3A_573 = arith.constant 32 : index
        %swap3A_574 = tpu.vector_load %arg7[%swap3A_572, %swap3A_573] {strides = array<i32>} : memref<128x64xf32, #tpu.memory_space<vmem>>, vector<1x16xf32>,
        %swap3A_575 = vector.shape_cast %swap3A_574 : vector<1x16xf32> to vector<16xf32>
        %swap3A_576 = vector.shape_cast %get3A_569 : vector<16xf32> to vector<1x16xf32>
        tpu.vector_store %arg7[%swap3A_572, %swap3A_573], %swap3A_576 {strides = array<i32>} : memref<128x64xf32, #tpu.memory_space<vmem>>, vector<1x16xf32>,
        %get3A_577 = arith.constant 0 : i32
        %get3A_578 = arith.index_cast %get3A_577 : i32 to index
        %get3A_579 = arith.index_cast %squeeze3A_538 : i32 to index
        %get3A_580 = arith.constant 48 : index
        %get3A_581 = tpu.vector_load %arg6[%get3A_578, %get3A_579, %get3A_580] {strides = array<i32>} : memref<16x8x64xf32, #tpu.memory_space<vmem>>, vector<1x1x16xf32>,
        %get3A_582 = vector.shape_cast %get3A_581 : vector<1x1x16xf32> to vector<16xf32>
        %add3A_583 = arith.constant 0 : i32
        %add3A_584 = arith.addi %mul3A_20, %add3A_583 : i32
        %swap3A_585 = arith.index_cast %add3A_584 : i32 to index
        %swap3A_586 = arith.constant 48 : index
        %swap3A_587 = tpu.vector_load %arg7[%swap3A_585, %swap3A_586] {strides = array<i32>} : memref<128x64xf32, #tpu.memory_space<vmem>>, vector<1x16xf32>,
        %swap3A_588 = vector.shape_cast %swap3A_587 : vector<1x16xf32> to vector<16xf32>
        %swap3A_589 = vector.shape_cast %get3A_582 : vector<16xf32> to vector<1x16xf32>
        tpu.vector_store %arg7[%swap3A_585, %swap3A_586], %swap3A_589 {strides = array<i32>} : memref<128x64xf32, #tpu.memory_space<vmem>>, vector<1x16xf32>,
        %slice3A_590 = vector.extract_strided_slice %rem3A_28 {offsets = [1], sizes = [1], strides = [1]} : vector<16xi32> to vector<1xi32>
        %squeeze3A_591 = vector.extract %slice3A_590[0] : i32 from vector<1xi32>
        %get3A_592 = arith.constant 1 : i32
        %get3A_593 = arith.index_cast %get3A_592 : i32 to index
        %get3A_594 = arith.index_cast %squeeze3A_591 : i32 to index
        %get3A_595 = arith.constant 0 : index
        %get3A_596 = tpu.vector_load %arg6[%get3A_593, %get3A_594, %get3A_595] {strides = array<i32>} : memref<16x8x64xf32, #tpu.memory_space<vmem>>, vector<1x1x16xf32>,
        %get3A_597 = vector.shape_cast %get3A_596 : vector<1x1x16xf32> to vector<16xf32>
        %add3A_598 = arith.constant 1 : i32
        %add3A_599 = arith.addi %mul3A_20, %add3A_598 : i32
        %swap3A_600 = arith.index_cast %add3A_599 : i32 to index
        %swap3A_601 = arith.constant 0 : index
        %swap3A_602 = tpu.vector_load %arg7[%swap3A_600, %swap3A_601] {strides = array<i32>} : memref<128x64xf32, #tpu.memory_space<vmem>>, vector<1x16xf32>,
        %swap3A_603 = vector.shape_cast %swap3A_602 : vector<1x16xf32> to vector<16xf32>
        %swap3A_604 = vector.shape_cast %get3A_597 : vector<16xf32> to vector<1x16xf32>
        tpu.vector_store %arg7[%swap3A_600, %swap3A_601], %swap3A_604 {strides = array<i32>} : memref<128x64xf32, #tpu.memory_space<vmem>>, vector<1x16xf32>,
        %get3A_605 = arith.constant 1 : i32
        %get3A_606 = arith.index_cast %get3A_605 : i32 to index
        %get3A_607 = arith.index_cast %squeeze3A_591 : i32 to index
        %get3A_608 = arith.constant 16 : index
        %get3A_609 = tpu.vector_load %arg6[%get3A_606, %get3A_607, %get3A_608] {strides = array<i32>} : memref<16x8x64xf32, #tpu.memory_space<vmem>>, vector<1x1x16xf32>,
        %get3A_610 = vector.shape_cast %get3A_609 : vector<1x1x16xf32> to vector<16xf32>
        %add3A_611 = arith.constant 1 : i32
        %add3A_612 = arith.addi %mul3A_20, %add3A_611 : i32
        %swap3A_613 = arith.index_cast %add3A_612 : i32 to index
        %swap3A_614 = arith.constant 16 : index
        %swap3A_615 = tpu.vector_load %arg7[%swap3A_613, %swap3A_614] {strides = array<i32>} : memref<128x64xf32, #tpu.memory_space<vmem>>, vector<1x16xf32>,
        %swap3A_616 = vector.shape_cast %swap3A_615 : vector<1x16xf32> to vector<16xf32>
        %swap3A_617 = vector.shape_cast %get3A_610 : vector<16xf32> to vector<1x16xf32>
        tpu.vector_store %arg7[%swap3A_613, %swap3A_614], %swap3A_617 {strides = array<i32>} : memref<128x64xf32, #tpu.memory_space<vmem>>, vector<1x16xf32>,
        %get3A_618 = arith.constant 1 : i32
        %get3A_619 = arith.index_cast %get3A_618 : i32 to index
        %get3A_620 = arith.index_cast %squeeze3A_591 : i32 to index
        %get3A_621 = arith.constant 32 : index
        %get3A_622 = tpu.vector_load %arg6[%get3A_619, %get3A_620, %get3A_621] {strides = array<i32>} : memref<16x8x64xf32, #tpu.memory_space<vmem>>, vector<1x1x16xf32>,
        %get3A_623 = vector.shape_cast %get3A_622 : vector<1x1x16xf32> to vector<16xf32>
        %add3A_624 = arith.constant 1 : i32
        %add3A_625 = arith.addi %mul3A_20, %add3A_624 : i32
        %swap3A_626 = arith.index_cast %add3A_625 : i32 to index
        %swap3A_627 = arith.constant 32 : index
        %swap3A_628 = tpu.vector_load %arg7[%swap3A_626, %swap3A_627] {strides = array<i32>} : memref<128x64xf32, #tpu.memory_space<vmem>>, vector<1x16xf32>,
        %swap3A_629 = vector.shape_cast %swap3A_628 : vector<1x16xf32> to vector<16xf32>
        %swap3A_630 = vector.shape_cast %get3A_623 : vector<16xf32> to vector<1x16xf32>
        tpu.vector_store %arg7[%swap3A_626, %swap3A_627], %swap3A_630 {strides = array<i32>} : memref<128x64xf32, #tpu.memory_space<vmem>>, vector<1x16xf32>,
        %get3A_631 = arith.constant 1 : i32
        %get3A_632 = arith.index_cast %get3A_631 : i32 to index
        %get3A_633 = arith.index_cast %squeeze3A_591 : i32 to index
        %get3A_634 = arith.constant 48 : index
        %get3A_635 = tpu.vector_load %arg6[%get3A_632, %get3A_633, %get3A_634] {strides = array<i32>} : memref<16x8x64xf32, #tpu.memory_space<vmem>>, vector<1x1x16xf32>,
        %get3A_636 = vector.shape_cast %get3A_635 : vector<1x1x16xf32> to vector<16xf32>
        %add3A_637 = arith.constant 1 : i32
        %add3A_638 = arith.addi %mul3A_20, %add3A_637 : i32
        %swap3A_639 = arith.index_cast %add3A_638 : i32 to index
        %swap3A_640 = arith.constant 48 : index
        %swap3A_641 = tpu.vector_load %arg7[%swap3A_639, %swap3A_640] {strides = array<i32>} : memref<128x64xf32, #tpu.memory_space<vmem>>, vector<1x16xf32>,
        %swap3A_642 = vector.shape_cast %swap3A_641 : vector<1x16xf32> to vector<16xf32>
        %swap3A_643 = vector.shape_cast %get3A_636 : vector<16xf32> to vector<1x16xf32>
        tpu.vector_store %arg7[%swap3A_639, %swap3A_640], %swap3A_643 {strides = array<i32>} : memref<128x64xf32, #tpu.memory_space<vmem>>, vector<1x16xf32>,
        %slice3A_644 = vector.extract_strided_slice %rem3A_28 {offsets = [2], sizes = [1], strides = [1]} : vector<16xi32> to vector<1xi32>
        %squeeze3A_645 = vector.extract %slice3A_644[0] : i32 from vector<1xi32>
        %get3A_646 = arith.constant 2 : i32
        %get3A_647 = arith.index_cast %get3A_646 : i32 to index
        %get3A_648 = arith.index_cast %squeeze3A_645 : i32 to index
        %get3A_649 = arith.constant 0 : index
        %get3A_650 = tpu.vector_load %arg6[%get3A_647, %get3A_648, %get3A_649] {strides = array<i32>} : memref<16x8x64xf32, #tpu.memory_space<vmem>>, vector<1x1x16xf32>,
        %get3A_651 = vector.shape_cast %get3A_650 : vector<1x1x16xf32> to vector<16xf32>
        %add3A_652 = arith.constant 2 : i32
        %add3A_653 = arith.addi %mul3A_20, %add3A_652 : i32
        %swap3A_654 = arith.index_cast %add3A_653 : i32 to index
        %swap3A_655 = arith.constant 0 : index
        %swap3A_656 = tpu.vector_load %arg7[%swap3A_654, %swap3A_655] {strides = array<i32>} : memref<128x64xf32, #tpu.memory_space<vmem>>, vector<1x16xf32>,
        %swap3A_657 = vector.shape_cast %swap3A_656 : vector<1x16xf32> to vector<16xf32>
        %swap3A_658 = vector.shape_cast %get3A_651 : vector<16xf32> to vector<1x16xf32>
        tpu.vector_store %arg7[%swap3A_654, %swap3A_655], %swap3A_658 {strides = array<i32>} : memref<128x64xf32, #tpu.memory_space<vmem>>, vector<1x16xf32>,
        %get3A_659 = arith.constant 2 : i32
        %get3A_660 = arith.index_cast %get3A_659 : i32 to index
        %get3A_661 = arith.index_cast %squeeze3A_645 : i32 to index
        %get3A_662 = arith.constant 16 : index
        %get3A_663 = tpu.vector_load %arg6[%get3A_660, %get3A_661, %get3A_662] {strides = array<i32>} : memref<16x8x64xf32, #tpu.memory_space<vmem>>, vector<1x1x16xf32>,
        %get3A_664 = vector.shape_cast %get3A_663 : vector<1x1x16xf32> to vector<16xf32>
        %add3A_665 = arith.constant 2 : i32
        %add3A_666 = arith.addi %mul3A_20, %add3A_665 : i32
        %swap3A_667 = arith.index_cast %add3A_666 : i32 to index
        %swap3A_668 = arith.constant 16 : index
        %swap3A_669 = tpu.vector_load %arg7[%swap3A_667, %swap3A_668] {strides = array<i32>} : memref<128x64xf32, #tpu.memory_space<vmem>>, vector<1x16xf32>,
        %swap3A_670 = vector.shape_cast %swap3A_669 : vector<1x16xf32> to vector<16xf32>
        %swap3A_671 = vector.shape_cast %get3A_664 : vector<16xf32> to vector<1x16xf32>
        tpu.vector_store %arg7[%swap3A_667, %swap3A_668], %swap3A_671 {strides = array<i32>} : memref<128x64xf32, #tpu.memory_space<vmem>>, vector<1x16xf32>,
        %get3A_672 = arith.constant 2 : i32
        %get3A_673 = arith.index_cast %get3A_672 : i32 to index
        %get3A_674 = arith.index_cast %squeeze3A_645 : i32 to index
        %get3A_675 = arith.constant 32 : index
        %get3A_676 = tpu.vector_load %arg6[%get3A_673, %get3A_674, %get3A_675] {strides = array<i32>} : memref<16x8x64xf32, #tpu.memory_space<vmem>>, vector<1x1x16xf32>,
        %get3A_677 = vector.shape_cast %get3A_676 : vector<1x1x16xf32> to vector<16xf32>
        %add3A_678 = arith.constant 2 : i32
        %add3A_679 = arith.addi %mul3A_20, %add3A_678 : i32
        %swap3A_680 = arith.index_cast %add3A_679 : i32 to index
        %swap3A_681 = arith.constant 32 : index
        %swap3A_682 = tpu.vector_load %arg7[%swap3A_680, %swap3A_681] {strides = array<i32>} : memref<128x64xf32, #tpu.memory_space<vmem>>, vector<1x16xf32>,
        %swap3A_683 = vector.shape_cast %swap3A_682 : vector<1x16xf32> to vector<16xf32>
        %swap3A_684 = vector.shape_cast %get3A_677 : vector<16xf32> to vector<1x16xf32>
        tpu.vector_store %arg7[%swap3A_680, %swap3A_681], %swap3A_684 {strides = array<i32>} : memref<128x64xf32, #tpu.memory_space<vmem>>, vector<1x16xf32>,
        %get3A_685 = arith.constant 2 : i32
        %get3A_686 = arith.index_cast %get3A_685 : i32 to index
        %get3A_687 = arith.index_cast %squeeze3A_645 : i32 to index
        %get3A_688 = arith.constant 48 : index
        %get3A_689 = tpu.vector_load %arg6[%get3A_686, %get3A_687, %get3A_688] {strides = array<i32>} : memref<16x8x64xf32, #tpu.memory_space<vmem>>, vector<1x1x16xf32>,
        %get3A_690 = vector.shape_cast %get3A_689 : vector<1x1x16xf32> to vector<16xf32>
        %add3A_691 = arith.constant 2 : i32
        %add3A_692 = arith.addi %mul3A_20, %add3A_691 : i32
        %swap3A_693 = arith.index_cast %add3A_692 : i32 to index
        %swap3A_694 = arith.constant 48 : index
        %swap3A_695 = tpu.vector_load %arg7[%swap3A_693, %swap3A_694] {strides = array<i32>} : memref<128x64xf32, #tpu.memory_space<vmem>>, vector<1x16xf32>,
        %swap3A_696 = vector.shape_cast %swap3A_695 : vector<1x16xf32> to vector<16xf32>
        %swap3A_697 = vector.shape_cast %get3A_690 : vector<16xf32> to vector<1x16xf32>
        tpu.vector_store %arg7[%swap3A_693, %swap3A_694], %swap3A_697 {strides = array<i32>} : memref<128x64xf32, #tpu.memory_space<vmem>>, vector<1x16xf32>,
        %slice3A_698 = vector.extract_strided_slice %rem3A_28 {offsets = [3], sizes = [1], strides = [1]} : vector<16xi32> to vector<1xi32>
        %squeeze3A_699 = vector.extract %slice3A_698[0] : i32 from vector<1xi32>
        %get3A_700 = arith.constant 3 : i32
        %get3A_701 = arith.index_cast %get3A_700 : i32 to index
        %get3A_702 = arith.index_cast %squeeze3A_699 : i32 to index
        %get3A_703 = arith.constant 0 : index
        %get3A_704 = tpu.vector_load %arg6[%get3A_701, %get3A_702, %get3A_703] {strides = array<i32>} : memref<16x8x64xf32, #tpu.memory_space<vmem>>, vector<1x1x16xf32>,
        %get3A_705 = vector.shape_cast %get3A_704 : vector<1x1x16xf32> to vector<16xf32>
        %add3A_706 = arith.constant 3 : i32
        %add3A_707 = arith.addi %mul3A_20, %add3A_706 : i32
        %swap3A_708 = arith.index_cast %add3A_707 : i32 to index
        %swap3A_709 = arith.constant 0 : index
        %swap3A_710 = tpu.vector_load %arg7[%swap3A_708, %swap3A_709] {strides = array<i32>} : memref<128x64xf32, #tpu.memory_space<vmem>>, vector<1x16xf32>,
        %swap3A_711 = vector.shape_cast %swap3A_710 : vector<1x16xf32> to vector<16xf32>
        %swap3A_712 = vector.shape_cast %get3A_705 : vector<16xf32> to vector<1x16xf32>
        tpu.vector_store %arg7[%swap3A_708, %swap3A_709], %swap3A_712 {strides = array<i32>} : memref<128x64xf32, #tpu.memory_space<vmem>>, vector<1x16xf32>,
        %get3A_713 = arith.constant 3 : i32
        %get3A_714 = arith.index_cast %get3A_713 : i32 to index
        %get3A_715 = arith.index_cast %squeeze3A_699 : i32 to index
        %get3A_716 = arith.constant 16 : index
        %get3A_717 = tpu.vector_load %arg6[%get3A_714, %get3A_715, %get3A_716] {strides = array<i32>} : memref<16x8x64xf32, #tpu.memory_space<vmem>>, vector<1x1x16xf32>,
        %get3A_718 = vector.shape_cast %get3A_717 : vector<1x1x16xf32> to vector<16xf32>
        %add3A_719 = arith.constant 3 : i32
        %add3A_720 = arith.addi %mul3A_20, %add3A_719 : i32
        %swap3A_721 = arith.index_cast %add3A_720 : i32 to index
        %swap3A_722 = arith.constant 16 : index
        %swap3A_723 = tpu.vector_load %arg7[%swap3A_721, %swap3A_722] {strides = array<i32>} : memref<128x64xf32, #tpu.memory_space<vmem>>, vector<1x16xf32>,
        %swap3A_724 = vector.shape_cast %swap3A_723 : vector<1x16xf32> to vector<16xf32>
        %swap3A_725 = vector.shape_cast %get3A_718 : vector<16xf32> to vector<1x16xf32>
        tpu.vector_store %arg7[%swap3A_721, %swap3A_722], %swap3A_725 {strides = array<i32>} : memref<128x64xf32, #tpu.memory_space<vmem>>, vector<1x16xf32>,
        %get3A_726 = arith.constant 3 : i32
        %get3A_727 = arith.index_cast %get3A_726 : i32 to index
        %get3A_728 = arith.index_cast %squeeze3A_699 : i32 to index
        %get3A_729 = arith.constant 32 : index
        %get3A_730 = tpu.vector_load %arg6[%get3A_727, %get3A_728, %get3A_729] {strides = array<i32>} : memref<16x8x64xf32, #tpu.memory_space<vmem>>, vector<1x1x16xf32>,
        %get3A_731 = vector.shape_cast %get3A_730 : vector<1x1x16xf32> to vector<16xf32>
        %add3A_732 = arith.constant 3 : i32
        %add3A_733 = arith.addi %mul3A_20, %add3A_732 : i32
        %swap3A_734 = arith.index_cast %add3A_733 : i32 to index
        %swap3A_735 = arith.constant 32 : index
        %swap3A_736 = tpu.vector_load %arg7[%swap3A_734, %swap3A_735] {strides = array<i32>} : memref<128x64xf32, #tpu.memory_space<vmem>>, vector<1x16xf32>,
        %swap3A_737 = vector.shape_cast %swap3A_736 : vector<1x16xf32> to vector<16xf32>
        %swap3A_738 = vector.shape_cast %get3A_731 : vector<16xf32> to vector<1x16xf32>
        tpu.vector_store %arg7[%swap3A_734, %swap3A_735], %swap3A_738 {strides = array<i32>} : memref<128x64xf32, #tpu.memory_space<vmem>>, vector<1x16xf32>,
        %get3A_739 = arith.constant 3 : i32
        %get3A_740 = arith.index_cast %get3A_739 : i32 to index
        %get3A_741 = arith.index_cast %squeeze3A_699 : i32 to index
        %get3A_742 = arith.constant 48 : index
        %get3A_743 = tpu.vector_load %arg6[%get3A_740, %get3A_741, %get3A_742] {strides = array<i32>} : memref<16x8x64xf32, #tpu.memory_space<vmem>>, vector<1x1x16xf32>,
        %get3A_744 = vector.shape_cast %get3A_743 : vector<1x1x16xf32> to vector<16xf32>
        %add3A_745 = arith.constant 3 : i32
        %add3A_746 = arith.addi %mul3A_20, %add3A_745 : i32
        %swap3A_747 = arith.index_cast %add3A_746 : i32 to index
        %swap3A_748 = arith.constant 48 : index
        %swap3A_749 = tpu.vector_load %arg7[%swap3A_747, %swap3A_748] {strides = array<i32>} : memref<128x64xf32, #tpu.memory_space<vmem>>, vector<1x16xf32>,
        %swap3A_750 = vector.shape_cast %swap3A_749 : vector<1x16xf32> to vector<16xf32>
        %swap3A_751 = vector.shape_cast %get3A_744 : vector<16xf32> to vector<1x16xf32>
        tpu.vector_store %arg7[%swap3A_747, %swap3A_748], %swap3A_751 {strides = array<i32>} : memref<128x64xf32, #tpu.memory_space<vmem>>, vector<1x16xf32>,
        %slice3A_752 = vector.extract_strided_slice %rem3A_28 {offsets = [4], sizes = [1], strides = [1]} : vector<16xi32> to vector<1xi32>
        %squeeze3A_753 = vector.extract %slice3A_752[0] : i32 from vector<1xi32>
        %get3A_754 = arith.constant 4 : i32
        %get3A_755 = arith.index_cast %get3A_754 : i32 to index
        %get3A_756 = arith.index_cast %squeeze3A_753 : i32 to index
        %get3A_757 = arith.constant 0 : index
        %get3A_758 = tpu.vector_load %arg6[%get3A_755, %get3A_756, %get3A_757] {strides = array<i32>} : memref<16x8x64xf32, #tpu.memory_space<vmem>>, vector<1x1x16xf32>,
        %get3A_759 = vector.shape_cast %get3A_758 : vector<1x1x16xf32> to vector<16xf32>
        %add3A_760 = arith.constant 4 : i32
        %add3A_761 = arith.addi %mul3A_20, %add3A_760 : i32
        %swap3A_762 = arith.index_cast %add3A_761 : i32 to index
        %swap3A_763 = arith.constant 0 : index
        %swap3A_764 = tpu.vector_load %arg7[%swap3A_762, %swap3A_763] {strides = array<i32>} : memref<128x64xf32, #tpu.memory_space<vmem>>, vector<1x16xf32>,
        %swap3A_765 = vector.shape_cast %swap3A_764 : vector<1x16xf32> to vector<16xf32>
        %swap3A_766 = vector.shape_cast %get3A_759 : vector<16xf32> to vector<1x16xf32>
        tpu.vector_store %arg7[%swap3A_762, %swap3A_763], %swap3A_766 {strides = array<i32>} : memref<128x64xf32, #tpu.memory_space<vmem>>, vector<1x16xf32>,
        %get3A_767 = arith.constant 4 : i32
        %get3A_768 = arith.index_cast %get3A_767 : i32 to index
        %get3A_769 = arith.index_cast %squeeze3A_753 : i32 to index
        %get3A_770 = arith.constant 16 : index
        %get3A_771 = tpu.vector_load %arg6[%get3A_768, %get3A_769, %get3A_770] {strides = array<i32>} : memref<16x8x64xf32, #tpu.memory_space<vmem>>, vector<1x1x16xf32>,
        %get3A_772 = vector.shape_cast %get3A_771 : vector<1x1x16xf32> to vector<16xf32>
        %add3A_773 = arith.constant 4 : i32
        %add3A_774 = arith.addi %mul3A_20, %add3A_773 : i32
        %swap3A_775 = arith.index_cast %add3A_774 : i32 to index
        %swap3A_776 = arith.constant 16 : index
        %swap3A_777 = tpu.vector_load %arg7[%swap3A_775, %swap3A_776] {strides = array<i32>} : memref<128x64xf32, #tpu.memory_space<vmem>>, vector<1x16xf32>,
        %swap3A_778 = vector.shape_cast %swap3A_777 : vector<1x16xf32> to vector<16xf32>
        %swap3A_779 = vector.shape_cast %get3A_772 : vector<16xf32> to vector<1x16xf32>
        tpu.vector_store %arg7[%swap3A_775, %swap3A_776], %swap3A_779 {strides = array<i32>} : memref<128x64xf32, #tpu.memory_space<vmem>>, vector<1x16xf32>,
        %get3A_780 = arith.constant 4 : i32
        %get3A_781 = arith.index_cast %get3A_780 : i32 to index
        %get3A_782 = arith.index_cast %squeeze3A_753 : i32 to index
        %get3A_783 = arith.constant 32 : index
        %get3A_784 = tpu.vector_load %arg6[%get3A_781, %get3A_782, %get3A_783] {strides = array<i32>} : memref<16x8x64xf32, #tpu.memory_space<vmem>>, vector<1x1x16xf32>,
        %get3A_785 = vector.shape_cast %get3A_784 : vector<1x1x16xf32> to vector<16xf32>
        %add3A_786 = arith.constant 4 : i32
        %add3A_787 = arith.addi %mul3A_20, %add3A_786 : i32
        %swap3A_788 = arith.index_cast %add3A_787 : i32 to index
        %swap3A_789 = arith.constant 32 : index
        %swap3A_790 = tpu.vector_load %arg7[%swap3A_788, %swap3A_789] {strides = array<i32>} : memref<128x64xf32, #tpu.memory_space<vmem>>, vector<1x16xf32>,
        %swap3A_791 = vector.shape_cast %swap3A_790 : vector<1x16xf32> to vector<16xf32>
        %swap3A_792 = vector.shape_cast %get3A_785 : vector<16xf32> to vector<1x16xf32>
        tpu.vector_store %arg7[%swap3A_788, %swap3A_789], %swap3A_792 {strides = array<i32>} : memref<128x64xf32, #tpu.memory_space<vmem>>, vector<1x16xf32>,
        %get3A_793 = arith.constant 4 : i32
        %get3A_794 = arith.index_cast %get3A_793 : i32 to index
        %get3A_795 = arith.index_cast %squeeze3A_753 : i32 to index
        %get3A_796 = arith.constant 48 : index
        %get3A_797 = tpu.vector_load %arg6[%get3A_794, %get3A_795, %get3A_796] {strides = array<i32>} : memref<16x8x64xf32, #tpu.memory_space<vmem>>, vector<1x1x16xf32>,
        %get3A_798 = vector.shape_cast %get3A_797 : vector<1x1x16xf32> to vector<16xf32>
        %add3A_799 = arith.constant 4 : i32
        %add3A_800 = arith.addi %mul3A_20, %add3A_799 : i32
        %swap3A_801 = arith.index_cast %add3A_800 : i32 to index
        %swap3A_802 = arith.constant 48 : index
        %swap3A_803 = tpu.vector_load %arg7[%swap3A_801, %swap3A_802] {strides = array<i32>} : memref<128x64xf32, #tpu.memory_space<vmem>>, vector<1x16xf32>,
        %swap3A_804 = vector.shape_cast %swap3A_803 : vector<1x16xf32> to vector<16xf32>
        %swap3A_805 = vector.shape_cast %get3A_798 : vector<16xf32> to vector<1x16xf32>
        tpu.vector_store %arg7[%swap3A_801, %swap3A_802], %swap3A_805 {strides = array<i32>} : memref<128x64xf32, #tpu.memory_space<vmem>>, vector<1x16xf32>,
        %slice3A_806 = vector.extract_strided_slice %rem3A_28 {offsets = [5], sizes = [1], strides = [1]} : vector<16xi32> to vector<1xi32>
        %squeeze3A_807 = vector.extract %slice3A_806[0] : i32 from vector<1xi32>
        %get3A_808 = arith.constant 5 : i32
        %get3A_809 = arith.index_cast %get3A_808 : i32 to index
        %get3A_810 = arith.index_cast %squeeze3A_807 : i32 to index
        %get3A_811 = arith.constant 0 : index
        %get3A_812 = tpu.vector_load %arg6[%get3A_809, %get3A_810, %get3A_811] {strides = array<i32>} : memref<16x8x64xf32, #tpu.memory_space<vmem>>, vector<1x1x16xf32>,
        %get3A_813 = vector.shape_cast %get3A_812 : vector<1x1x16xf32> to vector<16xf32>
        %add3A_814 = arith.constant 5 : i32
        %add3A_815 = arith.addi %mul3A_20, %add3A_814 : i32
        %swap3A_816 = arith.index_cast %add3A_815 : i32 to index
        %swap3A_817 = arith.constant 0 : index
        %swap3A_818 = tpu.vector_load %arg7[%swap3A_816, %swap3A_817] {strides = array<i32>} : memref<128x64xf32, #tpu.memory_space<vmem>>, vector<1x16xf32>,
        %swap3A_819 = vector.shape_cast %swap3A_818 : vector<1x16xf32> to vector<16xf32>
        %swap3A_820 = vector.shape_cast %get3A_813 : vector<16xf32> to vector<1x16xf32>
        tpu.vector_store %arg7[%swap3A_816, %swap3A_817], %swap3A_820 {strides = array<i32>} : memref<128x64xf32, #tpu.memory_space<vmem>>, vector<1x16xf32>,
        %get3A_821 = arith.constant 5 : i32
        %get3A_822 = arith.index_cast %get3A_821 : i32 to index
        %get3A_823 = arith.index_cast %squeeze3A_807 : i32 to index
        %get3A_824 = arith.constant 16 : index
        %get3A_825 = tpu.vector_load %arg6[%get3A_822, %get3A_823, %get3A_824] {strides = array<i32>} : memref<16x8x64xf32, #tpu.memory_space<vmem>>, vector<1x1x16xf32>,
        %get3A_826 = vector.shape_cast %get3A_825 : vector<1x1x16xf32> to vector<16xf32>
        %add3A_827 = arith.constant 5 : i32
        %add3A_828 = arith.addi %mul3A_20, %add3A_827 : i32
        %swap3A_829 = arith.index_cast %add3A_828 : i32 to index
        %swap3A_830 = arith.constant 16 : index
        %swap3A_831 = tpu.vector_load %arg7[%swap3A_829, %swap3A_830] {strides = array<i32>} : memref<128x64xf32, #tpu.memory_space<vmem>>, vector<1x16xf32>,
        %swap3A_832 = vector.shape_cast %swap3A_831 : vector<1x16xf32> to vector<16xf32>
        %swap3A_833 = vector.shape_cast %get3A_826 : vector<16xf32> to vector<1x16xf32>
        tpu.vector_store %arg7[%swap3A_829, %swap3A_830], %swap3A_833 {strides = array<i32>} : memref<128x64xf32, #tpu.memory_space<vmem>>, vector<1x16xf32>,
        %get3A_834 = arith.constant 5 : i32
        %get3A_835 = arith.index_cast %get3A_834 : i32 to index
        %get3A_836 = arith.index_cast %squeeze3A_807 : i32 to index
        %get3A_837 = arith.constant 32 : index
        %get3A_838 = tpu.vector_load %arg6[%get3A_835, %get3A_836, %get3A_837] {strides = array<i32>} : memref<16x8x64xf32, #tpu.memory_space<vmem>>, vector<1x1x16xf32>,
        %get3A_839 = vector.shape_cast %get3A_838 : vector<1x1x16xf32> to vector<16xf32>
        %add3A_840 = arith.constant 5 : i32
        %add3A_841 = arith.addi %mul3A_20, %add3A_840 : i32
        %swap3A_842 = arith.index_cast %add3A_841 : i32 to index
        %swap3A_843 = arith.constant 32 : index
        %swap3A_844 = tpu.vector_load %arg7[%swap3A_842, %swap3A_843] {strides = array<i32>} : memref<128x64xf32, #tpu.memory_space<vmem>>, vector<1x16xf32>,
        %swap3A_845 = vector.shape_cast %swap3A_844 : vector<1x16xf32> to vector<16xf32>
        %swap3A_846 = vector.shape_cast %get3A_839 : vector<16xf32> to vector<1x16xf32>
        tpu.vector_store %arg7[%swap3A_842, %swap3A_843], %swap3A_846 {strides = array<i32>} : memref<128x64xf32, #tpu.memory_space<vmem>>, vector<1x16xf32>,
        %get3A_847 = arith.constant 5 : i32
        %get3A_848 = arith.index_cast %get3A_847 : i32 to index
        %get3A_849 = arith.index_cast %squeeze3A_807 : i32 to index
        %get3A_850 = arith.constant 48 : index
        %get3A_851 = tpu.vector_load %arg6[%get3A_848, %get3A_849, %get3A_850] {strides = array<i32>} : memref<16x8x64xf32, #tpu.memory_space<vmem>>, vector<1x1x16xf32>,
        %get3A_852 = vector.shape_cast %get3A_851 : vector<1x1x16xf32> to vector<16xf32>
        %add3A_853 = arith.constant 5 : i32
        %add3A_854 = arith.addi %mul3A_20, %add3A_853 : i32
        %swap3A_855 = arith.index_cast %add3A_854 : i32 to index
        %swap3A_856 = arith.constant 48 : index
        %swap3A_857 = tpu.vector_load %arg7[%swap3A_855, %swap3A_856] {strides = array<i32>} : memref<128x64xf32, #tpu.memory_space<vmem>>, vector<1x16xf32>,
        %swap3A_858 = vector.shape_cast %swap3A_857 : vector<1x16xf32> to vector<16xf32>
        %swap3A_859 = vector.shape_cast %get3A_852 : vector<16xf32> to vector<1x16xf32>
        tpu.vector_store %arg7[%swap3A_855, %swap3A_856], %swap3A_859 {strides = array<i32>} : memref<128x64xf32, #tpu.memory_space<vmem>>, vector<1x16xf32>,
        %slice3A_860 = vector.extract_strided_slice %rem3A_28 {offsets = [6], sizes = [1], strides = [1]} : vector<16xi32> to vector<1xi32>
        %squeeze3A_861 = vector.extract %slice3A_860[0] : i32 from vector<1xi32>
        %get3A_862 = arith.constant 6 : i32
        %get3A_863 = arith.index_cast %get3A_862 : i32 to index
        %get3A_864 = arith.index_cast %squeeze3A_861 : i32 to index
        %get3A_865 = arith.constant 0 : index
        %get3A_866 = tpu.vector_load %arg6[%get3A_863, %get3A_864, %get3A_865] {strides = array<i32>} : memref<16x8x64xf32, #tpu.memory_space<vmem>>, vector<1x1x16xf32>,
        %get3A_867 = vector.shape_cast %get3A_866 : vector<1x1x16xf32> to vector<16xf32>
        %add3A_868 = arith.constant 6 : i32
        %add3A_869 = arith.addi %mul3A_20, %add3A_868 : i32
        %swap3A_870 = arith.index_cast %add3A_869 : i32 to index
        %swap3A_871 = arith.constant 0 : index
        %swap3A_872 = tpu.vector_load %arg7[%swap3A_870, %swap3A_871] {strides = array<i32>} : memref<128x64xf32, #tpu.memory_space<vmem>>, vector<1x16xf32>,
        %swap3A_873 = vector.shape_cast %swap3A_872 : vector<1x16xf32> to vector<16xf32>
        %swap3A_874 = vector.shape_cast %get3A_867 : vector<16xf32> to vector<1x16xf32>
        tpu.vector_store %arg7[%swap3A_870, %swap3A_871], %swap3A_874 {strides = array<i32>} : memref<128x64xf32, #tpu.memory_space<vmem>>, vector<1x16xf32>,
        %get3A_875 = arith.constant 6 : i32
        %get3A_876 = arith.index_cast %get3A_875 : i32 to index
        %get3A_877 = arith.index_cast %squeeze3A_861 : i32 to index
        %get3A_878 = arith.constant 16 : index
        %get3A_879 = tpu.vector_load %arg6[%get3A_876, %get3A_877, %get3A_878] {strides = array<i32>} : memref<16x8x64xf32, #tpu.memory_space<vmem>>, vector<1x1x16xf32>,
        %get3A_880 = vector.shape_cast %get3A_879 : vector<1x1x16xf32> to vector<16xf32>
        %add3A_881 = arith.constant 6 : i32
        %add3A_882 = arith.addi %mul3A_20, %add3A_881 : i32
        %swap3A_883 = arith.index_cast %add3A_882 : i32 to index
        %swap3A_884 = arith.constant 16 : index
        %swap3A_885 = tpu.vector_load %arg7[%swap3A_883, %swap3A_884] {strides = array<i32>} : memref<128x64xf32, #tpu.memory_space<vmem>>, vector<1x16xf32>,
        %swap3A_886 = vector.shape_cast %swap3A_885 : vector<1x16xf32> to vector<16xf32>
        %swap3A_887 = vector.shape_cast %get3A_880 : vector<16xf32> to vector<1x16xf32>
        tpu.vector_store %arg7[%swap3A_883, %swap3A_884], %swap3A_887 {strides = array<i32>} : memref<128x64xf32, #tpu.memory_space<vmem>>, vector<1x16xf32>,
        %get3A_888 = arith.constant 6 : i32
        %get3A_889 = arith.index_cast %get3A_888 : i32 to index
        %get3A_890 = arith.index_cast %squeeze3A_861 : i32 to index
        %get3A_891 = arith.constant 32 : index
        %get3A_892 = tpu.vector_load %arg6[%get3A_889, %get3A_890, %get3A_891] {strides = array<i32>} : memref<16x8x64xf32, #tpu.memory_space<vmem>>, vector<1x1x16xf32>,
        %get3A_893 = vector.shape_cast %get3A_892 : vector<1x1x16xf32> to vector<16xf32>
        %add3A_894 = arith.constant 6 : i32
        %add3A_895 = arith.addi %mul3A_20, %add3A_894 : i32
        %swap3A_896 = arith.index_cast %add3A_895 : i32 to index
        %swap3A_897 = arith.constant 32 : index
        %swap3A_898 = tpu.vector_load %arg7[%swap3A_896, %swap3A_897] {strides = array<i32>} : memref<128x64xf32, #tpu.memory_space<vmem>>, vector<1x16xf32>,
        %swap3A_899 = vector.shape_cast %swap3A_898 : vector<1x16xf32> to vector<16xf32>
        %swap3A_900 = vector.shape_cast %get3A_893 : vector<16xf32> to vector<1x16xf32>
        tpu.vector_store %arg7[%swap3A_896, %swap3A_897], %swap3A_900 {strides = array<i32>} : memref<128x64xf32, #tpu.memory_space<vmem>>, vector<1x16xf32>,
        %get3A_901 = arith.constant 6 : i32
        %get3A_902 = arith.index_cast %get3A_901 : i32 to index
        %get3A_903 = arith.index_cast %squeeze3A_861 : i32 to index
        %get3A_904 = arith.constant 48 : index
        %get3A_905 = tpu.vector_load %arg6[%get3A_902, %get3A_903, %get3A_904] {strides = array<i32>} : memref<16x8x64xf32, #tpu.memory_space<vmem>>, vector<1x1x16xf32>,
        %get3A_906 = vector.shape_cast %get3A_905 : vector<1x1x16xf32> to vector<16xf32>
        %add3A_907 = arith.constant 6 : i32
        %add3A_908 = arith.addi %mul3A_20, %add3A_907 : i32
        %swap3A_909 = arith.index_cast %add3A_908 : i32 to index
        %swap3A_910 = arith.constant 48 : index
        %swap3A_911 = tpu.vector_load %arg7[%swap3A_909, %swap3A_910] {strides = array<i32>} : memref<128x64xf32, #tpu.memory_space<vmem>>, vector<1x16xf32>,
        %swap3A_912 = vector.shape_cast %swap3A_911 : vector<1x16xf32> to vector<16xf32>
        %swap3A_913 = vector.shape_cast %get3A_906 : vector<16xf32> to vector<1x16xf32>
        tpu.vector_store %arg7[%swap3A_909, %swap3A_910], %swap3A_913 {strides = array<i32>} : memref<128x64xf32, #tpu.memory_space<vmem>>, vector<1x16xf32>,
        %slice3A_914 = vector.extract_strided_slice %rem3A_28 {offsets = [7], sizes = [1], strides = [1]} : vector<16xi32> to vector<1xi32>
        %squeeze3A_915 = vector.extract %slice3A_914[0] : i32 from vector<1xi32>
        %get3A_916 = arith.constant 7 : i32
        %get3A_917 = arith.index_cast %get3A_916 : i32 to index
        %get3A_918 = arith.index_cast %squeeze3A_915 : i32 to index
        %get3A_919 = arith.constant 0 : index
        %get3A_920 = tpu.vector_load %arg6[%get3A_917, %get3A_918, %get3A_919] {strides = array<i32>} : memref<16x8x64xf32, #tpu.memory_space<vmem>>, vector<1x1x16xf32>,
        %get3A_921 = vector.shape_cast %get3A_920 : vector<1x1x16xf32> to vector<16xf32>
        %add3A_922 = arith.constant 7 : i32
        %add3A_923 = arith.addi %mul3A_20, %add3A_922 : i32
        %swap3A_924 = arith.index_cast %add3A_923 : i32 to index
        %swap3A_925 = arith.constant 0 : index
        %swap3A_926 = tpu.vector_load %arg7[%swap3A_924, %swap3A_925] {strides = array<i32>} : memref<128x64xf32, #tpu.memory_space<vmem>>, vector<1x16xf32>,
        %swap3A_927 = vector.shape_cast %swap3A_926 : vector<1x16xf32> to vector<16xf32>
        %swap3A_928 = vector.shape_cast %get3A_921 : vector<16xf32> to vector<1x16xf32>
        tpu.vector_store %arg7[%swap3A_924, %swap3A_925], %swap3A_928 {strides = array<i32>} : memref<128x64xf32, #tpu.memory_space<vmem>>, vector<1x16xf32>,
        %get3A_929 = arith.constant 7 : i32
        %get3A_930 = arith.index_cast %get3A_929 : i32 to index
        %get3A_931 = arith.index_cast %squeeze3A_915 : i32 to index
        %get3A_932 = arith.constant 16 : index
        %get3A_933 = tpu.vector_load %arg6[%get3A_930, %get3A_931, %get3A_932] {strides = array<i32>} : memref<16x8x64xf32, #tpu.memory_space<vmem>>, vector<1x1x16xf32>,
        %get3A_934 = vector.shape_cast %get3A_933 : vector<1x1x16xf32> to vector<16xf32>
        %add3A_935 = arith.constant 7 : i32
        %add3A_936 = arith.addi %mul3A_20, %add3A_935 : i32
        %swap3A_937 = arith.index_cast %add3A_936 : i32 to index
        %swap3A_938 = arith.constant 16 : index
        %swap3A_939 = tpu.vector_load %arg7[%swap3A_937, %swap3A_938] {strides = array<i32>} : memref<128x64xf32, #tpu.memory_space<vmem>>, vector<1x16xf32>,
        %swap3A_940 = vector.shape_cast %swap3A_939 : vector<1x16xf32> to vector<16xf32>
        %swap3A_941 = vector.shape_cast %get3A_934 : vector<16xf32> to vector<1x16xf32>
        tpu.vector_store %arg7[%swap3A_937, %swap3A_938], %swap3A_941 {strides = array<i32>} : memref<128x64xf32, #tpu.memory_space<vmem>>, vector<1x16xf32>,
        %get3A_942 = arith.constant 7 : i32
        %get3A_943 = arith.index_cast %get3A_942 : i32 to index
        %get3A_944 = arith.index_cast %squeeze3A_915 : i32 to index
        %get3A_945 = arith.constant 32 : index
        %get3A_946 = tpu.vector_load %arg6[%get3A_943, %get3A_944, %get3A_945] {strides = array<i32>} : memref<16x8x64xf32, #tpu.memory_space<vmem>>, vector<1x1x16xf32>,
        %get3A_947 = vector.shape_cast %get3A_946 : vector<1x1x16xf32> to vector<16xf32>
        %add3A_948 = arith.constant 7 : i32
        %add3A_949 = arith.addi %mul3A_20, %add3A_948 : i32
        %swap3A_950 = arith.index_cast %add3A_949 : i32 to index
        %swap3A_951 = arith.constant 32 : index
        %swap3A_952 = tpu.vector_load %arg7[%swap3A_950, %swap3A_951] {strides = array<i32>} : memref<128x64xf32, #tpu.memory_space<vmem>>, vector<1x16xf32>,
        %swap3A_953 = vector.shape_cast %swap3A_952 : vector<1x16xf32> to vector<16xf32>
        %swap3A_954 = vector.shape_cast %get3A_947 : vector<16xf32> to vector<1x16xf32>
        tpu.vector_store %arg7[%swap3A_950, %swap3A_951], %swap3A_954 {strides = array<i32>} : memref<128x64xf32, #tpu.memory_space<vmem>>, vector<1x16xf32>,
        %get3A_955 = arith.constant 7 : i32
        %get3A_956 = arith.index_cast %get3A_955 : i32 to index
        %get3A_957 = arith.index_cast %squeeze3A_915 : i32 to index
        %get3A_958 = arith.constant 48 : index
        %get3A_959 = tpu.vector_load %arg6[%get3A_956, %get3A_957, %get3A_958] {strides = array<i32>} : memref<16x8x64xf32, #tpu.memory_space<vmem>>, vector<1x1x16xf32>,
        %get3A_960 = vector.shape_cast %get3A_959 : vector<1x1x16xf32> to vector<16xf32>
        %add3A_961 = arith.constant 7 : i32
        %add3A_962 = arith.addi %mul3A_20, %add3A_961 : i32
        %swap3A_963 = arith.index_cast %add3A_962 : i32 to index
        %swap3A_964 = arith.constant 48 : index
        %swap3A_965 = tpu.vector_load %arg7[%swap3A_963, %swap3A_964] {strides = array<i32>} : memref<128x64xf32, #tpu.memory_space<vmem>>, vector<1x16xf32>,
        %swap3A_966 = vector.shape_cast %swap3A_965 : vector<1x16xf32> to vector<16xf32>
        %swap3A_967 = vector.shape_cast %get3A_960 : vector<16xf32> to vector<1x16xf32>
        tpu.vector_store %arg7[%swap3A_963, %swap3A_964], %swap3A_967 {strides = array<i32>} : memref<128x64xf32, #tpu.memory_space<vmem>>, vector<1x16xf32>,
        %slice3A_968 = vector.extract_strided_slice %rem3A_28 {offsets = [8], sizes = [1], strides = [1]} : vector<16xi32> to vector<1xi32>
        %squeeze3A_969 = vector.extract %slice3A_968[0] : i32 from vector<1xi32>
        %get3A_970 = arith.constant 8 : i32
        %get3A_971 = arith.index_cast %get3A_970 : i32 to index
        %get3A_972 = arith.index_cast %squeeze3A_969 : i32 to index
        %get3A_973 = arith.constant 0 : index
        %get3A_974 = tpu.vector_load %arg6[%get3A_971, %get3A_972, %get3A_973] {strides = array<i32>} : memref<16x8x64xf32, #tpu.memory_space<vmem>>, vector<1x1x16xf32>,
        %get3A_975 = vector.shape_cast %get3A_974 : vector<1x1x16xf32> to vector<16xf32>
        %add3A_976 = arith.constant 8 : i32
        %add3A_977 = arith.addi %mul3A_20, %add3A_976 : i32
        %swap3A_978 = arith.index_cast %add3A_977 : i32 to index
        %swap3A_979 = arith.constant 0 : index
        %swap3A_980 = tpu.vector_load %arg7[%swap3A_978, %swap3A_979] {strides = array<i32>} : memref<128x64xf32, #tpu.memory_space<vmem>>, vector<1x16xf32>,
        %swap3A_981 = vector.shape_cast %swap3A_980 : vector<1x16xf32> to vector<16xf32>
        %swap3A_982 = vector.shape_cast %get3A_975 : vector<16xf32> to vector<1x16xf32>
        tpu.vector_store %arg7[%swap3A_978, %swap3A_979], %swap3A_982 {strides = array<i32>} : memref<128x64xf32, #tpu.memory_space<vmem>>, vector<1x16xf32>,
        %get3A_983 = arith.constant 8 : i32
        %get3A_984 = arith.index_cast %get3A_983 : i32 to index
        %get3A_985 = arith.index_cast %squeeze3A_969 : i32 to index
        %get3A_986 = arith.constant 16 : index
        %get3A_987 = tpu.vector_load %arg6[%get3A_984, %get3A_985, %get3A_986] {strides = array<i32>} : memref<16x8x64xf32, #tpu.memory_space<vmem>>, vector<1x1x16xf32>,
        %get3A_988 = vector.shape_cast %get3A_987 : vector<1x1x16xf32> to vector<16xf32>
        %add3A_989 = arith.constant 8 : i32
        %add3A_990 = arith.addi %mul3A_20, %add3A_989 : i32
        %swap3A_991 = arith.index_cast %add3A_990 : i32 to index
        %swap3A_992 = arith.constant 16 : index
        %swap3A_993 = tpu.vector_load %arg7[%swap3A_991, %swap3A_992] {strides = array<i32>} : memref<128x64xf32, #tpu.memory_space<vmem>>, vector<1x16xf32>,
        %swap3A_994 = vector.shape_cast %swap3A_993 : vector<1x16xf32> to vector<16xf32>
        %swap3A_995 = vector.shape_cast %get3A_988 : vector<16xf32> to vector<1x16xf32>
        tpu.vector_store %arg7[%swap3A_991, %swap3A_992], %swap3A_995 {strides = array<i32>} : memref<128x64xf32, #tpu.memory_space<vmem>>, vector<1x16xf32>,
        %get3A_996 = arith.constant 8 : i32
        %get3A_997 = arith.index_cast %get3A_996 : i32 to index
        %get3A_998 = arith.index_cast %squeeze3A_969 : i32 to index
        %get3A_999 = arith.constant 32 : index
        %get3A_1000 = tpu.vector_load %arg6[%get3A_997, %get3A_998, %get3A_999] {strides = array<i32>} : memref<16x8x64xf32, #tpu.memory_space<vmem>>, vector<1x1x16xf32>,
        %get3A_1001 = vector.shape_cast %get3A_1000 : vector<1x1x16xf32> to vector<16xf32>
        %add3A_1002 = arith.constant 8 : i32
        %add3A_1003 = arith.addi %mul3A_20, %add3A_1002 : i32
        %swap3A_1004 = arith.index_cast %add3A_1003 : i32 to index
        %swap3A_1005 = arith.constant 32 : index
        %swap3A_1006 = tpu.vector_load %arg7[%swap3A_1004, %swap3A_1005] {strides = array<i32>} : memref<128x64xf32, #tpu.memory_space<vmem>>, vector<1x16xf32>,
        %swap3A_1007 = vector.shape_cast %swap3A_1006 : vector<1x16xf32> to vector<16xf32>
        %swap3A_1008 = vector.shape_cast %get3A_1001 : vector<16xf32> to vector<1x16xf32>
        tpu.vector_store %arg7[%swap3A_1004, %swap3A_1005], %swap3A_1008 {strides = array<i32>} : memref<128x64xf32, #tpu.memory_space<vmem>>, vector<1x16xf32>,
        %get3A_1009 = arith.constant 8 : i32
        %get3A_1010 = arith.index_cast %get3A_1009 : i32 to index
        %get3A_1011 = arith.index_cast %squeeze3A_969 : i32 to index
        %get3A_1012 = arith.constant 48 : index
        %get3A_1013 = tpu.vector_load %arg6[%get3A_1010, %get3A_1011, %get3A_1012] {strides = array<i32>} : memref<16x8x64xf32, #tpu.memory_space<vmem>>, vector<1x1x16xf32>,
        %get3A_1014 = vector.shape_cast %get3A_1013 : vector<1x1x16xf32> to vector<16xf32>
        %add3A_1015 = arith.constant 8 : i32
        %add3A_1016 = arith.addi %mul3A_20, %add3A_1015 : i32
        %swap3A_1017 = arith.index_cast %add3A_1016 : i32 to index
        %swap3A_1018 = arith.constant 48 : index
        %swap3A_1019 = tpu.vector_load %arg7[%swap3A_1017, %swap3A_1018] {strides = array<i32>} : memref<128x64xf32, #tpu.memory_space<vmem>>, vector<1x16xf32>,
        %swap3A_1020 = vector.shape_cast %swap3A_1019 : vector<1x16xf32> to vector<16xf32>
        %swap3A_1021 = vector.shape_cast %get3A_1014 : vector<16xf32> to vector<1x16xf32>
        tpu.vector_store %arg7[%swap3A_1017, %swap3A_1018], %swap3A_1021 {strides = array<i32>} : memref<128x64xf32, #tpu.memory_space<vmem>>, vector<1x16xf32>,
        %slice3A_1022 = vector.extract_strided_slice %rem3A_28 {offsets = [9], sizes = [1], strides = [1]} : vector<16xi32> to vector<1xi32>
        %squeeze3A_1023 = vector.extract %slice3A_1022[0] : i32 from vector<1xi32>
        %get3A_1024 = arith.constant 9 : i32
        %get3A_1025 = arith.index_cast %get3A_1024 : i32 to index
        %get3A_1026 = arith.index_cast %squeeze3A_1023 : i32 to index
        %get3A_1027 = arith.constant 0 : index
        %get3A_1028 = tpu.vector_load %arg6[%get3A_1025, %get3A_1026, %get3A_1027] {strides = array<i32>} : memref<16x8x64xf32, #tpu.memory_space<vmem>>, vector<1x1x16xf32>,
        %get3A_1029 = vector.shape_cast %get3A_1028 : vector<1x1x16xf32> to vector<16xf32>
        %add3A_1030 = arith.constant 9 : i32
        %add3A_1031 = arith.addi %mul3A_20, %add3A_1030 : i32
        %swap3A_1032 = arith.index_cast %add3A_1031 : i32 to index
        %swap3A_1033 = arith.constant 0 : index
        %swap3A_1034 = tpu.vector_load %arg7[%swap3A_1032, %swap3A_1033] {strides = array<i32>} : memref<128x64xf32, #tpu.memory_space<vmem>>, vector<1x16xf32>,
        %swap3A_1035 = vector.shape_cast %swap3A_1034 : vector<1x16xf32> to vector<16xf32>
        %swap3A_1036 = vector.shape_cast %get3A_1029 : vector<16xf32> to vector<1x16xf32>
        tpu.vector_store %arg7[%swap3A_1032, %swap3A_1033], %swap3A_1036 {strides = array<i32>} : memref<128x64xf32, #tpu.memory_space<vmem>>, vector<1x16xf32>,
        %get3A_1037 = arith.constant 9 : i32
        %get3A_1038 = arith.index_cast %get3A_1037 : i32 to index
        %get3A_1039 = arith.index_cast %squeeze3A_1023 : i32 to index
        %get3A_1040 = arith.constant 16 : index
        %get3A_1041 = tpu.vector_load %arg6[%get3A_1038, %get3A_1039, %get3A_1040] {strides = array<i32>} : memref<16x8x64xf32, #tpu.memory_space<vmem>>, vector<1x1x16xf32>,
        %get3A_1042 = vector.shape_cast %get3A_1041 : vector<1x1x16xf32> to vector<16xf32>
        %add3A_1043 = arith.constant 9 : i32
        %add3A_1044 = arith.addi %mul3A_20, %add3A_1043 : i32
        %swap3A_1045 = arith.index_cast %add3A_1044 : i32 to index
        %swap3A_1046 = arith.constant 16 : index
        %swap3A_1047 = tpu.vector_load %arg7[%swap3A_1045, %swap3A_1046] {strides = array<i32>} : memref<128x64xf32, #tpu.memory_space<vmem>>, vector<1x16xf32>,
        %swap3A_1048 = vector.shape_cast %swap3A_1047 : vector<1x16xf32> to vector<16xf32>
        %swap3A_1049 = vector.shape_cast %get3A_1042 : vector<16xf32> to vector<1x16xf32>
        tpu.vector_store %arg7[%swap3A_1045, %swap3A_1046], %swap3A_1049 {strides = array<i32>} : memref<128x64xf32, #tpu.memory_space<vmem>>, vector<1x16xf32>,
        %get3A_1050 = arith.constant 9 : i32
        %get3A_1051 = arith.index_cast %get3A_1050 : i32 to index
        %get3A_1052 = arith.index_cast %squeeze3A_1023 : i32 to index
        %get3A_1053 = arith.constant 32 : index
        %get3A_1054 = tpu.vector_load %arg6[%get3A_1051, %get3A_1052, %get3A_1053] {strides = array<i32>} : memref<16x8x64xf32, #tpu.memory_space<vmem>>, vector<1x1x16xf32>,
        %get3A_1055 = vector.shape_cast %get3A_1054 : vector<1x1x16xf32> to vector<16xf32>
        %add3A_1056 = arith.constant 9 : i32
        %add3A_1057 = arith.addi %mul3A_20, %add3A_1056 : i32
        %swap3A_1058 = arith.index_cast %add3A_1057 : i32 to index
        %swap3A_1059 = arith.constant 32 : index
        %swap3A_1060 = tpu.vector_load %arg7[%swap3A_1058, %swap3A_1059] {strides = array<i32>} : memref<128x64xf32, #tpu.memory_space<vmem>>, vector<1x16xf32>,
        %swap3A_1061 = vector.shape_cast %swap3A_1060 : vector<1x16xf32> to vector<16xf32>
        %swap3A_1062 = vector.shape_cast %get3A_1055 : vector<16xf32> to vector<1x16xf32>
        tpu.vector_store %arg7[%swap3A_1058, %swap3A_1059], %swap3A_1062 {strides = array<i32>} : memref<128x64xf32, #tpu.memory_space<vmem>>, vector<1x16xf32>,
        %get3A_1063 = arith.constant 9 : i32
        %get3A_1064 = arith.index_cast %get3A_1063 : i32 to index
        %get3A_1065 = arith.index_cast %squeeze3A_1023 : i32 to index
        %get3A_1066 = arith.constant 48 : index
        %get3A_1067 = tpu.vector_load %arg6[%get3A_1064, %get3A_1065, %get3A_1066] {strides = array<i32>} : memref<16x8x64xf32, #tpu.memory_space<vmem>>, vector<1x1x16xf32>,
        %get3A_1068 = vector.shape_cast %get3A_1067 : vector<1x1x16xf32> to vector<16xf32>
        %add3A_1069 = arith.constant 9 : i32
        %add3A_1070 = arith.addi %mul3A_20, %add3A_1069 : i32
        %swap3A_1071 = arith.index_cast %add3A_1070 : i32 to index
        %swap3A_1072 = arith.constant 48 : index
        %swap3A_1073 = tpu.vector_load %arg7[%swap3A_1071, %swap3A_1072] {strides = array<i32>} : memref<128x64xf32, #tpu.memory_space<vmem>>, vector<1x16xf32>,
        %swap3A_1074 = vector.shape_cast %swap3A_1073 : vector<1x16xf32> to vector<16xf32>
        %swap3A_1075 = vector.shape_cast %get3A_1068 : vector<16xf32> to vector<1x16xf32>
        tpu.vector_store %arg7[%swap3A_1071, %swap3A_1072], %swap3A_1075 {strides = array<i32>} : memref<128x64xf32, #tpu.memory_space<vmem>>, vector<1x16xf32>,
        %slice3A_1076 = vector.extract_strided_slice %rem3A_28 {offsets = [10], sizes = [1], strides = [1]} : vector<16xi32> to vector<1xi32>
        %squeeze3A_1077 = vector.extract %slice3A_1076[0] : i32 from vector<1xi32>
        %get3A_1078 = arith.constant 10 : i32
        %get3A_1079 = arith.index_cast %get3A_1078 : i32 to index
        %get3A_1080 = arith.index_cast %squeeze3A_1077 : i32 to index
        %get3A_1081 = arith.constant 0 : index
        %get3A_1082 = tpu.vector_load %arg6[%get3A_1079, %get3A_1080, %get3A_1081] {strides = array<i32>} : memref<16x8x64xf32, #tpu.memory_space<vmem>>, vector<1x1x16xf32>,
        %get3A_1083 = vector.shape_cast %get3A_1082 : vector<1x1x16xf32> to vector<16xf32>
        %add3A_1084 = arith.constant 10 : i32
        %add3A_1085 = arith.addi %mul3A_20, %add3A_1084 : i32
        %swap3A_1086 = arith.index_cast %add3A_1085 : i32 to index
        %swap3A_1087 = arith.constant 0 : index
        %swap3A_1088 = tpu.vector_load %arg7[%swap3A_1086, %swap3A_1087] {strides = array<i32>} : memref<128x64xf32, #tpu.memory_space<vmem>>, vector<1x16xf32>,
        %swap3A_1089 = vector.shape_cast %swap3A_1088 : vector<1x16xf32> to vector<16xf32>
        %swap3A_1090 = vector.shape_cast %get3A_1083 : vector<16xf32> to vector<1x16xf32>
        tpu.vector_store %arg7[%swap3A_1086, %swap3A_1087], %swap3A_1090 {strides = array<i32>} : memref<128x64xf32, #tpu.memory_space<vmem>>, vector<1x16xf32>,
        %get3A_1091 = arith.constant 10 : i32
        %get3A_1092 = arith.index_cast %get3A_1091 : i32 to index
        %get3A_1093 = arith.index_cast %squeeze3A_1077 : i32 to index
        %get3A_1094 = arith.constant 16 : index
        %get3A_1095 = tpu.vector_load %arg6[%get3A_1092, %get3A_1093, %get3A_1094] {strides = array<i32>} : memref<16x8x64xf32, #tpu.memory_space<vmem>>, vector<1x1x16xf32>,
        %get3A_1096 = vector.shape_cast %get3A_1095 : vector<1x1x16xf32> to vector<16xf32>
        %add3A_1097 = arith.constant 10 : i32
        %add3A_1098 = arith.addi %mul3A_20, %add3A_1097 : i32
        %swap3A_1099 = arith.index_cast %add3A_1098 : i32 to index
        %swap3A_1100 = arith.constant 16 : index
        %swap3A_1101 = tpu.vector_load %arg7[%swap3A_1099, %swap3A_1100] {strides = array<i32>} : memref<128x64xf32, #tpu.memory_space<vmem>>, vector<1x16xf32>,
        %swap3A_1102 = vector.shape_cast %swap3A_1101 : vector<1x16xf32> to vector<16xf32>
        %swap3A_1103 = vector.shape_cast %get3A_1096 : vector<16xf32> to vector<1x16xf32>
        tpu.vector_store %arg7[%swap3A_1099, %swap3A_1100], %swap3A_1103 {strides = array<i32>} : memref<128x64xf32, #tpu.memory_space<vmem>>, vector<1x16xf32>,
        %get3A_1104 = arith.constant 10 : i32
        %get3A_1105 = arith.index_cast %get3A_1104 : i32 to index
        %get3A_1106 = arith.index_cast %squeeze3A_1077 : i32 to index
        %get3A_1107 = arith.constant 32 : index
        %get3A_1108 = tpu.vector_load %arg6[%get3A_1105, %get3A_1106, %get3A_1107] {strides = array<i32>} : memref<16x8x64xf32, #tpu.memory_space<vmem>>, vector<1x1x16xf32>,
        %get3A_1109 = vector.shape_cast %get3A_1108 : vector<1x1x16xf32> to vector<16xf32>
        %add3A_1110 = arith.constant 10 : i32
        %add3A_1111 = arith.addi %mul3A_20, %add3A_1110 : i32
        %swap3A_1112 = arith.index_cast %add3A_1111 : i32 to index
        %swap3A_1113 = arith.constant 32 : index
        %swap3A_1114 = tpu.vector_load %arg7[%swap3A_1112, %swap3A_1113] {strides = array<i32>} : memref<128x64xf32, #tpu.memory_space<vmem>>, vector<1x16xf32>,
        %swap3A_1115 = vector.shape_cast %swap3A_1114 : vector<1x16xf32> to vector<16xf32>
        %swap3A_1116 = vector.shape_cast %get3A_1109 : vector<16xf32> to vector<1x16xf32>
        tpu.vector_store %arg7[%swap3A_1112, %swap3A_1113], %swap3A_1116 {strides = array<i32>} : memref<128x64xf32, #tpu.memory_space<vmem>>, vector<1x16xf32>,
        %get3A_1117 = arith.constant 10 : i32
        %get3A_1118 = arith.index_cast %get3A_1117 : i32 to index
        %get3A_1119 = arith.index_cast %squeeze3A_1077 : i32 to index
        %get3A_1120 = arith.constant 48 : index
        %get3A_1121 = tpu.vector_load %arg6[%get3A_1118, %get3A_1119, %get3A_1120] {strides = array<i32>} : memref<16x8x64xf32, #tpu.memory_space<vmem>>, vector<1x1x16xf32>,
        %get3A_1122 = vector.shape_cast %get3A_1121 : vector<1x1x16xf32> to vector<16xf32>
        %add3A_1123 = arith.constant 10 : i32
        %add3A_1124 = arith.addi %mul3A_20, %add3A_1123 : i32
        %swap3A_1125 = arith.index_cast %add3A_1124 : i32 to index
        %swap3A_1126 = arith.constant 48 : index
        %swap3A_1127 = tpu.vector_load %arg7[%swap3A_1125, %swap3A_1126] {strides = array<i32>} : memref<128x64xf32, #tpu.memory_space<vmem>>, vector<1x16xf32>,
        %swap3A_1128 = vector.shape_cast %swap3A_1127 : vector<1x16xf32> to vector<16xf32>
        %swap3A_1129 = vector.shape_cast %get3A_1122 : vector<16xf32> to vector<1x16xf32>
        tpu.vector_store %arg7[%swap3A_1125, %swap3A_1126], %swap3A_1129 {strides = array<i32>} : memref<128x64xf32, #tpu.memory_space<vmem>>, vector<1x16xf32>,
        %slice3A_1130 = vector.extract_strided_slice %rem3A_28 {offsets = [11], sizes = [1], strides = [1]} : vector<16xi32> to vector<1xi32>
        %squeeze3A_1131 = vector.extract %slice3A_1130[0] : i32 from vector<1xi32>
        %get3A_1132 = arith.constant 11 : i32
        %get3A_1133 = arith.index_cast %get3A_1132 : i32 to index
        %get3A_1134 = arith.index_cast %squeeze3A_1131 : i32 to index
        %get3A_1135 = arith.constant 0 : index
        %get3A_1136 = tpu.vector_load %arg6[%get3A_1133, %get3A_1134, %get3A_1135] {strides = array<i32>} : memref<16x8x64xf32, #tpu.memory_space<vmem>>, vector<1x1x16xf32>,
        %get3A_1137 = vector.shape_cast %get3A_1136 : vector<1x1x16xf32> to vector<16xf32>
        %add3A_1138 = arith.constant 11 : i32
        %add3A_1139 = arith.addi %mul3A_20, %add3A_1138 : i32
        %swap3A_1140 = arith.index_cast %add3A_1139 : i32 to index
        %swap3A_1141 = arith.constant 0 : index
        %swap3A_1142 = tpu.vector_load %arg7[%swap3A_1140, %swap3A_1141] {strides = array<i32>} : memref<128x64xf32, #tpu.memory_space<vmem>>, vector<1x16xf32>,
        %swap3A_1143 = vector.shape_cast %swap3A_1142 : vector<1x16xf32> to vector<16xf32>
        %swap3A_1144 = vector.shape_cast %get3A_1137 : vector<16xf32> to vector<1x16xf32>
        tpu.vector_store %arg7[%swap3A_1140, %swap3A_1141], %swap3A_1144 {strides = array<i32>} : memref<128x64xf32, #tpu.memory_space<vmem>>, vector<1x16xf32>,
        %get3A_1145 = arith.constant 11 : i32
        %get3A_1146 = arith.index_cast %get3A_1145 : i32 to index
        %get3A_1147 = arith.index_cast %squeeze3A_1131 : i32 to index
        %get3A_1148 = arith.constant 16 : index
        %get3A_1149 = tpu.vector_load %arg6[%get3A_1146, %get3A_1147, %get3A_1148] {strides = array<i32>} : memref<16x8x64xf32, #tpu.memory_space<vmem>>, vector<1x1x16xf32>,
        %get3A_1150 = vector.shape_cast %get3A_1149 : vector<1x1x16xf32> to vector<16xf32>
        %add3A_1151 = arith.constant 11 : i32
        %add3A_1152 = arith.addi %mul3A_20, %add3A_1151 : i32
        %swap3A_1153 = arith.index_cast %add3A_1152 : i32 to index
        %swap3A_1154 = arith.constant 16 : index
        %swap3A_1155 = tpu.vector_load %arg7[%swap3A_1153, %swap3A_1154] {strides = array<i32>} : memref<128x64xf32, #tpu.memory_space<vmem>>, vector<1x16xf32>,
        %swap3A_1156 = vector.shape_cast %swap3A_1155 : vector<1x16xf32> to vector<16xf32>
        %swap3A_1157 = vector.shape_cast %get3A_1150 : vector<16xf32> to vector<1x16xf32>
        tpu.vector_store %arg7[%swap3A_1153, %swap3A_1154], %swap3A_1157 {strides = array<i32>} : memref<128x64xf32, #tpu.memory_space<vmem>>, vector<1x16xf32>,
        %get3A_1158 = arith.constant 11 : i32
        %get3A_1159 = arith.index_cast %get3A_1158 : i32 to index
        %get3A_1160 = arith.index_cast %squeeze3A_1131 : i32 to index
        %get3A_1161 = arith.constant 32 : index
        %get3A_1162 = tpu.vector_load %arg6[%get3A_1159, %get3A_1160, %get3A_1161] {strides = array<i32>} : memref<16x8x64xf32, #tpu.memory_space<vmem>>, vector<1x1x16xf32>,
        %get3A_1163 = vector.shape_cast %get3A_1162 : vector<1x1x16xf32> to vector<16xf32>
        %add3A_1164 = arith.constant 11 : i32
        %add3A_1165 = arith.addi %mul3A_20, %add3A_1164 : i32
        %swap3A_1166 = arith.index_cast %add3A_1165 : i32 to index
        %swap3A_1167 = arith.constant 32 : index
        %swap3A_1168 = tpu.vector_load %arg7[%swap3A_1166, %swap3A_1167] {strides = array<i32>} : memref<128x64xf32, #tpu.memory_space<vmem>>, vector<1x16xf32>,
        %swap3A_1169 = vector.shape_cast %swap3A_1168 : vector<1x16xf32> to vector<16xf32>
        %swap3A_1170 = vector.shape_cast %get3A_1163 : vector<16xf32> to vector<1x16xf32>
        tpu.vector_store %arg7[%swap3A_1166, %swap3A_1167], %swap3A_1170 {strides = array<i32>} : memref<128x64xf32, #tpu.memory_space<vmem>>, vector<1x16xf32>,
        %get3A_1171 = arith.constant 11 : i32
        %get3A_1172 = arith.index_cast %get3A_1171 : i32 to index
        %get3A_1173 = arith.index_cast %squeeze3A_1131 : i32 to index
        %get3A_1174 = arith.constant 48 : index
        %get3A_1175 = tpu.vector_load %arg6[%get3A_1172, %get3A_1173, %get3A_1174] {strides = array<i32>} : memref<16x8x64xf32, #tpu.memory_space<vmem>>, vector<1x1x16xf32>,
        %get3A_1176 = vector.shape_cast %get3A_1175 : vector<1x1x16xf32> to vector<16xf32>
        %add3A_1177 = arith.constant 11 : i32
        %add3A_1178 = arith.addi %mul3A_20, %add3A_1177 : i32
        %swap3A_1179 = arith.index_cast %add3A_1178 : i32 to index
        %swap3A_1180 = arith.constant 48 : index
        %swap3A_1181 = tpu.vector_load %arg7[%swap3A_1179, %swap3A_1180] {strides = array<i32>} : memref<128x64xf32, #tpu.memory_space<vmem>>, vector<1x16xf32>,
        %swap3A_1182 = vector.shape_cast %swap3A_1181 : vector<1x16xf32> to vector<16xf32>
        %swap3A_1183 = vector.shape_cast %get3A_1176 : vector<16xf32> to vector<1x16xf32>
        tpu.vector_store %arg7[%swap3A_1179, %swap3A_1180], %swap3A_1183 {strides = array<i32>} : memref<128x64xf32, #tpu.memory_space<vmem>>, vector<1x16xf32>,
        %slice3A_1184 = vector.extract_strided_slice %rem3A_28 {offsets = [12], sizes = [1], strides = [1]} : vector<16xi32> to vector<1xi32>
        %squeeze3A_1185 = vector.extract %slice3A_1184[0] : i32 from vector<1xi32>
        %get3A_1186 = arith.constant 12 : i32
        %get3A_1187 = arith.index_cast %get3A_1186 : i32 to index
        %get3A_1188 = arith.index_cast %squeeze3A_1185 : i32 to index
        %get3A_1189 = arith.constant 0 : index
        %get3A_1190 = tpu.vector_load %arg6[%get3A_1187, %get3A_1188, %get3A_1189] {strides = array<i32>} : memref<16x8x64xf32, #tpu.memory_space<vmem>>, vector<1x1x16xf32>,
        %get3A_1191 = vector.shape_cast %get3A_1190 : vector<1x1x16xf32> to vector<16xf32>
        %add3A_1192 = arith.constant 12 : i32
        %add3A_1193 = arith.addi %mul3A_20, %add3A_1192 : i32
        %swap3A_1194 = arith.index_cast %add3A_1193 : i32 to index
        %swap3A_1195 = arith.constant 0 : index
        %swap3A_1196 = tpu.vector_load %arg7[%swap3A_1194, %swap3A_1195] {strides = array<i32>} : memref<128x64xf32, #tpu.memory_space<vmem>>, vector<1x16xf32>,
        %swap3A_1197 = vector.shape_cast %swap3A_1196 : vector<1x16xf32> to vector<16xf32>
        %swap3A_1198 = vector.shape_cast %get3A_1191 : vector<16xf32> to vector<1x16xf32>
        tpu.vector_store %arg7[%swap3A_1194, %swap3A_1195], %swap3A_1198 {strides = array<i32>} : memref<128x64xf32, #tpu.memory_space<vmem>>, vector<1x16xf32>,
        %get3A_1199 = arith.constant 12 : i32
        %get3A_1200 = arith.index_cast %get3A_1199 : i32 to index
        %get3A_1201 = arith.index_cast %squeeze3A_1185 : i32 to index
        %get3A_1202 = arith.constant 16 : index
        %get3A_1203 = tpu.vector_load %arg6[%get3A_1200, %get3A_1201, %get3A_1202] {strides = array<i32>} : memref<16x8x64xf32, #tpu.memory_space<vmem>>, vector<1x1x16xf32>,
        %get3A_1204 = vector.shape_cast %get3A_1203 : vector<1x1x16xf32> to vector<16xf32>
        %add3A_1205 = arith.constant 12 : i32
        %add3A_1206 = arith.addi %mul3A_20, %add3A_1205 : i32
        %swap3A_1207 = arith.index_cast %add3A_1206 : i32 to index
        %swap3A_1208 = arith.constant 16 : index
        %swap3A_1209 = tpu.vector_load %arg7[%swap3A_1207, %swap3A_1208] {strides = array<i32>} : memref<128x64xf32, #tpu.memory_space<vmem>>, vector<1x16xf32>,
        %swap3A_1210 = vector.shape_cast %swap3A_1209 : vector<1x16xf32> to vector<16xf32>
        %swap3A_1211 = vector.shape_cast %get3A_1204 : vector<16xf32> to vector<1x16xf32>
        tpu.vector_store %arg7[%swap3A_1207, %swap3A_1208], %swap3A_1211 {strides = array<i32>} : memref<128x64xf32, #tpu.memory_space<vmem>>, vector<1x16xf32>,
        %get3A_1212 = arith.constant 12 : i32
        %get3A_1213 = arith.index_cast %get3A_1212 : i32 to index
        %get3A_1214 = arith.index_cast %squeeze3A_1185 : i32 to index
        %get3A_1215 = arith.constant 32 : index
        %get3A_1216 = tpu.vector_load %arg6[%get3A_1213, %get3A_1214, %get3A_1215] {strides = array<i32>} : memref<16x8x64xf32, #tpu.memory_space<vmem>>, vector<1x1x16xf32>,
        %get3A_1217 = vector.shape_cast %get3A_1216 : vector<1x1x16xf32> to vector<16xf32>
        %add3A_1218 = arith.constant 12 : i32
        %add3A_1219 = arith.addi %mul3A_20, %add3A_1218 : i32
        %swap3A_1220 = arith.index_cast %add3A_1219 : i32 to index
        %swap3A_1221 = arith.constant 32 : index
        %swap3A_1222 = tpu.vector_load %arg7[%swap3A_1220, %swap3A_1221] {strides = array<i32>} : memref<128x64xf32, #tpu.memory_space<vmem>>, vector<1x16xf32>,
        %swap3A_1223 = vector.shape_cast %swap3A_1222 : vector<1x16xf32> to vector<16xf32>
        %swap3A_1224 = vector.shape_cast %get3A_1217 : vector<16xf32> to vector<1x16xf32>
        tpu.vector_store %arg7[%swap3A_1220, %swap3A_1221], %swap3A_1224 {strides = array<i32>} : memref<128x64xf32, #tpu.memory_space<vmem>>, vector<1x16xf32>,
        %get3A_1225 = arith.constant 12 : i32
        %get3A_1226 = arith.index_cast %get3A_1225 : i32 to index
        %get3A_1227 = arith.index_cast %squeeze3A_1185 : i32 to index
        %get3A_1228 = arith.constant 48 : index
        %get3A_1229 = tpu.vector_load %arg6[%get3A_1226, %get3A_1227, %get3A_1228] {strides = array<i32>} : memref<16x8x64xf32, #tpu.memory_space<vmem>>, vector<1x1x16xf32>,
        %get3A_1230 = vector.shape_cast %get3A_1229 : vector<1x1x16xf32> to vector<16xf32>
        %add3A_1231 = arith.constant 12 : i32
        %add3A_1232 = arith.addi %mul3A_20, %add3A_1231 : i32
        %swap3A_1233 = arith.index_cast %add3A_1232 : i32 to index
        %swap3A_1234 = arith.constant 48 : index
        %swap3A_1235 = tpu.vector_load %arg7[%swap3A_1233, %swap3A_1234] {strides = array<i32>} : memref<128x64xf32, #tpu.memory_space<vmem>>, vector<1x16xf32>,
        %swap3A_1236 = vector.shape_cast %swap3A_1235 : vector<1x16xf32> to vector<16xf32>
        %swap3A_1237 = vector.shape_cast %get3A_1230 : vector<16xf32> to vector<1x16xf32>
        tpu.vector_store %arg7[%swap3A_1233, %swap3A_1234], %swap3A_1237 {strides = array<i32>} : memref<128x64xf32, #tpu.memory_space<vmem>>, vector<1x16xf32>,
        %slice3A_1238 = vector.extract_strided_slice %rem3A_28 {offsets = [13], sizes = [1], strides = [1]} : vector<16xi32> to vector<1xi32>
        %squeeze3A_1239 = vector.extract %slice3A_1238[0] : i32 from vector<1xi32>
        %get3A_1240 = arith.constant 13 : i32
        %get3A_1241 = arith.index_cast %get3A_1240 : i32 to index
        %get3A_1242 = arith.index_cast %squeeze3A_1239 : i32 to index
        %get3A_1243 = arith.constant 0 : index
        %get3A_1244 = tpu.vector_load %arg6[%get3A_1241, %get3A_1242, %get3A_1243] {strides = array<i32>} : memref<16x8x64xf32, #tpu.memory_space<vmem>>, vector<1x1x16xf32>,
        %get3A_1245 = vector.shape_cast %get3A_1244 : vector<1x1x16xf32> to vector<16xf32>
        %add3A_1246 = arith.constant 13 : i32
        %add3A_1247 = arith.addi %mul3A_20, %add3A_1246 : i32
        %swap3A_1248 = arith.index_cast %add3A_1247 : i32 to index
        %swap3A_1249 = arith.constant 0 : index
        %swap3A_1250 = tpu.vector_load %arg7[%swap3A_1248, %swap3A_1249] {strides = array<i32>} : memref<128x64xf32, #tpu.memory_space<vmem>>, vector<1x16xf32>,
        %swap3A_1251 = vector.shape_cast %swap3A_1250 : vector<1x16xf32> to vector<16xf32>
        %swap3A_1252 = vector.shape_cast %get3A_1245 : vector<16xf32> to vector<1x16xf32>
        tpu.vector_store %arg7[%swap3A_1248, %swap3A_1249], %swap3A_1252 {strides = array<i32>} : memref<128x64xf32, #tpu.memory_space<vmem>>, vector<1x16xf32>,
        %get3A_1253 = arith.constant 13 : i32
        %get3A_1254 = arith.index_cast %get3A_1253 : i32 to index
        %get3A_1255 = arith.index_cast %squeeze3A_1239 : i32 to index
        %get3A_1256 = arith.constant 16 : index
        %get3A_1257 = tpu.vector_load %arg6[%get3A_1254, %get3A_1255, %get3A_1256] {strides = array<i32>} : memref<16x8x64xf32, #tpu.memory_space<vmem>>, vector<1x1x16xf32>,
        %get3A_1258 = vector.shape_cast %get3A_1257 : vector<1x1x16xf32> to vector<16xf32>
        %add3A_1259 = arith.constant 13 : i32
        %add3A_1260 = arith.addi %mul3A_20, %add3A_1259 : i32
        %swap3A_1261 = arith.index_cast %add3A_1260 : i32 to index
        %swap3A_1262 = arith.constant 16 : index
        %swap3A_1263 = tpu.vector_load %arg7[%swap3A_1261, %swap3A_1262] {strides = array<i32>} : memref<128x64xf32, #tpu.memory_space<vmem>>, vector<1x16xf32>,
        %swap3A_1264 = vector.shape_cast %swap3A_1263 : vector<1x16xf32> to vector<16xf32>
        %swap3A_1265 = vector.shape_cast %get3A_1258 : vector<16xf32> to vector<1x16xf32>
        tpu.vector_store %arg7[%swap3A_1261, %swap3A_1262], %swap3A_1265 {strides = array<i32>} : memref<128x64xf32, #tpu.memory_space<vmem>>, vector<1x16xf32>,
        %get3A_1266 = arith.constant 13 : i32
        %get3A_1267 = arith.index_cast %get3A_1266 : i32 to index
        %get3A_1268 = arith.index_cast %squeeze3A_1239 : i32 to index
        %get3A_1269 = arith.constant 32 : index
        %get3A_1270 = tpu.vector_load %arg6[%get3A_1267, %get3A_1268, %get3A_1269] {strides = array<i32>} : memref<16x8x64xf32, #tpu.memory_space<vmem>>, vector<1x1x16xf32>,
        %get3A_1271 = vector.shape_cast %get3A_1270 : vector<1x1x16xf32> to vector<16xf32>
        %add3A_1272 = arith.constant 13 : i32
        %add3A_1273 = arith.addi %mul3A_20, %add3A_1272 : i32
        %swap3A_1274 = arith.index_cast %add3A_1273 : i32 to index
        %swap3A_1275 = arith.constant 32 : index
        %swap3A_1276 = tpu.vector_load %arg7[%swap3A_1274, %swap3A_1275] {strides = array<i32>} : memref<128x64xf32, #tpu.memory_space<vmem>>, vector<1x16xf32>,
        %swap3A_1277 = vector.shape_cast %swap3A_1276 : vector<1x16xf32> to vector<16xf32>
        %swap3A_1278 = vector.shape_cast %get3A_1271 : vector<16xf32> to vector<1x16xf32>
        tpu.vector_store %arg7[%swap3A_1274, %swap3A_1275], %swap3A_1278 {strides = array<i32>} : memref<128x64xf32, #tpu.memory_space<vmem>>, vector<1x16xf32>,
        %get3A_1279 = arith.constant 13 : i32
        %get3A_1280 = arith.index_cast %get3A_1279 : i32 to index
        %get3A_1281 = arith.index_cast %squeeze3A_1239 : i32 to index
        %get3A_1282 = arith.constant 48 : index
        %get3A_1283 = tpu.vector_load %arg6[%get3A_1280, %get3A_1281, %get3A_1282] {strides = array<i32>} : memref<16x8x64xf32, #tpu.memory_space<vmem>>, vector<1x1x16xf32>,
        %get3A_1284 = vector.shape_cast %get3A_1283 : vector<1x1x16xf32> to vector<16xf32>
        %add3A_1285 = arith.constant 13 : i32
        %add3A_1286 = arith.addi %mul3A_20, %add3A_1285 : i32
        %swap3A_1287 = arith.index_cast %add3A_1286 : i32 to index
        %swap3A_1288 = arith.constant 48 : index
        %swap3A_1289 = tpu.vector_load %arg7[%swap3A_1287, %swap3A_1288] {strides = array<i32>} : memref<128x64xf32, #tpu.memory_space<vmem>>, vector<1x16xf32>,
        %swap3A_1290 = vector.shape_cast %swap3A_1289 : vector<1x16xf32> to vector<16xf32>
        %swap3A_1291 = vector.shape_cast %get3A_1284 : vector<16xf32> to vector<1x16xf32>
        tpu.vector_store %arg7[%swap3A_1287, %swap3A_1288], %swap3A_1291 {strides = array<i32>} : memref<128x64xf32, #tpu.memory_space<vmem>>, vector<1x16xf32>,
        %slice3A_1292 = vector.extract_strided_slice %rem3A_28 {offsets = [14], sizes = [1], strides = [1]} : vector<16xi32> to vector<1xi32>
        %squeeze3A_1293 = vector.extract %slice3A_1292[0] : i32 from vector<1xi32>
        %get3A_1294 = arith.constant 14 : i32
        %get3A_1295 = arith.index_cast %get3A_1294 : i32 to index
        %get3A_1296 = arith.index_cast %squeeze3A_1293 : i32 to index
        %get3A_1297 = arith.constant 0 : index
        %get3A_1298 = tpu.vector_load %arg6[%get3A_1295, %get3A_1296, %get3A_1297] {strides = array<i32>} : memref<16x8x64xf32, #tpu.memory_space<vmem>>, vector<1x1x16xf32>,
        %get3A_1299 = vector.shape_cast %get3A_1298 : vector<1x1x16xf32> to vector<16xf32>
        %add3A_1300 = arith.constant 14 : i32
        %add3A_1301 = arith.addi %mul3A_20, %add3A_1300 : i32
        %swap3A_1302 = arith.index_cast %add3A_1301 : i32 to index
        %swap3A_1303 = arith.constant 0 : index
        %swap3A_1304 = tpu.vector_load %arg7[%swap3A_1302, %swap3A_1303] {strides = array<i32>} : memref<128x64xf32, #tpu.memory_space<vmem>>, vector<1x16xf32>,
        %swap3A_1305 = vector.shape_cast %swap3A_1304 : vector<1x16xf32> to vector<16xf32>
        %swap3A_1306 = vector.shape_cast %get3A_1299 : vector<16xf32> to vector<1x16xf32>
        tpu.vector_store %arg7[%swap3A_1302, %swap3A_1303], %swap3A_1306 {strides = array<i32>} : memref<128x64xf32, #tpu.memory_space<vmem>>, vector<1x16xf32>,
        %get3A_1307 = arith.constant 14 : i32
        %get3A_1308 = arith.index_cast %get3A_1307 : i32 to index
        %get3A_1309 = arith.index_cast %squeeze3A_1293 : i32 to index
        %get3A_1310 = arith.constant 16 : index
        %get3A_1311 = tpu.vector_load %arg6[%get3A_1308, %get3A_1309, %get3A_1310] {strides = array<i32>} : memref<16x8x64xf32, #tpu.memory_space<vmem>>, vector<1x1x16xf32>,
        %get3A_1312 = vector.shape_cast %get3A_1311 : vector<1x1x16xf32> to vector<16xf32>
        %add3A_1313 = arith.constant 14 : i32
        %add3A_1314 = arith.addi %mul3A_20, %add3A_1313 : i32
        %swap3A_1315 = arith.index_cast %add3A_1314 : i32 to index
        %swap3A_1316 = arith.constant 16 : index
        %swap3A_1317 = tpu.vector_load %arg7[%swap3A_1315, %swap3A_1316] {strides = array<i32>} : memref<128x64xf32, #tpu.memory_space<vmem>>, vector<1x16xf32>,
        %swap3A_1318 = vector.shape_cast %swap3A_1317 : vector<1x16xf32> to vector<16xf32>
        %swap3A_1319 = vector.shape_cast %get3A_1312 : vector<16xf32> to vector<1x16xf32>
        tpu.vector_store %arg7[%swap3A_1315, %swap3A_1316], %swap3A_1319 {strides = array<i32>} : memref<128x64xf32, #tpu.memory_space<vmem>>, vector<1x16xf32>,
        %get3A_1320 = arith.constant 14 : i32
        %get3A_1321 = arith.index_cast %get3A_1320 : i32 to index
        %get3A_1322 = arith.index_cast %squeeze3A_1293 : i32 to index
        %get3A_1323 = arith.constant 32 : index
        %get3A_1324 = tpu.vector_load %arg6[%get3A_1321, %get3A_1322, %get3A_1323] {strides = array<i32>} : memref<16x8x64xf32, #tpu.memory_space<vmem>>, vector<1x1x16xf32>,
        %get3A_1325 = vector.shape_cast %get3A_1324 : vector<1x1x16xf32> to vector<16xf32>
        %add3A_1326 = arith.constant 14 : i32
        %add3A_1327 = arith.addi %mul3A_20, %add3A_1326 : i32
        %swap3A_1328 = arith.index_cast %add3A_1327 : i32 to index
        %swap3A_1329 = arith.constant 32 : index
        %swap3A_1330 = tpu.vector_load %arg7[%swap3A_1328, %swap3A_1329] {strides = array<i32>} : memref<128x64xf32, #tpu.memory_space<vmem>>, vector<1x16xf32>,
        %swap3A_1331 = vector.shape_cast %swap3A_1330 : vector<1x16xf32> to vector<16xf32>
        %swap3A_1332 = vector.shape_cast %get3A_1325 : vector<16xf32> to vector<1x16xf32>
        tpu.vector_store %arg7[%swap3A_1328, %swap3A_1329], %swap3A_1332 {strides = array<i32>} : memref<128x64xf32, #tpu.memory_space<vmem>>, vector<1x16xf32>,
        %get3A_1333 = arith.constant 14 : i32
        %get3A_1334 = arith.index_cast %get3A_1333 : i32 to index
        %get3A_1335 = arith.index_cast %squeeze3A_1293 : i32 to index
        %get3A_1336 = arith.constant 48 : index
        %get3A_1337 = tpu.vector_load %arg6[%get3A_1334, %get3A_1335, %get3A_1336] {strides = array<i32>} : memref<16x8x64xf32, #tpu.memory_space<vmem>>, vector<1x1x16xf32>,
        %get3A_1338 = vector.shape_cast %get3A_1337 : vector<1x1x16xf32> to vector<16xf32>
        %add3A_1339 = arith.constant 14 : i32
        %add3A_1340 = arith.addi %mul3A_20, %add3A_1339 : i32
        %swap3A_1341 = arith.index_cast %add3A_1340 : i32 to index
        %swap3A_1342 = arith.constant 48 : index
        %swap3A_1343 = tpu.vector_load %arg7[%swap3A_1341, %swap3A_1342] {strides = array<i32>} : memref<128x64xf32, #tpu.memory_space<vmem>>, vector<1x16xf32>,
        %swap3A_1344 = vector.shape_cast %swap3A_1343 : vector<1x16xf32> to vector<16xf32>
        %swap3A_1345 = vector.shape_cast %get3A_1338 : vector<16xf32> to vector<1x16xf32>
        tpu.vector_store %arg7[%swap3A_1341, %swap3A_1342], %swap3A_1345 {strides = array<i32>} : memref<128x64xf32, #tpu.memory_space<vmem>>, vector<1x16xf32>,
        %slice3A_1346 = vector.extract_strided_slice %rem3A_28 {offsets = [15], sizes = [1], strides = [1]} : vector<16xi32> to vector<1xi32>
        %squeeze3A_1347 = vector.extract %slice3A_1346[0] : i32 from vector<1xi32>
        %get3A_1348 = arith.constant 15 : i32
        %get3A_1349 = arith.index_cast %get3A_1348 : i32 to index
        %get3A_1350 = arith.index_cast %squeeze3A_1347 : i32 to index
        %get3A_1351 = arith.constant 0 : index
        %get3A_1352 = tpu.vector_load %arg6[%get3A_1349, %get3A_1350, %get3A_1351] {strides = array<i32>} : memref<16x8x64xf32, #tpu.memory_space<vmem>>, vector<1x1x16xf32>,
        %get3A_1353 = vector.shape_cast %get3A_1352 : vector<1x1x16xf32> to vector<16xf32>
        %add3A_1354 = arith.constant 15 : i32
        %add3A_1355 = arith.addi %mul3A_20, %add3A_1354 : i32
        %swap3A_1356 = arith.index_cast %add3A_1355 : i32 to index
        %swap3A_1357 = arith.constant 0 : index
        %swap3A_1358 = tpu.vector_load %arg7[%swap3A_1356, %swap3A_1357] {strides = array<i32>} : memref<128x64xf32, #tpu.memory_space<vmem>>, vector<1x16xf32>,
        %swap3A_1359 = vector.shape_cast %swap3A_1358 : vector<1x16xf32> to vector<16xf32>
        %swap3A_1360 = vector.shape_cast %get3A_1353 : vector<16xf32> to vector<1x16xf32>
        tpu.vector_store %arg7[%swap3A_1356, %swap3A_1357], %swap3A_1360 {strides = array<i32>} : memref<128x64xf32, #tpu.memory_space<vmem>>, vector<1x16xf32>,
        %get3A_1361 = arith.constant 15 : i32
        %get3A_1362 = arith.index_cast %get3A_1361 : i32 to index
        %get3A_1363 = arith.index_cast %squeeze3A_1347 : i32 to index
        %get3A_1364 = arith.constant 16 : index
        %get3A_1365 = tpu.vector_load %arg6[%get3A_1362, %get3A_1363, %get3A_1364] {strides = array<i32>} : memref<16x8x64xf32, #tpu.memory_space<vmem>>, vector<1x1x16xf32>,
        %get3A_1366 = vector.shape_cast %get3A_1365 : vector<1x1x16xf32> to vector<16xf32>
        %add3A_1367 = arith.constant 15 : i32
        %add3A_1368 = arith.addi %mul3A_20, %add3A_1367 : i32
        %swap3A_1369 = arith.index_cast %add3A_1368 : i32 to index
        %swap3A_1370 = arith.constant 16 : index
        %swap3A_1371 = tpu.vector_load %arg7[%swap3A_1369, %swap3A_1370] {strides = array<i32>} : memref<128x64xf32, #tpu.memory_space<vmem>>, vector<1x16xf32>,
        %swap3A_1372 = vector.shape_cast %swap3A_1371 : vector<1x16xf32> to vector<16xf32>
        %swap3A_1373 = vector.shape_cast %get3A_1366 : vector<16xf32> to vector<1x16xf32>
        tpu.vector_store %arg7[%swap3A_1369, %swap3A_1370], %swap3A_1373 {strides = array<i32>} : memref<128x64xf32, #tpu.memory_space<vmem>>, vector<1x16xf32>,
        %get3A_1374 = arith.constant 15 : i32
        %get3A_1375 = arith.index_cast %get3A_1374 : i32 to index
        %get3A_1376 = arith.index_cast %squeeze3A_1347 : i32 to index
        %get3A_1377 = arith.constant 32 : index
        %get3A_1378 = tpu.vector_load %arg6[%get3A_1375, %get3A_1376, %get3A_1377] {strides = array<i32>} : memref<16x8x64xf32, #tpu.memory_space<vmem>>, vector<1x1x16xf32>,
        %get3A_1379 = vector.shape_cast %get3A_1378 : vector<1x1x16xf32> to vector<16xf32>
        %add3A_1380 = arith.constant 15 : i32
        %add3A_1381 = arith.addi %mul3A_20, %add3A_1380 : i32
        %swap3A_1382 = arith.index_cast %add3A_1381 : i32 to index
        %swap3A_1383 = arith.constant 32 : index
        %swap3A_1384 = tpu.vector_load %arg7[%swap3A_1382, %swap3A_1383] {strides = array<i32>} : memref<128x64xf32, #tpu.memory_space<vmem>>, vector<1x16xf32>,
        %swap3A_1385 = vector.shape_cast %swap3A_1384 : vector<1x16xf32> to vector<16xf32>
        %swap3A_1386 = vector.shape_cast %get3A_1379 : vector<16xf32> to vector<1x16xf32>
        tpu.vector_store %arg7[%swap3A_1382, %swap3A_1383], %swap3A_1386 {strides = array<i32>} : memref<128x64xf32, #tpu.memory_space<vmem>>, vector<1x16xf32>,
        %get3A_1387 = arith.constant 15 : i32
        %get3A_1388 = arith.index_cast %get3A_1387 : i32 to index
        %get3A_1389 = arith.index_cast %squeeze3A_1347 : i32 to index
        %get3A_1390 = arith.constant 48 : index
        %get3A_1391 = tpu.vector_load %arg6[%get3A_1388, %get3A_1389, %get3A_1390] {strides = array<i32>} : memref<16x8x64xf32, #tpu.memory_space<vmem>>, vector<1x1x16xf32>,
        %get3A_1392 = vector.shape_cast %get3A_1391 : vector<1x1x16xf32> to vector<16xf32>
        %add3A_1393 = arith.constant 15 : i32
        %add3A_1394 = arith.addi %mul3A_20, %add3A_1393 : i32
        %swap3A_1395 = arith.index_cast %add3A_1394 : i32 to index
        %swap3A_1396 = arith.constant 48 : index
        %swap3A_1397 = tpu.vector_load %arg7[%swap3A_1395, %swap3A_1396] {strides = array<i32>} : memref<128x64xf32, #tpu.memory_space<vmem>>, vector<1x16xf32>,
        %swap3A_1398 = vector.shape_cast %swap3A_1397 : vector<1x16xf32> to vector<16xf32>
        %swap3A_1399 = vector.shape_cast %get3A_1392 : vector<16xf32> to vector<1x16xf32>
        tpu.vector_store %arg7[%swap3A_1395, %swap3A_1396], %swap3A_1399 {strides = array<i32>} : memref<128x64xf32, #tpu.memory_space<vmem>>, vector<1x16xf32>,
      }
      %scan3A_14 = arith.constant 8 : i32
      %mul3A_15 = arith.constant 128 : i32
      %mul3A_16 = arith.muli %scan3A_8, %mul3A_15 : i32
      %add3A_17 = arith.addi %mul3A_2, %mul3A_16 : i32
      %multiple_of3A = tpu.assume_multiple %add3A_17, 128 : i32
      "tpu.region"() ({
        %run_scoped3A = tpu.sem_alloc : memref<!tpu.dma_semaphore, #tpu.memory_space<semaphore_mem>>
        %dma_start3A = arith.constant 0 : i32
        %dma_start3A_18 = tpu.memref_slice %arg4[%multiple_of3A, %dma_start3A] : memref<106496x64xf32, #tpu.memory_space<hbm>> -> memref<128x64xf32, #tpu.memory_space<hbm>>
        %dma_start3A_19 = arith.constant 0 : i32
        %dma_start3A_20 = tpu.memref_slice %arg4[%multiple_of3A, %dma_start3A_19] : memref<106496x64xf32, #tpu.memory_space<hbm>> -> memref<128x64xf32, #tpu.memory_space<hbm>>
        tpu.enqueue_dma source(%arg7 : memref<128x64xf32, #tpu.memory_space<vmem>>) target(%dma_start3A_20 : memref<128x64xf32, #tpu.memory_space<hbm>>) target_semaphore(%run_scoped3A : memref<!tpu.dma_semaphore, #tpu.memory_space<semaphore_mem>>)
        %dma_wait3A = arith.constant 0 : i32
        %dma_wait3A_21 = tpu.memref_slice %arg4[%multiple_of3A, %dma_wait3A] : memref<106496x64xf32, #tpu.memory_space<hbm>> -> memref<128x64xf32, #tpu.memory_space<hbm>>
        %dma_wait3A_22 = arith.constant 0 : i32
        %dma_wait3A_23 = tpu.memref_slice %arg4[%multiple_of3A, %dma_wait3A_22] : memref<106496x64xf32, #tpu.memory_space<hbm>> -> memref<128x64xf32, #tpu.memory_space<hbm>>
        tpu.wait_dma2 semaphore(%run_scoped3A : memref<!tpu.dma_semaphore, #tpu.memory_space<semaphore_mem>>) src(%arg7 : memref<128x64xf32, #tpu.memory_space<vmem>>) dst(%dma_wait3A_23 : memref<128x64xf32, #tpu.memory_space<hbm>>)
        tpu.yield
      }) : () -> ()
    }
    %scan3A_7 = arith.constant 26 : i32
    return
  }
}

module attributes {stable_mosaic.version = 14 : i64} {
  func.func @_afm_body(%arg0: i32, %arg1: memref<26x128x64xf32, #tpu.memory_space<vmem>>, %arg2: memref<128x13xf32, #tpu.memory_space<vmem>>, %arg3: memref<64x64xf32, #tpu.memory_space<vmem>>, %arg4: memref<1x64xf32, #tpu.memory_space<vmem>>, %arg5: memref<1x64xf32, #tpu.memory_space<vmem>>, %arg6: memref<1x64xf32, #tpu.memory_space<vmem>>, %arg7: memref<13x64xf32, #tpu.memory_space<vmem>>, %arg8: memref<1x64xf32, #tpu.memory_space<vmem>>, %arg9: memref<1x1xf32, #tpu.memory_space<smem>>, %arg10: memref<1x1x128xf32, #tpu.memory_space<vmem>>, %arg11: memref<328x128xf32, #tpu.memory_space<vmem>>, %arg12: memref<328x128xf32, #tpu.memory_space<vmem>>) attributes {dimension_semantics = [#tpu.dimension_semantics<arbitrary>], iteration_bounds = array<i64: 32>, scalar_prefetch = 0 : i64, scratch_operands = 2 : i64, tpu.core_type = #tpu.core_type<tc>, window_params = [{transform_indices = @transform_0, window_bounds = array<i64: 26, 128, 64>}, {transform_indices = @transform_1, window_bounds = array<i64: 128, 13>}, {pipeline_mode = #tpu.pipeline_mode<synchronous>, transform_indices = @transform_2, window_bounds = array<i64: 64, 64>}, {pipeline_mode = #tpu.pipeline_mode<synchronous>, transform_indices = @transform_3, window_bounds = array<i64: 1, 64>}, {pipeline_mode = #tpu.pipeline_mode<synchronous>, transform_indices = @transform_4, window_bounds = array<i64: 1, 64>}, {pipeline_mode = #tpu.pipeline_mode<synchronous>, transform_indices = @transform_5, window_bounds = array<i64: 1, 64>}, {pipeline_mode = #tpu.pipeline_mode<synchronous>, transform_indices = @transform_6, window_bounds = array<i64: 13, 64>}, {pipeline_mode = #tpu.pipeline_mode<synchronous>, transform_indices = @transform_7, window_bounds = array<i64: 1, 64>}, {transform_indices = @transform_8, window_bounds = array<i64: 1, 1>}, {transform_indices = @transform_9, window_bounds = array<i64: 1, 1, 128>}]} {
    %get3A = arith.constant 0 : index
    %get3A_0 = arith.constant 0 : index
    %get3A_1 = arith.constant 0 : index
    %get3A_2 = vector.load %arg1[%get3A, %get3A_0, %get3A_1] : memref<26x128x64xf32, #tpu.memory_space<vmem>>, vector<26x128x64xf32>
    %get3A_3 = arith.constant 0 : index
    %get3A_4 = arith.constant 0 : index
    %get3A_5 = vector.load %arg3[%get3A_3, %get3A_4] : memref<64x64xf32, #tpu.memory_space<vmem>>, vector<64x64xf32>
    %get3A_6 = arith.constant 0 : index
    %get3A_7 = arith.constant 0 : index
    %get3A_8 = vector.load %arg4[%get3A_6, %get3A_7] : memref<1x64xf32, #tpu.memory_space<vmem>>, vector<1x64xf32>
    %get3A_9 = arith.constant 0 : index
    %get3A_10 = arith.constant 0 : index
    %get3A_11 = vector.load %arg5[%get3A_9, %get3A_10] : memref<1x64xf32, #tpu.memory_space<vmem>>, vector<1x64xf32>
    %get3A_12 = arith.constant 0 : index
    %get3A_13 = arith.constant 0 : index
    %get3A_14 = vector.load %arg6[%get3A_12, %get3A_13] : memref<1x64xf32, #tpu.memory_space<vmem>>, vector<1x64xf32>
    %slice3A = vector.extract_strided_slice %get3A_2 {offsets = [1, 0, 0], sizes = [25, 128, 64], strides = [1, 1, 1]} : vector<26x128x64xf32> to vector<25x128x64xf32>
    %slice3A_15 = vector.extract_strided_slice %get3A_2 {offsets = [0, 0, 0], sizes = [1, 128, 64], strides = [1, 1, 1]} : vector<26x128x64xf32> to vector<1x128x64xf32>
    %squeeze3A = vector.shape_cast %slice3A_15 : vector<1x128x64xf32> to vector<128x64xf32>
    %broadcast_in_dim3A = vector.shape_cast %squeeze3A : vector<128x64xf32> to vector<1x128x64xf32>
    %mul3A = vector.broadcast %broadcast_in_dim3A : vector<1x128x64xf32> to vector<25x128x64xf32>
    %mul3A_16 = arith.mulf %slice3A, %mul3A : vector<25x128x64xf32>
    %reshape3A = vector.shape_cast %mul3A_16 : vector<25x128x64xf32> to vector<3200x64xf32>
    %dot_general3A = arith.constant dense<0.000000e+00> : vector<3200x64xf32>
    %dot_general3A_17 = tpu.matmul %reshape3A, %get3A_5, %dot_general3A {dimension_numbers = #tpu.dot_dimension_numbers<[1], [1], [0], [0], [0, 0, 1, 0], [], []>, transpose_lhs_hint = false} : vector<3200x64xf32>, vector<64x64xf32>, vector<3200x64xf32> -> vector<3200x64xf32>
    %add3A = vector.broadcast %get3A_8 : vector<1x64xf32> to vector<3200x64xf32>
    %add3A_18 = arith.addf %dot_general3A_17, %add3A : vector<3200x64xf32>
    %max3A = arith.constant 0.000000e+00 : f32
    %max3A_19 = vector.broadcast %max3A : f32 to vector<3200x64xf32>
    %max3A_20 = arith.maximumf %add3A_18, %max3A_19 : vector<3200x64xf32>
    %mul3A_21 = vector.broadcast %get3A_11 : vector<1x64xf32> to vector<3200x64xf32>
    %mul3A_22 = arith.mulf %max3A_20, %mul3A_21 : vector<3200x64xf32>
    %reshape3A_23 = vector.shape_cast %mul3A_22 : vector<3200x64xf32> to vector<25x128x64xf32>
    %reduce_sum3A = arith.constant dense<0.000000e+00> : vector<25x128xf32>
    %reduce_sum3A_24 = vector.multi_reduction <add>, %reshape3A_23, %reduce_sum3A [2] : vector<25x128x64xf32> to vector<25x128xf32>
    %mul3A_25 = vector.broadcast %get3A_14 : vector<1x64xf32> to vector<3200x64xf32>
    %mul3A_26 = arith.mulf %reshape3A, %mul3A_25 : vector<3200x64xf32>
    %reshape3A_27 = vector.shape_cast %mul3A_26 : vector<3200x64xf32> to vector<25x128x64xf32>
    %reduce_sum3A_28 = arith.constant dense<0.000000e+00> : vector<25x128xf32>
    %reduce_sum3A_29 = vector.multi_reduction <add>, %reshape3A_27, %reduce_sum3A_28 [2] : vector<25x128x64xf32> to vector<25x128xf32>
    %swap3A = arith.constant 0 : index
    %swap3A_30 = arith.constant 0 : index
    %swap3A_31 = vector.load %arg11[%swap3A, %swap3A_30] : memref<328x128xf32, #tpu.memory_space<vmem>>, vector<25x128xf32>
    tpu.vector_store %arg11[%swap3A, %swap3A_30], %reduce_sum3A_24 {strides = array<i32>} : memref<328x128xf32, #tpu.memory_space<vmem>>, vector<25x128xf32>,
    %swap3A_32 = arith.constant 0 : index
    %swap3A_33 = arith.constant 0 : index
    %swap3A_34 = vector.load %arg12[%swap3A_32, %swap3A_33] : memref<328x128xf32, #tpu.memory_space<vmem>>, vector<25x128xf32>
    tpu.vector_store %arg12[%swap3A_32, %swap3A_33], %reduce_sum3A_29 {strides = array<i32>} : memref<328x128xf32, #tpu.memory_space<vmem>>, vector<25x128xf32>,
    %slice3A_35 = vector.extract_strided_slice %get3A_2 {offsets = [2, 0, 0], sizes = [24, 128, 64], strides = [1, 1, 1]} : vector<26x128x64xf32> to vector<24x128x64xf32>
    %slice3A_36 = vector.extract_strided_slice %get3A_2 {offsets = [1, 0, 0], sizes = [1, 128, 64], strides = [1, 1, 1]} : vector<26x128x64xf32> to vector<1x128x64xf32>
    %squeeze3A_37 = vector.shape_cast %slice3A_36 : vector<1x128x64xf32> to vector<128x64xf32>
    %broadcast_in_dim3A_38 = vector.shape_cast %squeeze3A_37 : vector<128x64xf32> to vector<1x128x64xf32>
    %mul3A_39 = vector.broadcast %broadcast_in_dim3A_38 : vector<1x128x64xf32> to vector<24x128x64xf32>
    %mul3A_40 = arith.mulf %slice3A_35, %mul3A_39 : vector<24x128x64xf32>
    %reshape3A_41 = vector.shape_cast %mul3A_40 : vector<24x128x64xf32> to vector<3072x64xf32>
    %dot_general3A_42 = arith.constant dense<0.000000e+00> : vector<3072x64xf32>
    %dot_general3A_43 = tpu.matmul %reshape3A_41, %get3A_5, %dot_general3A_42 {dimension_numbers = #tpu.dot_dimension_numbers<[1], [1], [0], [0], [0, 0, 1, 0], [], []>, transpose_lhs_hint = false} : vector<3072x64xf32>, vector<64x64xf32>, vector<3072x64xf32> -> vector<3072x64xf32>
    %add3A_44 = vector.broadcast %get3A_8 : vector<1x64xf32> to vector<3072x64xf32>
    %add3A_45 = arith.addf %dot_general3A_43, %add3A_44 : vector<3072x64xf32>
    %max3A_46 = arith.constant 0.000000e+00 : f32
    %max3A_47 = vector.broadcast %max3A_46 : f32 to vector<3072x64xf32>
    %max3A_48 = arith.maximumf %add3A_45, %max3A_47 : vector<3072x64xf32>
    %mul3A_49 = vector.broadcast %get3A_11 : vector<1x64xf32> to vector<3072x64xf32>
    %mul3A_50 = arith.mulf %max3A_48, %mul3A_49 : vector<3072x64xf32>
    %reshape3A_51 = vector.shape_cast %mul3A_50 : vector<3072x64xf32> to vector<24x128x64xf32>
    %reduce_sum3A_52 = arith.constant dense<0.000000e+00> : vector<24x128xf32>
    %reduce_sum3A_53 = vector.multi_reduction <add>, %reshape3A_51, %reduce_sum3A_52 [2] : vector<24x128x64xf32> to vector<24x128xf32>
    %mul3A_54 = vector.broadcast %get3A_14 : vector<1x64xf32> to vector<3072x64xf32>
    %mul3A_55 = arith.mulf %reshape3A_41, %mul3A_54 : vector<3072x64xf32>
    %reshape3A_56 = vector.shape_cast %mul3A_55 : vector<3072x64xf32> to vector<24x128x64xf32>
    %reduce_sum3A_57 = arith.constant dense<0.000000e+00> : vector<24x128xf32>
    %reduce_sum3A_58 = vector.multi_reduction <add>, %reshape3A_56, %reduce_sum3A_57 [2] : vector<24x128x64xf32> to vector<24x128xf32>
    %swap3A_59 = arith.constant 25 : index
    %swap3A_60 = arith.constant 0 : index
    %swap3A_61 = vector.load %arg11[%swap3A_59, %swap3A_60] : memref<328x128xf32, #tpu.memory_space<vmem>>, vector<24x128xf32>
    tpu.vector_store %arg11[%swap3A_59, %swap3A_60], %reduce_sum3A_53 {strides = array<i32>} : memref<328x128xf32, #tpu.memory_space<vmem>>, vector<24x128xf32>,
    %swap3A_62 = arith.constant 25 : index
    %swap3A_63 = arith.constant 0 : index
    %swap3A_64 = vector.load %arg12[%swap3A_62, %swap3A_63] : memref<328x128xf32, #tpu.memory_space<vmem>>, vector<24x128xf32>
    tpu.vector_store %arg12[%swap3A_62, %swap3A_63], %reduce_sum3A_58 {strides = array<i32>} : memref<328x128xf32, #tpu.memory_space<vmem>>, vector<24x128xf32>,
    %slice3A_65 = vector.extract_strided_slice %get3A_2 {offsets = [3, 0, 0], sizes = [23, 128, 64], strides = [1, 1, 1]} : vector<26x128x64xf32> to vector<23x128x64xf32>
    %slice3A_66 = vector.extract_strided_slice %get3A_2 {offsets = [2, 0, 0], sizes = [1, 128, 64], strides = [1, 1, 1]} : vector<26x128x64xf32> to vector<1x128x64xf32>
    %squeeze3A_67 = vector.shape_cast %slice3A_66 : vector<1x128x64xf32> to vector<128x64xf32>
    %broadcast_in_dim3A_68 = vector.shape_cast %squeeze3A_67 : vector<128x64xf32> to vector<1x128x64xf32>
    %mul3A_69 = vector.broadcast %broadcast_in_dim3A_68 : vector<1x128x64xf32> to vector<23x128x64xf32>
    %mul3A_70 = arith.mulf %slice3A_65, %mul3A_69 : vector<23x128x64xf32>
    %reshape3A_71 = vector.shape_cast %mul3A_70 : vector<23x128x64xf32> to vector<2944x64xf32>
    %dot_general3A_72 = arith.constant dense<0.000000e+00> : vector<2944x64xf32>
    %dot_general3A_73 = tpu.matmul %reshape3A_71, %get3A_5, %dot_general3A_72 {dimension_numbers = #tpu.dot_dimension_numbers<[1], [1], [0], [0], [0, 0, 1, 0], [], []>, transpose_lhs_hint = false} : vector<2944x64xf32>, vector<64x64xf32>, vector<2944x64xf32> -> vector<2944x64xf32>
    %add3A_74 = vector.broadcast %get3A_8 : vector<1x64xf32> to vector<2944x64xf32>
    %add3A_75 = arith.addf %dot_general3A_73, %add3A_74 : vector<2944x64xf32>
    %max3A_76 = arith.constant 0.000000e+00 : f32
    %max3A_77 = vector.broadcast %max3A_76 : f32 to vector<2944x64xf32>
    %max3A_78 = arith.maximumf %add3A_75, %max3A_77 : vector<2944x64xf32>
    %mul3A_79 = vector.broadcast %get3A_11 : vector<1x64xf32> to vector<2944x64xf32>
    %mul3A_80 = arith.mulf %max3A_78, %mul3A_79 : vector<2944x64xf32>
    %reshape3A_81 = vector.shape_cast %mul3A_80 : vector<2944x64xf32> to vector<23x128x64xf32>
    %reduce_sum3A_82 = arith.constant dense<0.000000e+00> : vector<23x128xf32>
    %reduce_sum3A_83 = vector.multi_reduction <add>, %reshape3A_81, %reduce_sum3A_82 [2] : vector<23x128x64xf32> to vector<23x128xf32>
    %mul3A_84 = vector.broadcast %get3A_14 : vector<1x64xf32> to vector<2944x64xf32>
    %mul3A_85 = arith.mulf %reshape3A_71, %mul3A_84 : vector<2944x64xf32>
    %reshape3A_86 = vector.shape_cast %mul3A_85 : vector<2944x64xf32> to vector<23x128x64xf32>
    %reduce_sum3A_87 = arith.constant dense<0.000000e+00> : vector<23x128xf32>
    %reduce_sum3A_88 = vector.multi_reduction <add>, %reshape3A_86, %reduce_sum3A_87 [2] : vector<23x128x64xf32> to vector<23x128xf32>
    %swap3A_89 = arith.constant 49 : index
    %swap3A_90 = arith.constant 0 : index
    %swap3A_91 = vector.load %arg11[%swap3A_89, %swap3A_90] : memref<328x128xf32, #tpu.memory_space<vmem>>, vector<23x128xf32>
    tpu.vector_store %arg11[%swap3A_89, %swap3A_90], %reduce_sum3A_83 {strides = array<i32>} : memref<328x128xf32, #tpu.memory_space<vmem>>, vector<23x128xf32>,
    %swap3A_92 = arith.constant 49 : index
    %swap3A_93 = arith.constant 0 : index
    %swap3A_94 = vector.load %arg12[%swap3A_92, %swap3A_93] : memref<328x128xf32, #tpu.memory_space<vmem>>, vector<23x128xf32>
    tpu.vector_store %arg12[%swap3A_92, %swap3A_93], %reduce_sum3A_88 {strides = array<i32>} : memref<328x128xf32, #tpu.memory_space<vmem>>, vector<23x128xf32>,
    %slice3A_95 = vector.extract_strided_slice %get3A_2 {offsets = [4, 0, 0], sizes = [22, 128, 64], strides = [1, 1, 1]} : vector<26x128x64xf32> to vector<22x128x64xf32>
    %slice3A_96 = vector.extract_strided_slice %get3A_2 {offsets = [3, 0, 0], sizes = [1, 128, 64], strides = [1, 1, 1]} : vector<26x128x64xf32> to vector<1x128x64xf32>
    %squeeze3A_97 = vector.shape_cast %slice3A_96 : vector<1x128x64xf32> to vector<128x64xf32>
    %broadcast_in_dim3A_98 = vector.shape_cast %squeeze3A_97 : vector<128x64xf32> to vector<1x128x64xf32>
    %mul3A_99 = vector.broadcast %broadcast_in_dim3A_98 : vector<1x128x64xf32> to vector<22x128x64xf32>
    %mul3A_100 = arith.mulf %slice3A_95, %mul3A_99 : vector<22x128x64xf32>
    %reshape3A_101 = vector.shape_cast %mul3A_100 : vector<22x128x64xf32> to vector<2816x64xf32>
    %dot_general3A_102 = arith.constant dense<0.000000e+00> : vector<2816x64xf32>
    %dot_general3A_103 = tpu.matmul %reshape3A_101, %get3A_5, %dot_general3A_102 {dimension_numbers = #tpu.dot_dimension_numbers<[1], [1], [0], [0], [0, 0, 1, 0], [], []>, transpose_lhs_hint = false} : vector<2816x64xf32>, vector<64x64xf32>, vector<2816x64xf32> -> vector<2816x64xf32>
    %add3A_104 = vector.broadcast %get3A_8 : vector<1x64xf32> to vector<2816x64xf32>
    %add3A_105 = arith.addf %dot_general3A_103, %add3A_104 : vector<2816x64xf32>
    %max3A_106 = arith.constant 0.000000e+00 : f32
    %max3A_107 = vector.broadcast %max3A_106 : f32 to vector<2816x64xf32>
    %max3A_108 = arith.maximumf %add3A_105, %max3A_107 : vector<2816x64xf32>
    %mul3A_109 = vector.broadcast %get3A_11 : vector<1x64xf32> to vector<2816x64xf32>
    %mul3A_110 = arith.mulf %max3A_108, %mul3A_109 : vector<2816x64xf32>
    %reshape3A_111 = vector.shape_cast %mul3A_110 : vector<2816x64xf32> to vector<22x128x64xf32>
    %reduce_sum3A_112 = arith.constant dense<0.000000e+00> : vector<22x128xf32>
    %reduce_sum3A_113 = vector.multi_reduction <add>, %reshape3A_111, %reduce_sum3A_112 [2] : vector<22x128x64xf32> to vector<22x128xf32>
    %mul3A_114 = vector.broadcast %get3A_14 : vector<1x64xf32> to vector<2816x64xf32>
    %mul3A_115 = arith.mulf %reshape3A_101, %mul3A_114 : vector<2816x64xf32>
    %reshape3A_116 = vector.shape_cast %mul3A_115 : vector<2816x64xf32> to vector<22x128x64xf32>
    %reduce_sum3A_117 = arith.constant dense<0.000000e+00> : vector<22x128xf32>
    %reduce_sum3A_118 = vector.multi_reduction <add>, %reshape3A_116, %reduce_sum3A_117 [2] : vector<22x128x64xf32> to vector<22x128xf32>
    %swap3A_119 = arith.constant 72 : index
    %swap3A_120 = arith.constant 0 : index
    %swap3A_121 = vector.load %arg11[%swap3A_119, %swap3A_120] : memref<328x128xf32, #tpu.memory_space<vmem>>, vector<22x128xf32>
    tpu.vector_store %arg11[%swap3A_119, %swap3A_120], %reduce_sum3A_113 {strides = array<i32>} : memref<328x128xf32, #tpu.memory_space<vmem>>, vector<22x128xf32>,
    %swap3A_122 = arith.constant 72 : index
    %swap3A_123 = arith.constant 0 : index
    %swap3A_124 = vector.load %arg12[%swap3A_122, %swap3A_123] : memref<328x128xf32, #tpu.memory_space<vmem>>, vector<22x128xf32>
    tpu.vector_store %arg12[%swap3A_122, %swap3A_123], %reduce_sum3A_118 {strides = array<i32>} : memref<328x128xf32, #tpu.memory_space<vmem>>, vector<22x128xf32>,
    %slice3A_125 = vector.extract_strided_slice %get3A_2 {offsets = [5, 0, 0], sizes = [21, 128, 64], strides = [1, 1, 1]} : vector<26x128x64xf32> to vector<21x128x64xf32>
    %slice3A_126 = vector.extract_strided_slice %get3A_2 {offsets = [4, 0, 0], sizes = [1, 128, 64], strides = [1, 1, 1]} : vector<26x128x64xf32> to vector<1x128x64xf32>
    %squeeze3A_127 = vector.shape_cast %slice3A_126 : vector<1x128x64xf32> to vector<128x64xf32>
    %broadcast_in_dim3A_128 = vector.shape_cast %squeeze3A_127 : vector<128x64xf32> to vector<1x128x64xf32>
    %mul3A_129 = vector.broadcast %broadcast_in_dim3A_128 : vector<1x128x64xf32> to vector<21x128x64xf32>
    %mul3A_130 = arith.mulf %slice3A_125, %mul3A_129 : vector<21x128x64xf32>
    %reshape3A_131 = vector.shape_cast %mul3A_130 : vector<21x128x64xf32> to vector<2688x64xf32>
    %dot_general3A_132 = arith.constant dense<0.000000e+00> : vector<2688x64xf32>
    %dot_general3A_133 = tpu.matmul %reshape3A_131, %get3A_5, %dot_general3A_132 {dimension_numbers = #tpu.dot_dimension_numbers<[1], [1], [0], [0], [0, 0, 1, 0], [], []>, transpose_lhs_hint = false} : vector<2688x64xf32>, vector<64x64xf32>, vector<2688x64xf32> -> vector<2688x64xf32>
    %add3A_134 = vector.broadcast %get3A_8 : vector<1x64xf32> to vector<2688x64xf32>
    %add3A_135 = arith.addf %dot_general3A_133, %add3A_134 : vector<2688x64xf32>
    %max3A_136 = arith.constant 0.000000e+00 : f32
    %max3A_137 = vector.broadcast %max3A_136 : f32 to vector<2688x64xf32>
    %max3A_138 = arith.maximumf %add3A_135, %max3A_137 : vector<2688x64xf32>
    %mul3A_139 = vector.broadcast %get3A_11 : vector<1x64xf32> to vector<2688x64xf32>
    %mul3A_140 = arith.mulf %max3A_138, %mul3A_139 : vector<2688x64xf32>
    %reshape3A_141 = vector.shape_cast %mul3A_140 : vector<2688x64xf32> to vector<21x128x64xf32>
    %reduce_sum3A_142 = arith.constant dense<0.000000e+00> : vector<21x128xf32>
    %reduce_sum3A_143 = vector.multi_reduction <add>, %reshape3A_141, %reduce_sum3A_142 [2] : vector<21x128x64xf32> to vector<21x128xf32>
    %mul3A_144 = vector.broadcast %get3A_14 : vector<1x64xf32> to vector<2688x64xf32>
    %mul3A_145 = arith.mulf %reshape3A_131, %mul3A_144 : vector<2688x64xf32>
    %reshape3A_146 = vector.shape_cast %mul3A_145 : vector<2688x64xf32> to vector<21x128x64xf32>
    %reduce_sum3A_147 = arith.constant dense<0.000000e+00> : vector<21x128xf32>
    %reduce_sum3A_148 = vector.multi_reduction <add>, %reshape3A_146, %reduce_sum3A_147 [2] : vector<21x128x64xf32> to vector<21x128xf32>
    %swap3A_149 = arith.constant 94 : index
    %swap3A_150 = arith.constant 0 : index
    %swap3A_151 = vector.load %arg11[%swap3A_149, %swap3A_150] : memref<328x128xf32, #tpu.memory_space<vmem>>, vector<21x128xf32>
    tpu.vector_store %arg11[%swap3A_149, %swap3A_150], %reduce_sum3A_143 {strides = array<i32>} : memref<328x128xf32, #tpu.memory_space<vmem>>, vector<21x128xf32>,
    %swap3A_152 = arith.constant 94 : index
    %swap3A_153 = arith.constant 0 : index
    %swap3A_154 = vector.load %arg12[%swap3A_152, %swap3A_153] : memref<328x128xf32, #tpu.memory_space<vmem>>, vector<21x128xf32>
    tpu.vector_store %arg12[%swap3A_152, %swap3A_153], %reduce_sum3A_148 {strides = array<i32>} : memref<328x128xf32, #tpu.memory_space<vmem>>, vector<21x128xf32>,
    %slice3A_155 = vector.extract_strided_slice %get3A_2 {offsets = [6, 0, 0], sizes = [20, 128, 64], strides = [1, 1, 1]} : vector<26x128x64xf32> to vector<20x128x64xf32>
    %slice3A_156 = vector.extract_strided_slice %get3A_2 {offsets = [5, 0, 0], sizes = [1, 128, 64], strides = [1, 1, 1]} : vector<26x128x64xf32> to vector<1x128x64xf32>
    %squeeze3A_157 = vector.shape_cast %slice3A_156 : vector<1x128x64xf32> to vector<128x64xf32>
    %broadcast_in_dim3A_158 = vector.shape_cast %squeeze3A_157 : vector<128x64xf32> to vector<1x128x64xf32>
    %mul3A_159 = vector.broadcast %broadcast_in_dim3A_158 : vector<1x128x64xf32> to vector<20x128x64xf32>
    %mul3A_160 = arith.mulf %slice3A_155, %mul3A_159 : vector<20x128x64xf32>
    %reshape3A_161 = vector.shape_cast %mul3A_160 : vector<20x128x64xf32> to vector<2560x64xf32>
    %dot_general3A_162 = arith.constant dense<0.000000e+00> : vector<2560x64xf32>
    %dot_general3A_163 = tpu.matmul %reshape3A_161, %get3A_5, %dot_general3A_162 {dimension_numbers = #tpu.dot_dimension_numbers<[1], [1], [0], [0], [0, 0, 1, 0], [], []>, transpose_lhs_hint = false} : vector<2560x64xf32>, vector<64x64xf32>, vector<2560x64xf32> -> vector<2560x64xf32>
    %add3A_164 = vector.broadcast %get3A_8 : vector<1x64xf32> to vector<2560x64xf32>
    %add3A_165 = arith.addf %dot_general3A_163, %add3A_164 : vector<2560x64xf32>
    %max3A_166 = arith.constant 0.000000e+00 : f32
    %max3A_167 = vector.broadcast %max3A_166 : f32 to vector<2560x64xf32>
    %max3A_168 = arith.maximumf %add3A_165, %max3A_167 : vector<2560x64xf32>
    %mul3A_169 = vector.broadcast %get3A_11 : vector<1x64xf32> to vector<2560x64xf32>
    %mul3A_170 = arith.mulf %max3A_168, %mul3A_169 : vector<2560x64xf32>
    %reshape3A_171 = vector.shape_cast %mul3A_170 : vector<2560x64xf32> to vector<20x128x64xf32>
    %reduce_sum3A_172 = arith.constant dense<0.000000e+00> : vector<20x128xf32>
    %reduce_sum3A_173 = vector.multi_reduction <add>, %reshape3A_171, %reduce_sum3A_172 [2] : vector<20x128x64xf32> to vector<20x128xf32>
    %mul3A_174 = vector.broadcast %get3A_14 : vector<1x64xf32> to vector<2560x64xf32>
    %mul3A_175 = arith.mulf %reshape3A_161, %mul3A_174 : vector<2560x64xf32>
    %reshape3A_176 = vector.shape_cast %mul3A_175 : vector<2560x64xf32> to vector<20x128x64xf32>
    %reduce_sum3A_177 = arith.constant dense<0.000000e+00> : vector<20x128xf32>
    %reduce_sum3A_178 = vector.multi_reduction <add>, %reshape3A_176, %reduce_sum3A_177 [2] : vector<20x128x64xf32> to vector<20x128xf32>
    %swap3A_179 = arith.constant 115 : index
    %swap3A_180 = arith.constant 0 : index
    %swap3A_181 = vector.load %arg11[%swap3A_179, %swap3A_180] : memref<328x128xf32, #tpu.memory_space<vmem>>, vector<20x128xf32>
    tpu.vector_store %arg11[%swap3A_179, %swap3A_180], %reduce_sum3A_173 {strides = array<i32>} : memref<328x128xf32, #tpu.memory_space<vmem>>, vector<20x128xf32>,
    %swap3A_182 = arith.constant 115 : index
    %swap3A_183 = arith.constant 0 : index
    %swap3A_184 = vector.load %arg12[%swap3A_182, %swap3A_183] : memref<328x128xf32, #tpu.memory_space<vmem>>, vector<20x128xf32>
    tpu.vector_store %arg12[%swap3A_182, %swap3A_183], %reduce_sum3A_178 {strides = array<i32>} : memref<328x128xf32, #tpu.memory_space<vmem>>, vector<20x128xf32>,
    %slice3A_185 = vector.extract_strided_slice %get3A_2 {offsets = [7, 0, 0], sizes = [19, 128, 64], strides = [1, 1, 1]} : vector<26x128x64xf32> to vector<19x128x64xf32>
    %slice3A_186 = vector.extract_strided_slice %get3A_2 {offsets = [6, 0, 0], sizes = [1, 128, 64], strides = [1, 1, 1]} : vector<26x128x64xf32> to vector<1x128x64xf32>
    %squeeze3A_187 = vector.shape_cast %slice3A_186 : vector<1x128x64xf32> to vector<128x64xf32>
    %broadcast_in_dim3A_188 = vector.shape_cast %squeeze3A_187 : vector<128x64xf32> to vector<1x128x64xf32>
    %mul3A_189 = vector.broadcast %broadcast_in_dim3A_188 : vector<1x128x64xf32> to vector<19x128x64xf32>
    %mul3A_190 = arith.mulf %slice3A_185, %mul3A_189 : vector<19x128x64xf32>
    %reshape3A_191 = vector.shape_cast %mul3A_190 : vector<19x128x64xf32> to vector<2432x64xf32>
    %dot_general3A_192 = arith.constant dense<0.000000e+00> : vector<2432x64xf32>
    %dot_general3A_193 = tpu.matmul %reshape3A_191, %get3A_5, %dot_general3A_192 {dimension_numbers = #tpu.dot_dimension_numbers<[1], [1], [0], [0], [0, 0, 1, 0], [], []>, transpose_lhs_hint = false} : vector<2432x64xf32>, vector<64x64xf32>, vector<2432x64xf32> -> vector<2432x64xf32>
    %add3A_194 = vector.broadcast %get3A_8 : vector<1x64xf32> to vector<2432x64xf32>
    %add3A_195 = arith.addf %dot_general3A_193, %add3A_194 : vector<2432x64xf32>
    %max3A_196 = arith.constant 0.000000e+00 : f32
    %max3A_197 = vector.broadcast %max3A_196 : f32 to vector<2432x64xf32>
    %max3A_198 = arith.maximumf %add3A_195, %max3A_197 : vector<2432x64xf32>
    %mul3A_199 = vector.broadcast %get3A_11 : vector<1x64xf32> to vector<2432x64xf32>
    %mul3A_200 = arith.mulf %max3A_198, %mul3A_199 : vector<2432x64xf32>
    %reshape3A_201 = vector.shape_cast %mul3A_200 : vector<2432x64xf32> to vector<19x128x64xf32>
    %reduce_sum3A_202 = arith.constant dense<0.000000e+00> : vector<19x128xf32>
    %reduce_sum3A_203 = vector.multi_reduction <add>, %reshape3A_201, %reduce_sum3A_202 [2] : vector<19x128x64xf32> to vector<19x128xf32>
    %mul3A_204 = vector.broadcast %get3A_14 : vector<1x64xf32> to vector<2432x64xf32>
    %mul3A_205 = arith.mulf %reshape3A_191, %mul3A_204 : vector<2432x64xf32>
    %reshape3A_206 = vector.shape_cast %mul3A_205 : vector<2432x64xf32> to vector<19x128x64xf32>
    %reduce_sum3A_207 = arith.constant dense<0.000000e+00> : vector<19x128xf32>
    %reduce_sum3A_208 = vector.multi_reduction <add>, %reshape3A_206, %reduce_sum3A_207 [2] : vector<19x128x64xf32> to vector<19x128xf32>
    %swap3A_209 = arith.constant 135 : index
    %swap3A_210 = arith.constant 0 : index
    %swap3A_211 = vector.load %arg11[%swap3A_209, %swap3A_210] : memref<328x128xf32, #tpu.memory_space<vmem>>, vector<19x128xf32>
    tpu.vector_store %arg11[%swap3A_209, %swap3A_210], %reduce_sum3A_203 {strides = array<i32>} : memref<328x128xf32, #tpu.memory_space<vmem>>, vector<19x128xf32>,
    %swap3A_212 = arith.constant 135 : index
    %swap3A_213 = arith.constant 0 : index
    %swap3A_214 = vector.load %arg12[%swap3A_212, %swap3A_213] : memref<328x128xf32, #tpu.memory_space<vmem>>, vector<19x128xf32>
    tpu.vector_store %arg12[%swap3A_212, %swap3A_213], %reduce_sum3A_208 {strides = array<i32>} : memref<328x128xf32, #tpu.memory_space<vmem>>, vector<19x128xf32>,
    %slice3A_215 = vector.extract_strided_slice %get3A_2 {offsets = [8, 0, 0], sizes = [18, 128, 64], strides = [1, 1, 1]} : vector<26x128x64xf32> to vector<18x128x64xf32>
    %slice3A_216 = vector.extract_strided_slice %get3A_2 {offsets = [7, 0, 0], sizes = [1, 128, 64], strides = [1, 1, 1]} : vector<26x128x64xf32> to vector<1x128x64xf32>
    %squeeze3A_217 = vector.shape_cast %slice3A_216 : vector<1x128x64xf32> to vector<128x64xf32>
    %broadcast_in_dim3A_218 = vector.shape_cast %squeeze3A_217 : vector<128x64xf32> to vector<1x128x64xf32>
    %mul3A_219 = vector.broadcast %broadcast_in_dim3A_218 : vector<1x128x64xf32> to vector<18x128x64xf32>
    %mul3A_220 = arith.mulf %slice3A_215, %mul3A_219 : vector<18x128x64xf32>
    %reshape3A_221 = vector.shape_cast %mul3A_220 : vector<18x128x64xf32> to vector<2304x64xf32>
    %dot_general3A_222 = arith.constant dense<0.000000e+00> : vector<2304x64xf32>
    %dot_general3A_223 = tpu.matmul %reshape3A_221, %get3A_5, %dot_general3A_222 {dimension_numbers = #tpu.dot_dimension_numbers<[1], [1], [0], [0], [0, 0, 1, 0], [], []>, transpose_lhs_hint = false} : vector<2304x64xf32>, vector<64x64xf32>, vector<2304x64xf32> -> vector<2304x64xf32>
    %add3A_224 = vector.broadcast %get3A_8 : vector<1x64xf32> to vector<2304x64xf32>
    %add3A_225 = arith.addf %dot_general3A_223, %add3A_224 : vector<2304x64xf32>
    %max3A_226 = arith.constant 0.000000e+00 : f32
    %max3A_227 = vector.broadcast %max3A_226 : f32 to vector<2304x64xf32>
    %max3A_228 = arith.maximumf %add3A_225, %max3A_227 : vector<2304x64xf32>
    %mul3A_229 = vector.broadcast %get3A_11 : vector<1x64xf32> to vector<2304x64xf32>
    %mul3A_230 = arith.mulf %max3A_228, %mul3A_229 : vector<2304x64xf32>
    %reshape3A_231 = vector.shape_cast %mul3A_230 : vector<2304x64xf32> to vector<18x128x64xf32>
    %reduce_sum3A_232 = arith.constant dense<0.000000e+00> : vector<18x128xf32>
    %reduce_sum3A_233 = vector.multi_reduction <add>, %reshape3A_231, %reduce_sum3A_232 [2] : vector<18x128x64xf32> to vector<18x128xf32>
    %mul3A_234 = vector.broadcast %get3A_14 : vector<1x64xf32> to vector<2304x64xf32>
    %mul3A_235 = arith.mulf %reshape3A_221, %mul3A_234 : vector<2304x64xf32>
    %reshape3A_236 = vector.shape_cast %mul3A_235 : vector<2304x64xf32> to vector<18x128x64xf32>
    %reduce_sum3A_237 = arith.constant dense<0.000000e+00> : vector<18x128xf32>
    %reduce_sum3A_238 = vector.multi_reduction <add>, %reshape3A_236, %reduce_sum3A_237 [2] : vector<18x128x64xf32> to vector<18x128xf32>
    %swap3A_239 = arith.constant 154 : index
    %swap3A_240 = arith.constant 0 : index
    %swap3A_241 = vector.load %arg11[%swap3A_239, %swap3A_240] : memref<328x128xf32, #tpu.memory_space<vmem>>, vector<18x128xf32>
    tpu.vector_store %arg11[%swap3A_239, %swap3A_240], %reduce_sum3A_233 {strides = array<i32>} : memref<328x128xf32, #tpu.memory_space<vmem>>, vector<18x128xf32>,
    %swap3A_242 = arith.constant 154 : index
    %swap3A_243 = arith.constant 0 : index
    %swap3A_244 = vector.load %arg12[%swap3A_242, %swap3A_243] : memref<328x128xf32, #tpu.memory_space<vmem>>, vector<18x128xf32>
    tpu.vector_store %arg12[%swap3A_242, %swap3A_243], %reduce_sum3A_238 {strides = array<i32>} : memref<328x128xf32, #tpu.memory_space<vmem>>, vector<18x128xf32>,
    %slice3A_245 = vector.extract_strided_slice %get3A_2 {offsets = [9, 0, 0], sizes = [17, 128, 64], strides = [1, 1, 1]} : vector<26x128x64xf32> to vector<17x128x64xf32>
    %slice3A_246 = vector.extract_strided_slice %get3A_2 {offsets = [8, 0, 0], sizes = [1, 128, 64], strides = [1, 1, 1]} : vector<26x128x64xf32> to vector<1x128x64xf32>
    %squeeze3A_247 = vector.shape_cast %slice3A_246 : vector<1x128x64xf32> to vector<128x64xf32>
    %broadcast_in_dim3A_248 = vector.shape_cast %squeeze3A_247 : vector<128x64xf32> to vector<1x128x64xf32>
    %mul3A_249 = vector.broadcast %broadcast_in_dim3A_248 : vector<1x128x64xf32> to vector<17x128x64xf32>
    %mul3A_250 = arith.mulf %slice3A_245, %mul3A_249 : vector<17x128x64xf32>
    %reshape3A_251 = vector.shape_cast %mul3A_250 : vector<17x128x64xf32> to vector<2176x64xf32>
    %dot_general3A_252 = arith.constant dense<0.000000e+00> : vector<2176x64xf32>
    %dot_general3A_253 = tpu.matmul %reshape3A_251, %get3A_5, %dot_general3A_252 {dimension_numbers = #tpu.dot_dimension_numbers<[1], [1], [0], [0], [0, 0, 1, 0], [], []>, transpose_lhs_hint = false} : vector<2176x64xf32>, vector<64x64xf32>, vector<2176x64xf32> -> vector<2176x64xf32>
    %add3A_254 = vector.broadcast %get3A_8 : vector<1x64xf32> to vector<2176x64xf32>
    %add3A_255 = arith.addf %dot_general3A_253, %add3A_254 : vector<2176x64xf32>
    %max3A_256 = arith.constant 0.000000e+00 : f32
    %max3A_257 = vector.broadcast %max3A_256 : f32 to vector<2176x64xf32>
    %max3A_258 = arith.maximumf %add3A_255, %max3A_257 : vector<2176x64xf32>
    %mul3A_259 = vector.broadcast %get3A_11 : vector<1x64xf32> to vector<2176x64xf32>
    %mul3A_260 = arith.mulf %max3A_258, %mul3A_259 : vector<2176x64xf32>
    %reshape3A_261 = vector.shape_cast %mul3A_260 : vector<2176x64xf32> to vector<17x128x64xf32>
    %reduce_sum3A_262 = arith.constant dense<0.000000e+00> : vector<17x128xf32>
    %reduce_sum3A_263 = vector.multi_reduction <add>, %reshape3A_261, %reduce_sum3A_262 [2] : vector<17x128x64xf32> to vector<17x128xf32>
    %mul3A_264 = vector.broadcast %get3A_14 : vector<1x64xf32> to vector<2176x64xf32>
    %mul3A_265 = arith.mulf %reshape3A_251, %mul3A_264 : vector<2176x64xf32>
    %reshape3A_266 = vector.shape_cast %mul3A_265 : vector<2176x64xf32> to vector<17x128x64xf32>
    %reduce_sum3A_267 = arith.constant dense<0.000000e+00> : vector<17x128xf32>
    %reduce_sum3A_268 = vector.multi_reduction <add>, %reshape3A_266, %reduce_sum3A_267 [2] : vector<17x128x64xf32> to vector<17x128xf32>
    %swap3A_269 = arith.constant 172 : index
    %swap3A_270 = arith.constant 0 : index
    %swap3A_271 = vector.load %arg11[%swap3A_269, %swap3A_270] : memref<328x128xf32, #tpu.memory_space<vmem>>, vector<17x128xf32>
    tpu.vector_store %arg11[%swap3A_269, %swap3A_270], %reduce_sum3A_263 {strides = array<i32>} : memref<328x128xf32, #tpu.memory_space<vmem>>, vector<17x128xf32>,
    %swap3A_272 = arith.constant 172 : index
    %swap3A_273 = arith.constant 0 : index
    %swap3A_274 = vector.load %arg12[%swap3A_272, %swap3A_273] : memref<328x128xf32, #tpu.memory_space<vmem>>, vector<17x128xf32>
    tpu.vector_store %arg12[%swap3A_272, %swap3A_273], %reduce_sum3A_268 {strides = array<i32>} : memref<328x128xf32, #tpu.memory_space<vmem>>, vector<17x128xf32>,
    %slice3A_275 = vector.extract_strided_slice %get3A_2 {offsets = [10, 0, 0], sizes = [16, 128, 64], strides = [1, 1, 1]} : vector<26x128x64xf32> to vector<16x128x64xf32>
    %slice3A_276 = vector.extract_strided_slice %get3A_2 {offsets = [9, 0, 0], sizes = [1, 128, 64], strides = [1, 1, 1]} : vector<26x128x64xf32> to vector<1x128x64xf32>
    %squeeze3A_277 = vector.shape_cast %slice3A_276 : vector<1x128x64xf32> to vector<128x64xf32>
    %broadcast_in_dim3A_278 = vector.shape_cast %squeeze3A_277 : vector<128x64xf32> to vector<1x128x64xf32>
    %mul3A_279 = vector.broadcast %broadcast_in_dim3A_278 : vector<1x128x64xf32> to vector<16x128x64xf32>
    %mul3A_280 = arith.mulf %slice3A_275, %mul3A_279 : vector<16x128x64xf32>
    %reshape3A_281 = vector.shape_cast %mul3A_280 : vector<16x128x64xf32> to vector<2048x64xf32>
    %dot_general3A_282 = arith.constant dense<0.000000e+00> : vector<2048x64xf32>
    %dot_general3A_283 = tpu.matmul %reshape3A_281, %get3A_5, %dot_general3A_282 {dimension_numbers = #tpu.dot_dimension_numbers<[1], [1], [0], [0], [0, 0, 1, 0], [], []>, transpose_lhs_hint = false} : vector<2048x64xf32>, vector<64x64xf32>, vector<2048x64xf32> -> vector<2048x64xf32>
    %add3A_284 = vector.broadcast %get3A_8 : vector<1x64xf32> to vector<2048x64xf32>
    %add3A_285 = arith.addf %dot_general3A_283, %add3A_284 : vector<2048x64xf32>
    %max3A_286 = arith.constant 0.000000e+00 : f32
    %max3A_287 = vector.broadcast %max3A_286 : f32 to vector<2048x64xf32>
    %max3A_288 = arith.maximumf %add3A_285, %max3A_287 : vector<2048x64xf32>
    %mul3A_289 = vector.broadcast %get3A_11 : vector<1x64xf32> to vector<2048x64xf32>
    %mul3A_290 = arith.mulf %max3A_288, %mul3A_289 : vector<2048x64xf32>
    %reshape3A_291 = vector.shape_cast %mul3A_290 : vector<2048x64xf32> to vector<16x128x64xf32>
    %reduce_sum3A_292 = arith.constant dense<0.000000e+00> : vector<16x128xf32>
    %reduce_sum3A_293 = vector.multi_reduction <add>, %reshape3A_291, %reduce_sum3A_292 [2] : vector<16x128x64xf32> to vector<16x128xf32>
    %mul3A_294 = vector.broadcast %get3A_14 : vector<1x64xf32> to vector<2048x64xf32>
    %mul3A_295 = arith.mulf %reshape3A_281, %mul3A_294 : vector<2048x64xf32>
    %reshape3A_296 = vector.shape_cast %mul3A_295 : vector<2048x64xf32> to vector<16x128x64xf32>
    %reduce_sum3A_297 = arith.constant dense<0.000000e+00> : vector<16x128xf32>
    %reduce_sum3A_298 = vector.multi_reduction <add>, %reshape3A_296, %reduce_sum3A_297 [2] : vector<16x128x64xf32> to vector<16x128xf32>
    %swap3A_299 = arith.constant 189 : index
    %swap3A_300 = arith.constant 0 : index
    %swap3A_301 = vector.load %arg11[%swap3A_299, %swap3A_300] : memref<328x128xf32, #tpu.memory_space<vmem>>, vector<16x128xf32>
    tpu.vector_store %arg11[%swap3A_299, %swap3A_300], %reduce_sum3A_293 {strides = array<i32>} : memref<328x128xf32, #tpu.memory_space<vmem>>, vector<16x128xf32>,
    %swap3A_302 = arith.constant 189 : index
    %swap3A_303 = arith.constant 0 : index
    %swap3A_304 = vector.load %arg12[%swap3A_302, %swap3A_303] : memref<328x128xf32, #tpu.memory_space<vmem>>, vector<16x128xf32>
    tpu.vector_store %arg12[%swap3A_302, %swap3A_303], %reduce_sum3A_298 {strides = array<i32>} : memref<328x128xf32, #tpu.memory_space<vmem>>, vector<16x128xf32>,
    %slice3A_305 = vector.extract_strided_slice %get3A_2 {offsets = [11, 0, 0], sizes = [15, 128, 64], strides = [1, 1, 1]} : vector<26x128x64xf32> to vector<15x128x64xf32>
    %slice3A_306 = vector.extract_strided_slice %get3A_2 {offsets = [10, 0, 0], sizes = [1, 128, 64], strides = [1, 1, 1]} : vector<26x128x64xf32> to vector<1x128x64xf32>
    %squeeze3A_307 = vector.shape_cast %slice3A_306 : vector<1x128x64xf32> to vector<128x64xf32>
    %broadcast_in_dim3A_308 = vector.shape_cast %squeeze3A_307 : vector<128x64xf32> to vector<1x128x64xf32>
    %mul3A_309 = vector.broadcast %broadcast_in_dim3A_308 : vector<1x128x64xf32> to vector<15x128x64xf32>
    %mul3A_310 = arith.mulf %slice3A_305, %mul3A_309 : vector<15x128x64xf32>
    %reshape3A_311 = vector.shape_cast %mul3A_310 : vector<15x128x64xf32> to vector<1920x64xf32>
    %dot_general3A_312 = arith.constant dense<0.000000e+00> : vector<1920x64xf32>
    %dot_general3A_313 = tpu.matmul %reshape3A_311, %get3A_5, %dot_general3A_312 {dimension_numbers = #tpu.dot_dimension_numbers<[1], [1], [0], [0], [0, 0, 1, 0], [], []>, transpose_lhs_hint = false} : vector<1920x64xf32>, vector<64x64xf32>, vector<1920x64xf32> -> vector<1920x64xf32>
    %add3A_314 = vector.broadcast %get3A_8 : vector<1x64xf32> to vector<1920x64xf32>
    %add3A_315 = arith.addf %dot_general3A_313, %add3A_314 : vector<1920x64xf32>
    %max3A_316 = arith.constant 0.000000e+00 : f32
    %max3A_317 = vector.broadcast %max3A_316 : f32 to vector<1920x64xf32>
    %max3A_318 = arith.maximumf %add3A_315, %max3A_317 : vector<1920x64xf32>
    %mul3A_319 = vector.broadcast %get3A_11 : vector<1x64xf32> to vector<1920x64xf32>
    %mul3A_320 = arith.mulf %max3A_318, %mul3A_319 : vector<1920x64xf32>
    %reshape3A_321 = vector.shape_cast %mul3A_320 : vector<1920x64xf32> to vector<15x128x64xf32>
    %reduce_sum3A_322 = arith.constant dense<0.000000e+00> : vector<15x128xf32>
    %reduce_sum3A_323 = vector.multi_reduction <add>, %reshape3A_321, %reduce_sum3A_322 [2] : vector<15x128x64xf32> to vector<15x128xf32>
    %mul3A_324 = vector.broadcast %get3A_14 : vector<1x64xf32> to vector<1920x64xf32>
    %mul3A_325 = arith.mulf %reshape3A_311, %mul3A_324 : vector<1920x64xf32>
    %reshape3A_326 = vector.shape_cast %mul3A_325 : vector<1920x64xf32> to vector<15x128x64xf32>
    %reduce_sum3A_327 = arith.constant dense<0.000000e+00> : vector<15x128xf32>
    %reduce_sum3A_328 = vector.multi_reduction <add>, %reshape3A_326, %reduce_sum3A_327 [2] : vector<15x128x64xf32> to vector<15x128xf32>
    %swap3A_329 = arith.constant 205 : index
    %swap3A_330 = arith.constant 0 : index
    %swap3A_331 = vector.load %arg11[%swap3A_329, %swap3A_330] : memref<328x128xf32, #tpu.memory_space<vmem>>, vector<15x128xf32>
    tpu.vector_store %arg11[%swap3A_329, %swap3A_330], %reduce_sum3A_323 {strides = array<i32>} : memref<328x128xf32, #tpu.memory_space<vmem>>, vector<15x128xf32>,
    %swap3A_332 = arith.constant 205 : index
    %swap3A_333 = arith.constant 0 : index
    %swap3A_334 = vector.load %arg12[%swap3A_332, %swap3A_333] : memref<328x128xf32, #tpu.memory_space<vmem>>, vector<15x128xf32>
    tpu.vector_store %arg12[%swap3A_332, %swap3A_333], %reduce_sum3A_328 {strides = array<i32>} : memref<328x128xf32, #tpu.memory_space<vmem>>, vector<15x128xf32>,
    %slice3A_335 = vector.extract_strided_slice %get3A_2 {offsets = [12, 0, 0], sizes = [14, 128, 64], strides = [1, 1, 1]} : vector<26x128x64xf32> to vector<14x128x64xf32>
    %slice3A_336 = vector.extract_strided_slice %get3A_2 {offsets = [11, 0, 0], sizes = [1, 128, 64], strides = [1, 1, 1]} : vector<26x128x64xf32> to vector<1x128x64xf32>
    %squeeze3A_337 = vector.shape_cast %slice3A_336 : vector<1x128x64xf32> to vector<128x64xf32>
    %broadcast_in_dim3A_338 = vector.shape_cast %squeeze3A_337 : vector<128x64xf32> to vector<1x128x64xf32>
    %mul3A_339 = vector.broadcast %broadcast_in_dim3A_338 : vector<1x128x64xf32> to vector<14x128x64xf32>
    %mul3A_340 = arith.mulf %slice3A_335, %mul3A_339 : vector<14x128x64xf32>
    %reshape3A_341 = vector.shape_cast %mul3A_340 : vector<14x128x64xf32> to vector<1792x64xf32>
    %dot_general3A_342 = arith.constant dense<0.000000e+00> : vector<1792x64xf32>
    %dot_general3A_343 = tpu.matmul %reshape3A_341, %get3A_5, %dot_general3A_342 {dimension_numbers = #tpu.dot_dimension_numbers<[1], [1], [0], [0], [0, 0, 1, 0], [], []>, transpose_lhs_hint = false} : vector<1792x64xf32>, vector<64x64xf32>, vector<1792x64xf32> -> vector<1792x64xf32>
    %add3A_344 = vector.broadcast %get3A_8 : vector<1x64xf32> to vector<1792x64xf32>
    %add3A_345 = arith.addf %dot_general3A_343, %add3A_344 : vector<1792x64xf32>
    %max3A_346 = arith.constant 0.000000e+00 : f32
    %max3A_347 = vector.broadcast %max3A_346 : f32 to vector<1792x64xf32>
    %max3A_348 = arith.maximumf %add3A_345, %max3A_347 : vector<1792x64xf32>
    %mul3A_349 = vector.broadcast %get3A_11 : vector<1x64xf32> to vector<1792x64xf32>
    %mul3A_350 = arith.mulf %max3A_348, %mul3A_349 : vector<1792x64xf32>
    %reshape3A_351 = vector.shape_cast %mul3A_350 : vector<1792x64xf32> to vector<14x128x64xf32>
    %reduce_sum3A_352 = arith.constant dense<0.000000e+00> : vector<14x128xf32>
    %reduce_sum3A_353 = vector.multi_reduction <add>, %reshape3A_351, %reduce_sum3A_352 [2] : vector<14x128x64xf32> to vector<14x128xf32>
    %mul3A_354 = vector.broadcast %get3A_14 : vector<1x64xf32> to vector<1792x64xf32>
    %mul3A_355 = arith.mulf %reshape3A_341, %mul3A_354 : vector<1792x64xf32>
    %reshape3A_356 = vector.shape_cast %mul3A_355 : vector<1792x64xf32> to vector<14x128x64xf32>
    %reduce_sum3A_357 = arith.constant dense<0.000000e+00> : vector<14x128xf32>
    %reduce_sum3A_358 = vector.multi_reduction <add>, %reshape3A_356, %reduce_sum3A_357 [2] : vector<14x128x64xf32> to vector<14x128xf32>
    %swap3A_359 = arith.constant 220 : index
    %swap3A_360 = arith.constant 0 : index
    %swap3A_361 = vector.load %arg11[%swap3A_359, %swap3A_360] : memref<328x128xf32, #tpu.memory_space<vmem>>, vector<14x128xf32>
    tpu.vector_store %arg11[%swap3A_359, %swap3A_360], %reduce_sum3A_353 {strides = array<i32>} : memref<328x128xf32, #tpu.memory_space<vmem>>, vector<14x128xf32>,
    %swap3A_362 = arith.constant 220 : index
    %swap3A_363 = arith.constant 0 : index
    %swap3A_364 = vector.load %arg12[%swap3A_362, %swap3A_363] : memref<328x128xf32, #tpu.memory_space<vmem>>, vector<14x128xf32>
    tpu.vector_store %arg12[%swap3A_362, %swap3A_363], %reduce_sum3A_358 {strides = array<i32>} : memref<328x128xf32, #tpu.memory_space<vmem>>, vector<14x128xf32>,
    %slice3A_365 = vector.extract_strided_slice %get3A_2 {offsets = [13, 0, 0], sizes = [13, 128, 64], strides = [1, 1, 1]} : vector<26x128x64xf32> to vector<13x128x64xf32>
    %slice3A_366 = vector.extract_strided_slice %get3A_2 {offsets = [12, 0, 0], sizes = [1, 128, 64], strides = [1, 1, 1]} : vector<26x128x64xf32> to vector<1x128x64xf32>
    %squeeze3A_367 = vector.shape_cast %slice3A_366 : vector<1x128x64xf32> to vector<128x64xf32>
    %broadcast_in_dim3A_368 = vector.shape_cast %squeeze3A_367 : vector<128x64xf32> to vector<1x128x64xf32>
    %mul3A_369 = vector.broadcast %broadcast_in_dim3A_368 : vector<1x128x64xf32> to vector<13x128x64xf32>
    %mul3A_370 = arith.mulf %slice3A_365, %mul3A_369 : vector<13x128x64xf32>
    %reshape3A_371 = vector.shape_cast %mul3A_370 : vector<13x128x64xf32> to vector<1664x64xf32>
    %dot_general3A_372 = arith.constant dense<0.000000e+00> : vector<1664x64xf32>
    %dot_general3A_373 = tpu.matmul %reshape3A_371, %get3A_5, %dot_general3A_372 {dimension_numbers = #tpu.dot_dimension_numbers<[1], [1], [0], [0], [0, 0, 1, 0], [], []>, transpose_lhs_hint = false} : vector<1664x64xf32>, vector<64x64xf32>, vector<1664x64xf32> -> vector<1664x64xf32>
    %add3A_374 = vector.broadcast %get3A_8 : vector<1x64xf32> to vector<1664x64xf32>
    %add3A_375 = arith.addf %dot_general3A_373, %add3A_374 : vector<1664x64xf32>
    %max3A_376 = arith.constant 0.000000e+00 : f32
    %max3A_377 = vector.broadcast %max3A_376 : f32 to vector<1664x64xf32>
    %max3A_378 = arith.maximumf %add3A_375, %max3A_377 : vector<1664x64xf32>
    %mul3A_379 = vector.broadcast %get3A_11 : vector<1x64xf32> to vector<1664x64xf32>
    %mul3A_380 = arith.mulf %max3A_378, %mul3A_379 : vector<1664x64xf32>
    %reshape3A_381 = vector.shape_cast %mul3A_380 : vector<1664x64xf32> to vector<13x128x64xf32>
    %reduce_sum3A_382 = arith.constant dense<0.000000e+00> : vector<13x128xf32>
    %reduce_sum3A_383 = vector.multi_reduction <add>, %reshape3A_381, %reduce_sum3A_382 [2] : vector<13x128x64xf32> to vector<13x128xf32>
    %mul3A_384 = vector.broadcast %get3A_14 : vector<1x64xf32> to vector<1664x64xf32>
    %mul3A_385 = arith.mulf %reshape3A_371, %mul3A_384 : vector<1664x64xf32>
    %reshape3A_386 = vector.shape_cast %mul3A_385 : vector<1664x64xf32> to vector<13x128x64xf32>
    %reduce_sum3A_387 = arith.constant dense<0.000000e+00> : vector<13x128xf32>
    %reduce_sum3A_388 = vector.multi_reduction <add>, %reshape3A_386, %reduce_sum3A_387 [2] : vector<13x128x64xf32> to vector<13x128xf32>
    %swap3A_389 = arith.constant 234 : index
    %swap3A_390 = arith.constant 0 : index
    %swap3A_391 = vector.load %arg11[%swap3A_389, %swap3A_390] : memref<328x128xf32, #tpu.memory_space<vmem>>, vector<13x128xf32>
    tpu.vector_store %arg11[%swap3A_389, %swap3A_390], %reduce_sum3A_383 {strides = array<i32>} : memref<328x128xf32, #tpu.memory_space<vmem>>, vector<13x128xf32>,
    %swap3A_392 = arith.constant 234 : index
    %swap3A_393 = arith.constant 0 : index
    %swap3A_394 = vector.load %arg12[%swap3A_392, %swap3A_393] : memref<328x128xf32, #tpu.memory_space<vmem>>, vector<13x128xf32>
    tpu.vector_store %arg12[%swap3A_392, %swap3A_393], %reduce_sum3A_388 {strides = array<i32>} : memref<328x128xf32, #tpu.memory_space<vmem>>, vector<13x128xf32>,
    %slice3A_395 = vector.extract_strided_slice %get3A_2 {offsets = [14, 0, 0], sizes = [12, 128, 64], strides = [1, 1, 1]} : vector<26x128x64xf32> to vector<12x128x64xf32>
    %slice3A_396 = vector.extract_strided_slice %get3A_2 {offsets = [13, 0, 0], sizes = [1, 128, 64], strides = [1, 1, 1]} : vector<26x128x64xf32> to vector<1x128x64xf32>
    %squeeze3A_397 = vector.shape_cast %slice3A_396 : vector<1x128x64xf32> to vector<128x64xf32>
    %broadcast_in_dim3A_398 = vector.shape_cast %squeeze3A_397 : vector<128x64xf32> to vector<1x128x64xf32>
    %mul3A_399 = vector.broadcast %broadcast_in_dim3A_398 : vector<1x128x64xf32> to vector<12x128x64xf32>
    %mul3A_400 = arith.mulf %slice3A_395, %mul3A_399 : vector<12x128x64xf32>
    %reshape3A_401 = vector.shape_cast %mul3A_400 : vector<12x128x64xf32> to vector<1536x64xf32>
    %dot_general3A_402 = arith.constant dense<0.000000e+00> : vector<1536x64xf32>
    %dot_general3A_403 = tpu.matmul %reshape3A_401, %get3A_5, %dot_general3A_402 {dimension_numbers = #tpu.dot_dimension_numbers<[1], [1], [0], [0], [0, 0, 1, 0], [], []>, transpose_lhs_hint = false} : vector<1536x64xf32>, vector<64x64xf32>, vector<1536x64xf32> -> vector<1536x64xf32>
    %add3A_404 = vector.broadcast %get3A_8 : vector<1x64xf32> to vector<1536x64xf32>
    %add3A_405 = arith.addf %dot_general3A_403, %add3A_404 : vector<1536x64xf32>
    %max3A_406 = arith.constant 0.000000e+00 : f32
    %max3A_407 = vector.broadcast %max3A_406 : f32 to vector<1536x64xf32>
    %max3A_408 = arith.maximumf %add3A_405, %max3A_407 : vector<1536x64xf32>
    %mul3A_409 = vector.broadcast %get3A_11 : vector<1x64xf32> to vector<1536x64xf32>
    %mul3A_410 = arith.mulf %max3A_408, %mul3A_409 : vector<1536x64xf32>
    %reshape3A_411 = vector.shape_cast %mul3A_410 : vector<1536x64xf32> to vector<12x128x64xf32>
    %reduce_sum3A_412 = arith.constant dense<0.000000e+00> : vector<12x128xf32>
    %reduce_sum3A_413 = vector.multi_reduction <add>, %reshape3A_411, %reduce_sum3A_412 [2] : vector<12x128x64xf32> to vector<12x128xf32>
    %mul3A_414 = vector.broadcast %get3A_14 : vector<1x64xf32> to vector<1536x64xf32>
    %mul3A_415 = arith.mulf %reshape3A_401, %mul3A_414 : vector<1536x64xf32>
    %reshape3A_416 = vector.shape_cast %mul3A_415 : vector<1536x64xf32> to vector<12x128x64xf32>
    %reduce_sum3A_417 = arith.constant dense<0.000000e+00> : vector<12x128xf32>
    %reduce_sum3A_418 = vector.multi_reduction <add>, %reshape3A_416, %reduce_sum3A_417 [2] : vector<12x128x64xf32> to vector<12x128xf32>
    %swap3A_419 = arith.constant 247 : index
    %swap3A_420 = arith.constant 0 : index
    %swap3A_421 = vector.load %arg11[%swap3A_419, %swap3A_420] : memref<328x128xf32, #tpu.memory_space<vmem>>, vector<12x128xf32>
    tpu.vector_store %arg11[%swap3A_419, %swap3A_420], %reduce_sum3A_413 {strides = array<i32>} : memref<328x128xf32, #tpu.memory_space<vmem>>, vector<12x128xf32>,
    %swap3A_422 = arith.constant 247 : index
    %swap3A_423 = arith.constant 0 : index
    %swap3A_424 = vector.load %arg12[%swap3A_422, %swap3A_423] : memref<328x128xf32, #tpu.memory_space<vmem>>, vector<12x128xf32>
    tpu.vector_store %arg12[%swap3A_422, %swap3A_423], %reduce_sum3A_418 {strides = array<i32>} : memref<328x128xf32, #tpu.memory_space<vmem>>, vector<12x128xf32>,
    %slice3A_425 = vector.extract_strided_slice %get3A_2 {offsets = [15, 0, 0], sizes = [11, 128, 64], strides = [1, 1, 1]} : vector<26x128x64xf32> to vector<11x128x64xf32>
    %slice3A_426 = vector.extract_strided_slice %get3A_2 {offsets = [14, 0, 0], sizes = [1, 128, 64], strides = [1, 1, 1]} : vector<26x128x64xf32> to vector<1x128x64xf32>
    %squeeze3A_427 = vector.shape_cast %slice3A_426 : vector<1x128x64xf32> to vector<128x64xf32>
    %broadcast_in_dim3A_428 = vector.shape_cast %squeeze3A_427 : vector<128x64xf32> to vector<1x128x64xf32>
    %mul3A_429 = vector.broadcast %broadcast_in_dim3A_428 : vector<1x128x64xf32> to vector<11x128x64xf32>
    %mul3A_430 = arith.mulf %slice3A_425, %mul3A_429 : vector<11x128x64xf32>
    %reshape3A_431 = vector.shape_cast %mul3A_430 : vector<11x128x64xf32> to vector<1408x64xf32>
    %dot_general3A_432 = arith.constant dense<0.000000e+00> : vector<1408x64xf32>
    %dot_general3A_433 = tpu.matmul %reshape3A_431, %get3A_5, %dot_general3A_432 {dimension_numbers = #tpu.dot_dimension_numbers<[1], [1], [0], [0], [0, 0, 1, 0], [], []>, transpose_lhs_hint = false} : vector<1408x64xf32>, vector<64x64xf32>, vector<1408x64xf32> -> vector<1408x64xf32>
    %add3A_434 = vector.broadcast %get3A_8 : vector<1x64xf32> to vector<1408x64xf32>
    %add3A_435 = arith.addf %dot_general3A_433, %add3A_434 : vector<1408x64xf32>
    %max3A_436 = arith.constant 0.000000e+00 : f32
    %max3A_437 = vector.broadcast %max3A_436 : f32 to vector<1408x64xf32>
    %max3A_438 = arith.maximumf %add3A_435, %max3A_437 : vector<1408x64xf32>
    %mul3A_439 = vector.broadcast %get3A_11 : vector<1x64xf32> to vector<1408x64xf32>
    %mul3A_440 = arith.mulf %max3A_438, %mul3A_439 : vector<1408x64xf32>
    %reshape3A_441 = vector.shape_cast %mul3A_440 : vector<1408x64xf32> to vector<11x128x64xf32>
    %reduce_sum3A_442 = arith.constant dense<0.000000e+00> : vector<11x128xf32>
    %reduce_sum3A_443 = vector.multi_reduction <add>, %reshape3A_441, %reduce_sum3A_442 [2] : vector<11x128x64xf32> to vector<11x128xf32>
    %mul3A_444 = vector.broadcast %get3A_14 : vector<1x64xf32> to vector<1408x64xf32>
    %mul3A_445 = arith.mulf %reshape3A_431, %mul3A_444 : vector<1408x64xf32>
    %reshape3A_446 = vector.shape_cast %mul3A_445 : vector<1408x64xf32> to vector<11x128x64xf32>
    %reduce_sum3A_447 = arith.constant dense<0.000000e+00> : vector<11x128xf32>
    %reduce_sum3A_448 = vector.multi_reduction <add>, %reshape3A_446, %reduce_sum3A_447 [2] : vector<11x128x64xf32> to vector<11x128xf32>
    %swap3A_449 = arith.constant 259 : index
    %swap3A_450 = arith.constant 0 : index
    %swap3A_451 = vector.load %arg11[%swap3A_449, %swap3A_450] : memref<328x128xf32, #tpu.memory_space<vmem>>, vector<11x128xf32>
    tpu.vector_store %arg11[%swap3A_449, %swap3A_450], %reduce_sum3A_443 {strides = array<i32>} : memref<328x128xf32, #tpu.memory_space<vmem>>, vector<11x128xf32>,
    %swap3A_452 = arith.constant 259 : index
    %swap3A_453 = arith.constant 0 : index
    %swap3A_454 = vector.load %arg12[%swap3A_452, %swap3A_453] : memref<328x128xf32, #tpu.memory_space<vmem>>, vector<11x128xf32>
    tpu.vector_store %arg12[%swap3A_452, %swap3A_453], %reduce_sum3A_448 {strides = array<i32>} : memref<328x128xf32, #tpu.memory_space<vmem>>, vector<11x128xf32>,
    %slice3A_455 = vector.extract_strided_slice %get3A_2 {offsets = [16, 0, 0], sizes = [10, 128, 64], strides = [1, 1, 1]} : vector<26x128x64xf32> to vector<10x128x64xf32>
    %slice3A_456 = vector.extract_strided_slice %get3A_2 {offsets = [15, 0, 0], sizes = [1, 128, 64], strides = [1, 1, 1]} : vector<26x128x64xf32> to vector<1x128x64xf32>
    %squeeze3A_457 = vector.shape_cast %slice3A_456 : vector<1x128x64xf32> to vector<128x64xf32>
    %broadcast_in_dim3A_458 = vector.shape_cast %squeeze3A_457 : vector<128x64xf32> to vector<1x128x64xf32>
    %mul3A_459 = vector.broadcast %broadcast_in_dim3A_458 : vector<1x128x64xf32> to vector<10x128x64xf32>
    %mul3A_460 = arith.mulf %slice3A_455, %mul3A_459 : vector<10x128x64xf32>
    %reshape3A_461 = vector.shape_cast %mul3A_460 : vector<10x128x64xf32> to vector<1280x64xf32>
    %dot_general3A_462 = arith.constant dense<0.000000e+00> : vector<1280x64xf32>
    %dot_general3A_463 = tpu.matmul %reshape3A_461, %get3A_5, %dot_general3A_462 {dimension_numbers = #tpu.dot_dimension_numbers<[1], [1], [0], [0], [0, 0, 1, 0], [], []>, transpose_lhs_hint = false} : vector<1280x64xf32>, vector<64x64xf32>, vector<1280x64xf32> -> vector<1280x64xf32>
    %add3A_464 = vector.broadcast %get3A_8 : vector<1x64xf32> to vector<1280x64xf32>
    %add3A_465 = arith.addf %dot_general3A_463, %add3A_464 : vector<1280x64xf32>
    %max3A_466 = arith.constant 0.000000e+00 : f32
    %max3A_467 = vector.broadcast %max3A_466 : f32 to vector<1280x64xf32>
    %max3A_468 = arith.maximumf %add3A_465, %max3A_467 : vector<1280x64xf32>
    %mul3A_469 = vector.broadcast %get3A_11 : vector<1x64xf32> to vector<1280x64xf32>
    %mul3A_470 = arith.mulf %max3A_468, %mul3A_469 : vector<1280x64xf32>
    %reshape3A_471 = vector.shape_cast %mul3A_470 : vector<1280x64xf32> to vector<10x128x64xf32>
    %reduce_sum3A_472 = arith.constant dense<0.000000e+00> : vector<10x128xf32>
    %reduce_sum3A_473 = vector.multi_reduction <add>, %reshape3A_471, %reduce_sum3A_472 [2] : vector<10x128x64xf32> to vector<10x128xf32>
    %mul3A_474 = vector.broadcast %get3A_14 : vector<1x64xf32> to vector<1280x64xf32>
    %mul3A_475 = arith.mulf %reshape3A_461, %mul3A_474 : vector<1280x64xf32>
    %reshape3A_476 = vector.shape_cast %mul3A_475 : vector<1280x64xf32> to vector<10x128x64xf32>
    %reduce_sum3A_477 = arith.constant dense<0.000000e+00> : vector<10x128xf32>
    %reduce_sum3A_478 = vector.multi_reduction <add>, %reshape3A_476, %reduce_sum3A_477 [2] : vector<10x128x64xf32> to vector<10x128xf32>
    %swap3A_479 = arith.constant 270 : index
    %swap3A_480 = arith.constant 0 : index
    %swap3A_481 = vector.load %arg11[%swap3A_479, %swap3A_480] : memref<328x128xf32, #tpu.memory_space<vmem>>, vector<10x128xf32>
    tpu.vector_store %arg11[%swap3A_479, %swap3A_480], %reduce_sum3A_473 {strides = array<i32>} : memref<328x128xf32, #tpu.memory_space<vmem>>, vector<10x128xf32>,
    %swap3A_482 = arith.constant 270 : index
    %swap3A_483 = arith.constant 0 : index
    %swap3A_484 = vector.load %arg12[%swap3A_482, %swap3A_483] : memref<328x128xf32, #tpu.memory_space<vmem>>, vector<10x128xf32>
    tpu.vector_store %arg12[%swap3A_482, %swap3A_483], %reduce_sum3A_478 {strides = array<i32>} : memref<328x128xf32, #tpu.memory_space<vmem>>, vector<10x128xf32>,
    %slice3A_485 = vector.extract_strided_slice %get3A_2 {offsets = [17, 0, 0], sizes = [9, 128, 64], strides = [1, 1, 1]} : vector<26x128x64xf32> to vector<9x128x64xf32>
    %slice3A_486 = vector.extract_strided_slice %get3A_2 {offsets = [16, 0, 0], sizes = [1, 128, 64], strides = [1, 1, 1]} : vector<26x128x64xf32> to vector<1x128x64xf32>
    %squeeze3A_487 = vector.shape_cast %slice3A_486 : vector<1x128x64xf32> to vector<128x64xf32>
    %broadcast_in_dim3A_488 = vector.shape_cast %squeeze3A_487 : vector<128x64xf32> to vector<1x128x64xf32>
    %mul3A_489 = vector.broadcast %broadcast_in_dim3A_488 : vector<1x128x64xf32> to vector<9x128x64xf32>
    %mul3A_490 = arith.mulf %slice3A_485, %mul3A_489 : vector<9x128x64xf32>
    %reshape3A_491 = vector.shape_cast %mul3A_490 : vector<9x128x64xf32> to vector<1152x64xf32>
    %dot_general3A_492 = arith.constant dense<0.000000e+00> : vector<1152x64xf32>
    %dot_general3A_493 = tpu.matmul %reshape3A_491, %get3A_5, %dot_general3A_492 {dimension_numbers = #tpu.dot_dimension_numbers<[1], [1], [0], [0], [0, 0, 1, 0], [], []>, transpose_lhs_hint = false} : vector<1152x64xf32>, vector<64x64xf32>, vector<1152x64xf32> -> vector<1152x64xf32>
    %add3A_494 = vector.broadcast %get3A_8 : vector<1x64xf32> to vector<1152x64xf32>
    %add3A_495 = arith.addf %dot_general3A_493, %add3A_494 : vector<1152x64xf32>
    %max3A_496 = arith.constant 0.000000e+00 : f32
    %max3A_497 = vector.broadcast %max3A_496 : f32 to vector<1152x64xf32>
    %max3A_498 = arith.maximumf %add3A_495, %max3A_497 : vector<1152x64xf32>
    %mul3A_499 = vector.broadcast %get3A_11 : vector<1x64xf32> to vector<1152x64xf32>
    %mul3A_500 = arith.mulf %max3A_498, %mul3A_499 : vector<1152x64xf32>
    %reshape3A_501 = vector.shape_cast %mul3A_500 : vector<1152x64xf32> to vector<9x128x64xf32>
    %reduce_sum3A_502 = arith.constant dense<0.000000e+00> : vector<9x128xf32>
    %reduce_sum3A_503 = vector.multi_reduction <add>, %reshape3A_501, %reduce_sum3A_502 [2] : vector<9x128x64xf32> to vector<9x128xf32>
    %mul3A_504 = vector.broadcast %get3A_14 : vector<1x64xf32> to vector<1152x64xf32>
    %mul3A_505 = arith.mulf %reshape3A_491, %mul3A_504 : vector<1152x64xf32>
    %reshape3A_506 = vector.shape_cast %mul3A_505 : vector<1152x64xf32> to vector<9x128x64xf32>
    %reduce_sum3A_507 = arith.constant dense<0.000000e+00> : vector<9x128xf32>
    %reduce_sum3A_508 = vector.multi_reduction <add>, %reshape3A_506, %reduce_sum3A_507 [2] : vector<9x128x64xf32> to vector<9x128xf32>
    %swap3A_509 = arith.constant 280 : index
    %swap3A_510 = arith.constant 0 : index
    %swap3A_511 = vector.load %arg11[%swap3A_509, %swap3A_510] : memref<328x128xf32, #tpu.memory_space<vmem>>, vector<9x128xf32>
    tpu.vector_store %arg11[%swap3A_509, %swap3A_510], %reduce_sum3A_503 {strides = array<i32>} : memref<328x128xf32, #tpu.memory_space<vmem>>, vector<9x128xf32>,
    %swap3A_512 = arith.constant 280 : index
    %swap3A_513 = arith.constant 0 : index
    %swap3A_514 = vector.load %arg12[%swap3A_512, %swap3A_513] : memref<328x128xf32, #tpu.memory_space<vmem>>, vector<9x128xf32>
    tpu.vector_store %arg12[%swap3A_512, %swap3A_513], %reduce_sum3A_508 {strides = array<i32>} : memref<328x128xf32, #tpu.memory_space<vmem>>, vector<9x128xf32>,
    %slice3A_515 = vector.extract_strided_slice %get3A_2 {offsets = [18, 0, 0], sizes = [8, 128, 64], strides = [1, 1, 1]} : vector<26x128x64xf32> to vector<8x128x64xf32>
    %slice3A_516 = vector.extract_strided_slice %get3A_2 {offsets = [17, 0, 0], sizes = [1, 128, 64], strides = [1, 1, 1]} : vector<26x128x64xf32> to vector<1x128x64xf32>
    %squeeze3A_517 = vector.shape_cast %slice3A_516 : vector<1x128x64xf32> to vector<128x64xf32>
    %broadcast_in_dim3A_518 = vector.shape_cast %squeeze3A_517 : vector<128x64xf32> to vector<1x128x64xf32>
    %mul3A_519 = vector.broadcast %broadcast_in_dim3A_518 : vector<1x128x64xf32> to vector<8x128x64xf32>
    %mul3A_520 = arith.mulf %slice3A_515, %mul3A_519 : vector<8x128x64xf32>
    %reshape3A_521 = vector.shape_cast %mul3A_520 : vector<8x128x64xf32> to vector<1024x64xf32>
    %dot_general3A_522 = arith.constant dense<0.000000e+00> : vector<1024x64xf32>
    %dot_general3A_523 = tpu.matmul %reshape3A_521, %get3A_5, %dot_general3A_522 {dimension_numbers = #tpu.dot_dimension_numbers<[1], [1], [0], [0], [0, 0, 1, 0], [], []>, transpose_lhs_hint = false} : vector<1024x64xf32>, vector<64x64xf32>, vector<1024x64xf32> -> vector<1024x64xf32>
    %add3A_524 = vector.broadcast %get3A_8 : vector<1x64xf32> to vector<1024x64xf32>
    %add3A_525 = arith.addf %dot_general3A_523, %add3A_524 : vector<1024x64xf32>
    %max3A_526 = arith.constant 0.000000e+00 : f32
    %max3A_527 = vector.broadcast %max3A_526 : f32 to vector<1024x64xf32>
    %max3A_528 = arith.maximumf %add3A_525, %max3A_527 : vector<1024x64xf32>
    %mul3A_529 = vector.broadcast %get3A_11 : vector<1x64xf32> to vector<1024x64xf32>
    %mul3A_530 = arith.mulf %max3A_528, %mul3A_529 : vector<1024x64xf32>
    %reshape3A_531 = vector.shape_cast %mul3A_530 : vector<1024x64xf32> to vector<8x128x64xf32>
    %reduce_sum3A_532 = arith.constant dense<0.000000e+00> : vector<8x128xf32>
    %reduce_sum3A_533 = vector.multi_reduction <add>, %reshape3A_531, %reduce_sum3A_532 [2] : vector<8x128x64xf32> to vector<8x128xf32>
    %mul3A_534 = vector.broadcast %get3A_14 : vector<1x64xf32> to vector<1024x64xf32>
    %mul3A_535 = arith.mulf %reshape3A_521, %mul3A_534 : vector<1024x64xf32>
    %reshape3A_536 = vector.shape_cast %mul3A_535 : vector<1024x64xf32> to vector<8x128x64xf32>
    %reduce_sum3A_537 = arith.constant dense<0.000000e+00> : vector<8x128xf32>
    %reduce_sum3A_538 = vector.multi_reduction <add>, %reshape3A_536, %reduce_sum3A_537 [2] : vector<8x128x64xf32> to vector<8x128xf32>
    %swap3A_539 = arith.constant 289 : index
    %swap3A_540 = arith.constant 0 : index
    %swap3A_541 = vector.load %arg11[%swap3A_539, %swap3A_540] : memref<328x128xf32, #tpu.memory_space<vmem>>, vector<8x128xf32>
    tpu.vector_store %arg11[%swap3A_539, %swap3A_540], %reduce_sum3A_533 {strides = array<i32>} : memref<328x128xf32, #tpu.memory_space<vmem>>, vector<8x128xf32>,
    %swap3A_542 = arith.constant 289 : index
    %swap3A_543 = arith.constant 0 : index
    %swap3A_544 = vector.load %arg12[%swap3A_542, %swap3A_543] : memref<328x128xf32, #tpu.memory_space<vmem>>, vector<8x128xf32>
    tpu.vector_store %arg12[%swap3A_542, %swap3A_543], %reduce_sum3A_538 {strides = array<i32>} : memref<328x128xf32, #tpu.memory_space<vmem>>, vector<8x128xf32>,
    %slice3A_545 = vector.extract_strided_slice %get3A_2 {offsets = [19, 0, 0], sizes = [7, 128, 64], strides = [1, 1, 1]} : vector<26x128x64xf32> to vector<7x128x64xf32>
    %slice3A_546 = vector.extract_strided_slice %get3A_2 {offsets = [18, 0, 0], sizes = [1, 128, 64], strides = [1, 1, 1]} : vector<26x128x64xf32> to vector<1x128x64xf32>
    %squeeze3A_547 = vector.shape_cast %slice3A_546 : vector<1x128x64xf32> to vector<128x64xf32>
    %broadcast_in_dim3A_548 = vector.shape_cast %squeeze3A_547 : vector<128x64xf32> to vector<1x128x64xf32>
    %mul3A_549 = vector.broadcast %broadcast_in_dim3A_548 : vector<1x128x64xf32> to vector<7x128x64xf32>
    %mul3A_550 = arith.mulf %slice3A_545, %mul3A_549 : vector<7x128x64xf32>
    %reshape3A_551 = vector.shape_cast %mul3A_550 : vector<7x128x64xf32> to vector<896x64xf32>
    %dot_general3A_552 = arith.constant dense<0.000000e+00> : vector<896x64xf32>
    %dot_general3A_553 = tpu.matmul %reshape3A_551, %get3A_5, %dot_general3A_552 {dimension_numbers = #tpu.dot_dimension_numbers<[1], [1], [0], [0], [0, 0, 1, 0], [], []>, transpose_lhs_hint = false} : vector<896x64xf32>, vector<64x64xf32>, vector<896x64xf32> -> vector<896x64xf32>
    %add3A_554 = vector.broadcast %get3A_8 : vector<1x64xf32> to vector<896x64xf32>
    %add3A_555 = arith.addf %dot_general3A_553, %add3A_554 : vector<896x64xf32>
    %max3A_556 = arith.constant 0.000000e+00 : f32
    %max3A_557 = vector.broadcast %max3A_556 : f32 to vector<896x64xf32>
    %max3A_558 = arith.maximumf %add3A_555, %max3A_557 : vector<896x64xf32>
    %mul3A_559 = vector.broadcast %get3A_11 : vector<1x64xf32> to vector<896x64xf32>
    %mul3A_560 = arith.mulf %max3A_558, %mul3A_559 : vector<896x64xf32>
    %reshape3A_561 = vector.shape_cast %mul3A_560 : vector<896x64xf32> to vector<7x128x64xf32>
    %reduce_sum3A_562 = arith.constant dense<0.000000e+00> : vector<7x128xf32>
    %reduce_sum3A_563 = vector.multi_reduction <add>, %reshape3A_561, %reduce_sum3A_562 [2] : vector<7x128x64xf32> to vector<7x128xf32>
    %mul3A_564 = vector.broadcast %get3A_14 : vector<1x64xf32> to vector<896x64xf32>
    %mul3A_565 = arith.mulf %reshape3A_551, %mul3A_564 : vector<896x64xf32>
    %reshape3A_566 = vector.shape_cast %mul3A_565 : vector<896x64xf32> to vector<7x128x64xf32>
    %reduce_sum3A_567 = arith.constant dense<0.000000e+00> : vector<7x128xf32>
    %reduce_sum3A_568 = vector.multi_reduction <add>, %reshape3A_566, %reduce_sum3A_567 [2] : vector<7x128x64xf32> to vector<7x128xf32>
    %swap3A_569 = arith.constant 297 : index
    %swap3A_570 = arith.constant 0 : index
    %swap3A_571 = vector.load %arg11[%swap3A_569, %swap3A_570] : memref<328x128xf32, #tpu.memory_space<vmem>>, vector<7x128xf32>
    tpu.vector_store %arg11[%swap3A_569, %swap3A_570], %reduce_sum3A_563 {strides = array<i32>} : memref<328x128xf32, #tpu.memory_space<vmem>>, vector<7x128xf32>,
    %swap3A_572 = arith.constant 297 : index
    %swap3A_573 = arith.constant 0 : index
    %swap3A_574 = vector.load %arg12[%swap3A_572, %swap3A_573] : memref<328x128xf32, #tpu.memory_space<vmem>>, vector<7x128xf32>
    tpu.vector_store %arg12[%swap3A_572, %swap3A_573], %reduce_sum3A_568 {strides = array<i32>} : memref<328x128xf32, #tpu.memory_space<vmem>>, vector<7x128xf32>,
    %slice3A_575 = vector.extract_strided_slice %get3A_2 {offsets = [20, 0, 0], sizes = [6, 128, 64], strides = [1, 1, 1]} : vector<26x128x64xf32> to vector<6x128x64xf32>
    %slice3A_576 = vector.extract_strided_slice %get3A_2 {offsets = [19, 0, 0], sizes = [1, 128, 64], strides = [1, 1, 1]} : vector<26x128x64xf32> to vector<1x128x64xf32>
    %squeeze3A_577 = vector.shape_cast %slice3A_576 : vector<1x128x64xf32> to vector<128x64xf32>
    %broadcast_in_dim3A_578 = vector.shape_cast %squeeze3A_577 : vector<128x64xf32> to vector<1x128x64xf32>
    %mul3A_579 = vector.broadcast %broadcast_in_dim3A_578 : vector<1x128x64xf32> to vector<6x128x64xf32>
    %mul3A_580 = arith.mulf %slice3A_575, %mul3A_579 : vector<6x128x64xf32>
    %reshape3A_581 = vector.shape_cast %mul3A_580 : vector<6x128x64xf32> to vector<768x64xf32>
    %dot_general3A_582 = arith.constant dense<0.000000e+00> : vector<768x64xf32>
    %dot_general3A_583 = tpu.matmul %reshape3A_581, %get3A_5, %dot_general3A_582 {dimension_numbers = #tpu.dot_dimension_numbers<[1], [1], [0], [0], [0, 0, 1, 0], [], []>, transpose_lhs_hint = false} : vector<768x64xf32>, vector<64x64xf32>, vector<768x64xf32> -> vector<768x64xf32>
    %add3A_584 = vector.broadcast %get3A_8 : vector<1x64xf32> to vector<768x64xf32>
    %add3A_585 = arith.addf %dot_general3A_583, %add3A_584 : vector<768x64xf32>
    %max3A_586 = arith.constant 0.000000e+00 : f32
    %max3A_587 = vector.broadcast %max3A_586 : f32 to vector<768x64xf32>
    %max3A_588 = arith.maximumf %add3A_585, %max3A_587 : vector<768x64xf32>
    %mul3A_589 = vector.broadcast %get3A_11 : vector<1x64xf32> to vector<768x64xf32>
    %mul3A_590 = arith.mulf %max3A_588, %mul3A_589 : vector<768x64xf32>
    %reshape3A_591 = vector.shape_cast %mul3A_590 : vector<768x64xf32> to vector<6x128x64xf32>
    %reduce_sum3A_592 = arith.constant dense<0.000000e+00> : vector<6x128xf32>
    %reduce_sum3A_593 = vector.multi_reduction <add>, %reshape3A_591, %reduce_sum3A_592 [2] : vector<6x128x64xf32> to vector<6x128xf32>
    %mul3A_594 = vector.broadcast %get3A_14 : vector<1x64xf32> to vector<768x64xf32>
    %mul3A_595 = arith.mulf %reshape3A_581, %mul3A_594 : vector<768x64xf32>
    %reshape3A_596 = vector.shape_cast %mul3A_595 : vector<768x64xf32> to vector<6x128x64xf32>
    %reduce_sum3A_597 = arith.constant dense<0.000000e+00> : vector<6x128xf32>
    %reduce_sum3A_598 = vector.multi_reduction <add>, %reshape3A_596, %reduce_sum3A_597 [2] : vector<6x128x64xf32> to vector<6x128xf32>
    %swap3A_599 = arith.constant 304 : index
    %swap3A_600 = arith.constant 0 : index
    %swap3A_601 = vector.load %arg11[%swap3A_599, %swap3A_600] : memref<328x128xf32, #tpu.memory_space<vmem>>, vector<6x128xf32>
    tpu.vector_store %arg11[%swap3A_599, %swap3A_600], %reduce_sum3A_593 {strides = array<i32>} : memref<328x128xf32, #tpu.memory_space<vmem>>, vector<6x128xf32>,
    %swap3A_602 = arith.constant 304 : index
    %swap3A_603 = arith.constant 0 : index
    %swap3A_604 = vector.load %arg12[%swap3A_602, %swap3A_603] : memref<328x128xf32, #tpu.memory_space<vmem>>, vector<6x128xf32>
    tpu.vector_store %arg12[%swap3A_602, %swap3A_603], %reduce_sum3A_598 {strides = array<i32>} : memref<328x128xf32, #tpu.memory_space<vmem>>, vector<6x128xf32>,
    %slice3A_605 = vector.extract_strided_slice %get3A_2 {offsets = [21, 0, 0], sizes = [5, 128, 64], strides = [1, 1, 1]} : vector<26x128x64xf32> to vector<5x128x64xf32>
    %slice3A_606 = vector.extract_strided_slice %get3A_2 {offsets = [20, 0, 0], sizes = [1, 128, 64], strides = [1, 1, 1]} : vector<26x128x64xf32> to vector<1x128x64xf32>
    %squeeze3A_607 = vector.shape_cast %slice3A_606 : vector<1x128x64xf32> to vector<128x64xf32>
    %broadcast_in_dim3A_608 = vector.shape_cast %squeeze3A_607 : vector<128x64xf32> to vector<1x128x64xf32>
    %mul3A_609 = vector.broadcast %broadcast_in_dim3A_608 : vector<1x128x64xf32> to vector<5x128x64xf32>
    %mul3A_610 = arith.mulf %slice3A_605, %mul3A_609 : vector<5x128x64xf32>
    %reshape3A_611 = vector.shape_cast %mul3A_610 : vector<5x128x64xf32> to vector<640x64xf32>
    %dot_general3A_612 = arith.constant dense<0.000000e+00> : vector<640x64xf32>
    %dot_general3A_613 = tpu.matmul %reshape3A_611, %get3A_5, %dot_general3A_612 {dimension_numbers = #tpu.dot_dimension_numbers<[1], [1], [0], [0], [0, 0, 1, 0], [], []>, transpose_lhs_hint = false} : vector<640x64xf32>, vector<64x64xf32>, vector<640x64xf32> -> vector<640x64xf32>
    %add3A_614 = vector.broadcast %get3A_8 : vector<1x64xf32> to vector<640x64xf32>
    %add3A_615 = arith.addf %dot_general3A_613, %add3A_614 : vector<640x64xf32>
    %max3A_616 = arith.constant 0.000000e+00 : f32
    %max3A_617 = vector.broadcast %max3A_616 : f32 to vector<640x64xf32>
    %max3A_618 = arith.maximumf %add3A_615, %max3A_617 : vector<640x64xf32>
    %mul3A_619 = vector.broadcast %get3A_11 : vector<1x64xf32> to vector<640x64xf32>
    %mul3A_620 = arith.mulf %max3A_618, %mul3A_619 : vector<640x64xf32>
    %reshape3A_621 = vector.shape_cast %mul3A_620 : vector<640x64xf32> to vector<5x128x64xf32>
    %reduce_sum3A_622 = arith.constant dense<0.000000e+00> : vector<5x128xf32>
    %reduce_sum3A_623 = vector.multi_reduction <add>, %reshape3A_621, %reduce_sum3A_622 [2] : vector<5x128x64xf32> to vector<5x128xf32>
    %mul3A_624 = vector.broadcast %get3A_14 : vector<1x64xf32> to vector<640x64xf32>
    %mul3A_625 = arith.mulf %reshape3A_611, %mul3A_624 : vector<640x64xf32>
    %reshape3A_626 = vector.shape_cast %mul3A_625 : vector<640x64xf32> to vector<5x128x64xf32>
    %reduce_sum3A_627 = arith.constant dense<0.000000e+00> : vector<5x128xf32>
    %reduce_sum3A_628 = vector.multi_reduction <add>, %reshape3A_626, %reduce_sum3A_627 [2] : vector<5x128x64xf32> to vector<5x128xf32>
    %swap3A_629 = arith.constant 310 : index
    %swap3A_630 = arith.constant 0 : index
    %swap3A_631 = vector.load %arg11[%swap3A_629, %swap3A_630] : memref<328x128xf32, #tpu.memory_space<vmem>>, vector<5x128xf32>
    tpu.vector_store %arg11[%swap3A_629, %swap3A_630], %reduce_sum3A_623 {strides = array<i32>} : memref<328x128xf32, #tpu.memory_space<vmem>>, vector<5x128xf32>,
    %swap3A_632 = arith.constant 310 : index
    %swap3A_633 = arith.constant 0 : index
    %swap3A_634 = vector.load %arg12[%swap3A_632, %swap3A_633] : memref<328x128xf32, #tpu.memory_space<vmem>>, vector<5x128xf32>
    tpu.vector_store %arg12[%swap3A_632, %swap3A_633], %reduce_sum3A_628 {strides = array<i32>} : memref<328x128xf32, #tpu.memory_space<vmem>>, vector<5x128xf32>,
    %slice3A_635 = vector.extract_strided_slice %get3A_2 {offsets = [22, 0, 0], sizes = [4, 128, 64], strides = [1, 1, 1]} : vector<26x128x64xf32> to vector<4x128x64xf32>
    %slice3A_636 = vector.extract_strided_slice %get3A_2 {offsets = [21, 0, 0], sizes = [1, 128, 64], strides = [1, 1, 1]} : vector<26x128x64xf32> to vector<1x128x64xf32>
    %squeeze3A_637 = vector.shape_cast %slice3A_636 : vector<1x128x64xf32> to vector<128x64xf32>
    %broadcast_in_dim3A_638 = vector.shape_cast %squeeze3A_637 : vector<128x64xf32> to vector<1x128x64xf32>
    %mul3A_639 = vector.broadcast %broadcast_in_dim3A_638 : vector<1x128x64xf32> to vector<4x128x64xf32>
    %mul3A_640 = arith.mulf %slice3A_635, %mul3A_639 : vector<4x128x64xf32>
    %reshape3A_641 = vector.shape_cast %mul3A_640 : vector<4x128x64xf32> to vector<512x64xf32>
    %dot_general3A_642 = arith.constant dense<0.000000e+00> : vector<512x64xf32>
    %dot_general3A_643 = tpu.matmul %reshape3A_641, %get3A_5, %dot_general3A_642 {dimension_numbers = #tpu.dot_dimension_numbers<[1], [1], [0], [0], [0, 0, 1, 0], [], []>, transpose_lhs_hint = false} : vector<512x64xf32>, vector<64x64xf32>, vector<512x64xf32> -> vector<512x64xf32>
    %add3A_644 = vector.broadcast %get3A_8 : vector<1x64xf32> to vector<512x64xf32>
    %add3A_645 = arith.addf %dot_general3A_643, %add3A_644 : vector<512x64xf32>
    %max3A_646 = arith.constant 0.000000e+00 : f32
    %max3A_647 = vector.broadcast %max3A_646 : f32 to vector<512x64xf32>
    %max3A_648 = arith.maximumf %add3A_645, %max3A_647 : vector<512x64xf32>
    %mul3A_649 = vector.broadcast %get3A_11 : vector<1x64xf32> to vector<512x64xf32>
    %mul3A_650 = arith.mulf %max3A_648, %mul3A_649 : vector<512x64xf32>
    %reshape3A_651 = vector.shape_cast %mul3A_650 : vector<512x64xf32> to vector<4x128x64xf32>
    %reduce_sum3A_652 = arith.constant dense<0.000000e+00> : vector<4x128xf32>
    %reduce_sum3A_653 = vector.multi_reduction <add>, %reshape3A_651, %reduce_sum3A_652 [2] : vector<4x128x64xf32> to vector<4x128xf32>
    %mul3A_654 = vector.broadcast %get3A_14 : vector<1x64xf32> to vector<512x64xf32>
    %mul3A_655 = arith.mulf %reshape3A_641, %mul3A_654 : vector<512x64xf32>
    %reshape3A_656 = vector.shape_cast %mul3A_655 : vector<512x64xf32> to vector<4x128x64xf32>
    %reduce_sum3A_657 = arith.constant dense<0.000000e+00> : vector<4x128xf32>
    %reduce_sum3A_658 = vector.multi_reduction <add>, %reshape3A_656, %reduce_sum3A_657 [2] : vector<4x128x64xf32> to vector<4x128xf32>
    %swap3A_659 = arith.constant 315 : index
    %swap3A_660 = arith.constant 0 : index
    %swap3A_661 = vector.load %arg11[%swap3A_659, %swap3A_660] : memref<328x128xf32, #tpu.memory_space<vmem>>, vector<4x128xf32>
    tpu.vector_store %arg11[%swap3A_659, %swap3A_660], %reduce_sum3A_653 {strides = array<i32>} : memref<328x128xf32, #tpu.memory_space<vmem>>, vector<4x128xf32>,
    %swap3A_662 = arith.constant 315 : index
    %swap3A_663 = arith.constant 0 : index
    %swap3A_664 = vector.load %arg12[%swap3A_662, %swap3A_663] : memref<328x128xf32, #tpu.memory_space<vmem>>, vector<4x128xf32>
    tpu.vector_store %arg12[%swap3A_662, %swap3A_663], %reduce_sum3A_658 {strides = array<i32>} : memref<328x128xf32, #tpu.memory_space<vmem>>, vector<4x128xf32>,
    %slice3A_665 = vector.extract_strided_slice %get3A_2 {offsets = [23, 0, 0], sizes = [3, 128, 64], strides = [1, 1, 1]} : vector<26x128x64xf32> to vector<3x128x64xf32>
    %slice3A_666 = vector.extract_strided_slice %get3A_2 {offsets = [22, 0, 0], sizes = [1, 128, 64], strides = [1, 1, 1]} : vector<26x128x64xf32> to vector<1x128x64xf32>
    %squeeze3A_667 = vector.shape_cast %slice3A_666 : vector<1x128x64xf32> to vector<128x64xf32>
    %broadcast_in_dim3A_668 = vector.shape_cast %squeeze3A_667 : vector<128x64xf32> to vector<1x128x64xf32>
    %mul3A_669 = vector.broadcast %broadcast_in_dim3A_668 : vector<1x128x64xf32> to vector<3x128x64xf32>
    %mul3A_670 = arith.mulf %slice3A_665, %mul3A_669 : vector<3x128x64xf32>
    %reshape3A_671 = vector.shape_cast %mul3A_670 : vector<3x128x64xf32> to vector<384x64xf32>
    %dot_general3A_672 = arith.constant dense<0.000000e+00> : vector<384x64xf32>
    %dot_general3A_673 = tpu.matmul %reshape3A_671, %get3A_5, %dot_general3A_672 {dimension_numbers = #tpu.dot_dimension_numbers<[1], [1], [0], [0], [0, 0, 1, 0], [], []>, transpose_lhs_hint = false} : vector<384x64xf32>, vector<64x64xf32>, vector<384x64xf32> -> vector<384x64xf32>
    %add3A_674 = vector.broadcast %get3A_8 : vector<1x64xf32> to vector<384x64xf32>
    %add3A_675 = arith.addf %dot_general3A_673, %add3A_674 : vector<384x64xf32>
    %max3A_676 = arith.constant 0.000000e+00 : f32
    %max3A_677 = vector.broadcast %max3A_676 : f32 to vector<384x64xf32>
    %max3A_678 = arith.maximumf %add3A_675, %max3A_677 : vector<384x64xf32>
    %mul3A_679 = vector.broadcast %get3A_11 : vector<1x64xf32> to vector<384x64xf32>
    %mul3A_680 = arith.mulf %max3A_678, %mul3A_679 : vector<384x64xf32>
    %reshape3A_681 = vector.shape_cast %mul3A_680 : vector<384x64xf32> to vector<3x128x64xf32>
    %reduce_sum3A_682 = arith.constant dense<0.000000e+00> : vector<3x128xf32>
    %reduce_sum3A_683 = vector.multi_reduction <add>, %reshape3A_681, %reduce_sum3A_682 [2] : vector<3x128x64xf32> to vector<3x128xf32>
    %mul3A_684 = vector.broadcast %get3A_14 : vector<1x64xf32> to vector<384x64xf32>
    %mul3A_685 = arith.mulf %reshape3A_671, %mul3A_684 : vector<384x64xf32>
    %reshape3A_686 = vector.shape_cast %mul3A_685 : vector<384x64xf32> to vector<3x128x64xf32>
    %reduce_sum3A_687 = arith.constant dense<0.000000e+00> : vector<3x128xf32>
    %reduce_sum3A_688 = vector.multi_reduction <add>, %reshape3A_686, %reduce_sum3A_687 [2] : vector<3x128x64xf32> to vector<3x128xf32>
    %swap3A_689 = arith.constant 319 : index
    %swap3A_690 = arith.constant 0 : index
    %swap3A_691 = vector.load %arg11[%swap3A_689, %swap3A_690] : memref<328x128xf32, #tpu.memory_space<vmem>>, vector<3x128xf32>
    tpu.vector_store %arg11[%swap3A_689, %swap3A_690], %reduce_sum3A_683 {strides = array<i32>} : memref<328x128xf32, #tpu.memory_space<vmem>>, vector<3x128xf32>,
    %swap3A_692 = arith.constant 319 : index
    %swap3A_693 = arith.constant 0 : index
    %swap3A_694 = vector.load %arg12[%swap3A_692, %swap3A_693] : memref<328x128xf32, #tpu.memory_space<vmem>>, vector<3x128xf32>
    tpu.vector_store %arg12[%swap3A_692, %swap3A_693], %reduce_sum3A_688 {strides = array<i32>} : memref<328x128xf32, #tpu.memory_space<vmem>>, vector<3x128xf32>,
    %slice3A_695 = vector.extract_strided_slice %get3A_2 {offsets = [24, 0, 0], sizes = [2, 128, 64], strides = [1, 1, 1]} : vector<26x128x64xf32> to vector<2x128x64xf32>
    %slice3A_696 = vector.extract_strided_slice %get3A_2 {offsets = [23, 0, 0], sizes = [1, 128, 64], strides = [1, 1, 1]} : vector<26x128x64xf32> to vector<1x128x64xf32>
    %squeeze3A_697 = vector.shape_cast %slice3A_696 : vector<1x128x64xf32> to vector<128x64xf32>
    %broadcast_in_dim3A_698 = vector.shape_cast %squeeze3A_697 : vector<128x64xf32> to vector<1x128x64xf32>
    %mul3A_699 = vector.broadcast %broadcast_in_dim3A_698 : vector<1x128x64xf32> to vector<2x128x64xf32>
    %mul3A_700 = arith.mulf %slice3A_695, %mul3A_699 : vector<2x128x64xf32>
    %reshape3A_701 = vector.shape_cast %mul3A_700 : vector<2x128x64xf32> to vector<256x64xf32>
    %dot_general3A_702 = arith.constant dense<0.000000e+00> : vector<256x64xf32>
    %dot_general3A_703 = tpu.matmul %reshape3A_701, %get3A_5, %dot_general3A_702 {dimension_numbers = #tpu.dot_dimension_numbers<[1], [1], [0], [0], [0, 0, 1, 0], [], []>, transpose_lhs_hint = false} : vector<256x64xf32>, vector<64x64xf32>, vector<256x64xf32> -> vector<256x64xf32>
    %add3A_704 = vector.broadcast %get3A_8 : vector<1x64xf32> to vector<256x64xf32>
    %add3A_705 = arith.addf %dot_general3A_703, %add3A_704 : vector<256x64xf32>
    %max3A_706 = arith.constant 0.000000e+00 : f32
    %max3A_707 = vector.broadcast %max3A_706 : f32 to vector<256x64xf32>
    %max3A_708 = arith.maximumf %add3A_705, %max3A_707 : vector<256x64xf32>
    %mul3A_709 = vector.broadcast %get3A_11 : vector<1x64xf32> to vector<256x64xf32>
    %mul3A_710 = arith.mulf %max3A_708, %mul3A_709 : vector<256x64xf32>
    %reshape3A_711 = vector.shape_cast %mul3A_710 : vector<256x64xf32> to vector<2x128x64xf32>
    %reduce_sum3A_712 = arith.constant dense<0.000000e+00> : vector<2x128xf32>
    %reduce_sum3A_713 = vector.multi_reduction <add>, %reshape3A_711, %reduce_sum3A_712 [2] : vector<2x128x64xf32> to vector<2x128xf32>
    %mul3A_714 = vector.broadcast %get3A_14 : vector<1x64xf32> to vector<256x64xf32>
    %mul3A_715 = arith.mulf %reshape3A_701, %mul3A_714 : vector<256x64xf32>
    %reshape3A_716 = vector.shape_cast %mul3A_715 : vector<256x64xf32> to vector<2x128x64xf32>
    %reduce_sum3A_717 = arith.constant dense<0.000000e+00> : vector<2x128xf32>
    %reduce_sum3A_718 = vector.multi_reduction <add>, %reshape3A_716, %reduce_sum3A_717 [2] : vector<2x128x64xf32> to vector<2x128xf32>
    %swap3A_719 = arith.constant 322 : index
    %swap3A_720 = arith.constant 0 : index
    %swap3A_721 = vector.load %arg11[%swap3A_719, %swap3A_720] : memref<328x128xf32, #tpu.memory_space<vmem>>, vector<2x128xf32>
    tpu.vector_store %arg11[%swap3A_719, %swap3A_720], %reduce_sum3A_713 {strides = array<i32>} : memref<328x128xf32, #tpu.memory_space<vmem>>, vector<2x128xf32>,
    %swap3A_722 = arith.constant 322 : index
    %swap3A_723 = arith.constant 0 : index
    %swap3A_724 = vector.load %arg12[%swap3A_722, %swap3A_723] : memref<328x128xf32, #tpu.memory_space<vmem>>, vector<2x128xf32>
    tpu.vector_store %arg12[%swap3A_722, %swap3A_723], %reduce_sum3A_718 {strides = array<i32>} : memref<328x128xf32, #tpu.memory_space<vmem>>, vector<2x128xf32>,
    %slice3A_725 = vector.extract_strided_slice %get3A_2 {offsets = [25, 0, 0], sizes = [1, 128, 64], strides = [1, 1, 1]} : vector<26x128x64xf32> to vector<1x128x64xf32>
    %slice3A_726 = vector.extract_strided_slice %get3A_2 {offsets = [24, 0, 0], sizes = [1, 128, 64], strides = [1, 1, 1]} : vector<26x128x64xf32> to vector<1x128x64xf32>
    %squeeze3A_727 = vector.shape_cast %slice3A_726 : vector<1x128x64xf32> to vector<128x64xf32>
    %broadcast_in_dim3A_728 = vector.shape_cast %squeeze3A_727 : vector<128x64xf32> to vector<1x128x64xf32>
    %mul3A_729 = arith.mulf %slice3A_725, %broadcast_in_dim3A_728 : vector<1x128x64xf32>
    %reshape3A_730 = vector.shape_cast %mul3A_729 : vector<1x128x64xf32> to vector<128x64xf32>
    %dot_general3A_731 = arith.constant dense<0.000000e+00> : vector<128x64xf32>
    %dot_general3A_732 = tpu.matmul %reshape3A_730, %get3A_5, %dot_general3A_731 {dimension_numbers = #tpu.dot_dimension_numbers<[1], [1], [0], [0], [0, 0, 1, 0], [], []>, transpose_lhs_hint = false} : vector<128x64xf32>, vector<64x64xf32>, vector<128x64xf32> -> vector<128x64xf32>
    %add3A_733 = vector.broadcast %get3A_8 : vector<1x64xf32> to vector<128x64xf32>
    %add3A_734 = arith.addf %dot_general3A_732, %add3A_733 : vector<128x64xf32>
    %max3A_735 = arith.constant 0.000000e+00 : f32
    %max3A_736 = vector.broadcast %max3A_735 : f32 to vector<128x64xf32>
    %max3A_737 = arith.maximumf %add3A_734, %max3A_736 : vector<128x64xf32>
    %mul3A_738 = vector.broadcast %get3A_11 : vector<1x64xf32> to vector<128x64xf32>
    %mul3A_739 = arith.mulf %max3A_737, %mul3A_738 : vector<128x64xf32>
    %reshape3A_740 = vector.shape_cast %mul3A_739 : vector<128x64xf32> to vector<1x128x64xf32>
    %reduce_sum3A_741 = arith.constant dense<0.000000e+00> : vector<1x128xf32>
    %reduce_sum3A_742 = vector.multi_reduction <add>, %reshape3A_740, %reduce_sum3A_741 [2] : vector<1x128x64xf32> to vector<1x128xf32>
    %mul3A_743 = vector.broadcast %get3A_14 : vector<1x64xf32> to vector<128x64xf32>
    %mul3A_744 = arith.mulf %reshape3A_730, %mul3A_743 : vector<128x64xf32>
    %reshape3A_745 = vector.shape_cast %mul3A_744 : vector<128x64xf32> to vector<1x128x64xf32>
    %reduce_sum3A_746 = arith.constant dense<0.000000e+00> : vector<1x128xf32>
    %reduce_sum3A_747 = vector.multi_reduction <add>, %reshape3A_745, %reduce_sum3A_746 [2] : vector<1x128x64xf32> to vector<1x128xf32>
    %swap3A_748 = arith.constant 324 : index
    %swap3A_749 = arith.constant 0 : index
    %swap3A_750 = vector.load %arg11[%swap3A_748, %swap3A_749] : memref<328x128xf32, #tpu.memory_space<vmem>>, vector<1x128xf32>
    tpu.vector_store %arg11[%swap3A_748, %swap3A_749], %reduce_sum3A_742 {strides = array<i32>} : memref<328x128xf32, #tpu.memory_space<vmem>>, vector<1x128xf32>,
    %swap3A_751 = arith.constant 324 : index
    %swap3A_752 = arith.constant 0 : index
    %swap3A_753 = vector.load %arg12[%swap3A_751, %swap3A_752] : memref<328x128xf32, #tpu.memory_space<vmem>>, vector<1x128xf32>
    tpu.vector_store %arg12[%swap3A_751, %swap3A_752], %reduce_sum3A_747 {strides = array<i32>} : memref<328x128xf32, #tpu.memory_space<vmem>>, vector<1x128xf32>,
    %broadcast_in_dim3A_754 = arith.constant -1.000000e+30 : f32
    %broadcast_in_dim3A_755 = vector.broadcast %broadcast_in_dim3A_754 : f32 to vector<3x128xf32>
    %swap3A_756 = arith.constant 325 : index
    %swap3A_757 = arith.constant 0 : index
    %swap3A_758 = vector.load %arg11[%swap3A_756, %swap3A_757] : memref<328x128xf32, #tpu.memory_space<vmem>>, vector<3x128xf32>
    tpu.vector_store %arg11[%swap3A_756, %swap3A_757], %broadcast_in_dim3A_755 {strides = array<i32>} : memref<328x128xf32, #tpu.memory_space<vmem>>, vector<3x128xf32>,
    %broadcast_in_dim3A_759 = arith.constant 0.000000e+00 : f32
    %broadcast_in_dim3A_760 = vector.broadcast %broadcast_in_dim3A_759 : f32 to vector<3x128xf32>
    %swap3A_761 = arith.constant 325 : index
    %swap3A_762 = arith.constant 0 : index
    %swap3A_763 = vector.load %arg12[%swap3A_761, %swap3A_762] : memref<328x128xf32, #tpu.memory_space<vmem>>, vector<3x128xf32>
    tpu.vector_store %arg12[%swap3A_761, %swap3A_762], %broadcast_in_dim3A_760 {strides = array<i32>} : memref<328x128xf32, #tpu.memory_space<vmem>>, vector<3x128xf32>,
    %get3A_764 = arith.constant 0 : index
    %get3A_765 = arith.constant 0 : index
    %get3A_766 = vector.load %arg11[%get3A_764, %get3A_765] : memref<328x128xf32, #tpu.memory_space<vmem>>, vector<328x128xf32>
    %reduce_max3A = arith.constant dense<0xFF800000> : vector<128xf32>
    %reduce_max3A_767 = vector.multi_reduction <maximumf>, %get3A_766, %reduce_max3A [0] : vector<328x128xf32> to vector<128xf32>
    %broadcast_in_dim3A_768 = vector.shape_cast %reduce_max3A_767 : vector<128xf32> to vector<1x128xf32>
    %sub3A = vector.broadcast %broadcast_in_dim3A_768 : vector<1x128xf32> to vector<328x128xf32>
    %sub3A_769 = arith.subf %get3A_766, %sub3A : vector<328x128xf32>
    %exp3A = math.exp %sub3A_769 : vector<328x128xf32>
    %reduce_sum3A_770 = arith.constant dense<0.000000e+00> : vector<128xf32>
    %reduce_sum3A_771 = vector.multi_reduction <add>, %exp3A, %reduce_sum3A_770 [0] : vector<328x128xf32> to vector<128xf32>
    %get3A_772 = arith.constant 0 : index
    %get3A_773 = arith.constant 0 : index
    %get3A_774 = vector.load %arg12[%get3A_772, %get3A_773] : memref<328x128xf32, #tpu.memory_space<vmem>>, vector<328x128xf32>
    %mul3A_775 = arith.mulf %exp3A, %get3A_774 : vector<328x128xf32>
    %reduce_sum3A_776 = arith.constant dense<0.000000e+00> : vector<128xf32>
    %reduce_sum3A_777 = vector.multi_reduction <add>, %mul3A_775, %reduce_sum3A_776 [0] : vector<328x128xf32> to vector<128xf32>
    %div3A = arith.divf %reduce_sum3A_777, %reduce_sum3A_771 : vector<128xf32>
    %get3A_778 = arith.constant 0 : index
    %get3A_779 = arith.constant 0 : index
    %get3A_780 = vector.load %arg2[%get3A_778, %get3A_779] : memref<128x13xf32, #tpu.memory_space<vmem>>, vector<128x13xf32>
    %get3A_781 = arith.constant 0 : index
    %get3A_782 = arith.constant 0 : index
    %get3A_783 = vector.load %arg7[%get3A_781, %get3A_782] : memref<13x64xf32, #tpu.memory_space<vmem>>, vector<13x64xf32>
    %slice3A_784 = vector.extract_strided_slice %get3A_780 {offsets = [0, 0], sizes = [128, 1], strides = [1, 1]} : vector<128x13xf32> to vector<128x1xf32>
    %slice3A_785 = vector.extract_strided_slice %get3A_783 {offsets = [0, 0], sizes = [1, 64], strides = [1, 1]} : vector<13x64xf32> to vector<1x64xf32>
    %mul3A_786 = vector.broadcast %slice3A_784 : vector<128x1xf32> to vector<128x64xf32>
    %mul3A_787 = vector.broadcast %slice3A_785 : vector<1x64xf32> to vector<128x64xf32>
    %mul3A_788 = arith.mulf %mul3A_786, %mul3A_787 : vector<128x64xf32>
    %slice3A_789 = vector.extract_strided_slice %get3A_780 {offsets = [0, 1], sizes = [128, 1], strides = [1, 1]} : vector<128x13xf32> to vector<128x1xf32>
    %slice3A_790 = vector.extract_strided_slice %get3A_783 {offsets = [1, 0], sizes = [1, 64], strides = [1, 1]} : vector<13x64xf32> to vector<1x64xf32>
    %mul3A_791 = vector.broadcast %slice3A_789 : vector<128x1xf32> to vector<128x64xf32>
    %mul3A_792 = vector.broadcast %slice3A_790 : vector<1x64xf32> to vector<128x64xf32>
    %mul3A_793 = arith.mulf %mul3A_791, %mul3A_792 : vector<128x64xf32>
    %add3A_794 = arith.addf %mul3A_788, %mul3A_793 : vector<128x64xf32>
    %slice3A_795 = vector.extract_strided_slice %get3A_780 {offsets = [0, 2], sizes = [128, 1], strides = [1, 1]} : vector<128x13xf32> to vector<128x1xf32>
    %slice3A_796 = vector.extract_strided_slice %get3A_783 {offsets = [2, 0], sizes = [1, 64], strides = [1, 1]} : vector<13x64xf32> to vector<1x64xf32>
    %mul3A_797 = vector.broadcast %slice3A_795 : vector<128x1xf32> to vector<128x64xf32>
    %mul3A_798 = vector.broadcast %slice3A_796 : vector<1x64xf32> to vector<128x64xf32>
    %mul3A_799 = arith.mulf %mul3A_797, %mul3A_798 : vector<128x64xf32>
    %add3A_800 = arith.addf %add3A_794, %mul3A_799 : vector<128x64xf32>
    %slice3A_801 = vector.extract_strided_slice %get3A_780 {offsets = [0, 3], sizes = [128, 1], strides = [1, 1]} : vector<128x13xf32> to vector<128x1xf32>
    %slice3A_802 = vector.extract_strided_slice %get3A_783 {offsets = [3, 0], sizes = [1, 64], strides = [1, 1]} : vector<13x64xf32> to vector<1x64xf32>
    %mul3A_803 = vector.broadcast %slice3A_801 : vector<128x1xf32> to vector<128x64xf32>
    %mul3A_804 = vector.broadcast %slice3A_802 : vector<1x64xf32> to vector<128x64xf32>
    %mul3A_805 = arith.mulf %mul3A_803, %mul3A_804 : vector<128x64xf32>
    %add3A_806 = arith.addf %add3A_800, %mul3A_805 : vector<128x64xf32>
    %slice3A_807 = vector.extract_strided_slice %get3A_780 {offsets = [0, 4], sizes = [128, 1], strides = [1, 1]} : vector<128x13xf32> to vector<128x1xf32>
    %slice3A_808 = vector.extract_strided_slice %get3A_783 {offsets = [4, 0], sizes = [1, 64], strides = [1, 1]} : vector<13x64xf32> to vector<1x64xf32>
    %mul3A_809 = vector.broadcast %slice3A_807 : vector<128x1xf32> to vector<128x64xf32>
    %mul3A_810 = vector.broadcast %slice3A_808 : vector<1x64xf32> to vector<128x64xf32>
    %mul3A_811 = arith.mulf %mul3A_809, %mul3A_810 : vector<128x64xf32>
    %add3A_812 = arith.addf %add3A_806, %mul3A_811 : vector<128x64xf32>
    %slice3A_813 = vector.extract_strided_slice %get3A_780 {offsets = [0, 5], sizes = [128, 1], strides = [1, 1]} : vector<128x13xf32> to vector<128x1xf32>
    %slice3A_814 = vector.extract_strided_slice %get3A_783 {offsets = [5, 0], sizes = [1, 64], strides = [1, 1]} : vector<13x64xf32> to vector<1x64xf32>
    %mul3A_815 = vector.broadcast %slice3A_813 : vector<128x1xf32> to vector<128x64xf32>
    %mul3A_816 = vector.broadcast %slice3A_814 : vector<1x64xf32> to vector<128x64xf32>
    %mul3A_817 = arith.mulf %mul3A_815, %mul3A_816 : vector<128x64xf32>
    %add3A_818 = arith.addf %add3A_812, %mul3A_817 : vector<128x64xf32>
    %slice3A_819 = vector.extract_strided_slice %get3A_780 {offsets = [0, 6], sizes = [128, 1], strides = [1, 1]} : vector<128x13xf32> to vector<128x1xf32>
    %slice3A_820 = vector.extract_strided_slice %get3A_783 {offsets = [6, 0], sizes = [1, 64], strides = [1, 1]} : vector<13x64xf32> to vector<1x64xf32>
    %mul3A_821 = vector.broadcast %slice3A_819 : vector<128x1xf32> to vector<128x64xf32>
    %mul3A_822 = vector.broadcast %slice3A_820 : vector<1x64xf32> to vector<128x64xf32>
    %mul3A_823 = arith.mulf %mul3A_821, %mul3A_822 : vector<128x64xf32>
    %add3A_824 = arith.addf %add3A_818, %mul3A_823 : vector<128x64xf32>
    %slice3A_825 = vector.extract_strided_slice %get3A_780 {offsets = [0, 7], sizes = [128, 1], strides = [1, 1]} : vector<128x13xf32> to vector<128x1xf32>
    %slice3A_826 = vector.extract_strided_slice %get3A_783 {offsets = [7, 0], sizes = [1, 64], strides = [1, 1]} : vector<13x64xf32> to vector<1x64xf32>
    %mul3A_827 = vector.broadcast %slice3A_825 : vector<128x1xf32> to vector<128x64xf32>
    %mul3A_828 = vector.broadcast %slice3A_826 : vector<1x64xf32> to vector<128x64xf32>
    %mul3A_829 = arith.mulf %mul3A_827, %mul3A_828 : vector<128x64xf32>
    %add3A_830 = arith.addf %add3A_824, %mul3A_829 : vector<128x64xf32>
    %slice3A_831 = vector.extract_strided_slice %get3A_780 {offsets = [0, 8], sizes = [128, 1], strides = [1, 1]} : vector<128x13xf32> to vector<128x1xf32>
    %slice3A_832 = vector.extract_strided_slice %get3A_783 {offsets = [8, 0], sizes = [1, 64], strides = [1, 1]} : vector<13x64xf32> to vector<1x64xf32>
    %mul3A_833 = vector.broadcast %slice3A_831 : vector<128x1xf32> to vector<128x64xf32>
    %mul3A_834 = vector.broadcast %slice3A_832 : vector<1x64xf32> to vector<128x64xf32>
    %mul3A_835 = arith.mulf %mul3A_833, %mul3A_834 : vector<128x64xf32>
    %add3A_836 = arith.addf %add3A_830, %mul3A_835 : vector<128x64xf32>
    %slice3A_837 = vector.extract_strided_slice %get3A_780 {offsets = [0, 9], sizes = [128, 1], strides = [1, 1]} : vector<128x13xf32> to vector<128x1xf32>
    %slice3A_838 = vector.extract_strided_slice %get3A_783 {offsets = [9, 0], sizes = [1, 64], strides = [1, 1]} : vector<13x64xf32> to vector<1x64xf32>
    %mul3A_839 = vector.broadcast %slice3A_837 : vector<128x1xf32> to vector<128x64xf32>
    %mul3A_840 = vector.broadcast %slice3A_838 : vector<1x64xf32> to vector<128x64xf32>
    %mul3A_841 = arith.mulf %mul3A_839, %mul3A_840 : vector<128x64xf32>
    %add3A_842 = arith.addf %add3A_836, %mul3A_841 : vector<128x64xf32>
    %slice3A_843 = vector.extract_strided_slice %get3A_780 {offsets = [0, 10], sizes = [128, 1], strides = [1, 1]} : vector<128x13xf32> to vector<128x1xf32>
    %slice3A_844 = vector.extract_strided_slice %get3A_783 {offsets = [10, 0], sizes = [1, 64], strides = [1, 1]} : vector<13x64xf32> to vector<1x64xf32>
    %mul3A_845 = vector.broadcast %slice3A_843 : vector<128x1xf32> to vector<128x64xf32>
    %mul3A_846 = vector.broadcast %slice3A_844 : vector<1x64xf32> to vector<128x64xf32>
    %mul3A_847 = arith.mulf %mul3A_845, %mul3A_846 : vector<128x64xf32>
    %add3A_848 = arith.addf %add3A_842, %mul3A_847 : vector<128x64xf32>
    %slice3A_849 = vector.extract_strided_slice %get3A_780 {offsets = [0, 11], sizes = [128, 1], strides = [1, 1]} : vector<128x13xf32> to vector<128x1xf32>
    %slice3A_850 = vector.extract_strided_slice %get3A_783 {offsets = [11, 0], sizes = [1, 64], strides = [1, 1]} : vector<13x64xf32> to vector<1x64xf32>
    %mul3A_851 = vector.broadcast %slice3A_849 : vector<128x1xf32> to vector<128x64xf32>
    %mul3A_852 = vector.broadcast %slice3A_850 : vector<1x64xf32> to vector<128x64xf32>
    %mul3A_853 = arith.mulf %mul3A_851, %mul3A_852 : vector<128x64xf32>
    %add3A_854 = arith.addf %add3A_848, %mul3A_853 : vector<128x64xf32>
    %slice3A_855 = vector.extract_strided_slice %get3A_780 {offsets = [0, 12], sizes = [128, 1], strides = [1, 1]} : vector<128x13xf32> to vector<128x1xf32>
    %slice3A_856 = vector.extract_strided_slice %get3A_783 {offsets = [12, 0], sizes = [1, 64], strides = [1, 1]} : vector<13x64xf32> to vector<1x64xf32>
    %mul3A_857 = vector.broadcast %slice3A_855 : vector<128x1xf32> to vector<128x64xf32>
    %mul3A_858 = vector.broadcast %slice3A_856 : vector<1x64xf32> to vector<128x64xf32>
    %mul3A_859 = arith.mulf %mul3A_857, %mul3A_858 : vector<128x64xf32>
    %add3A_860 = arith.addf %add3A_854, %mul3A_859 : vector<128x64xf32>
    %convert_element_type3A = arith.truncf %add3A_860 : vector<128x64xf32> to vector<128x64xbf16>
    %convert_element_type3A_861 = arith.extf %convert_element_type3A : vector<128x64xbf16> to vector<128x64xf32>
    %get3A_862 = arith.constant 0 : index
    %get3A_863 = arith.constant 0 : index
    %get3A_864 = vector.load %arg8[%get3A_862, %get3A_863] : memref<1x64xf32, #tpu.memory_space<vmem>>, vector<1x64xf32>
    %convert_element_type3A_865 = arith.truncf %get3A_864 : vector<1x64xf32> to vector<1x64xbf16>
    %convert_element_type3A_866 = arith.extf %convert_element_type3A_865 : vector<1x64xbf16> to vector<1x64xf32>
    %mul3A_867 = vector.broadcast %convert_element_type3A_866 : vector<1x64xf32> to vector<128x64xf32>
    %mul3A_868 = arith.mulf %convert_element_type3A_861, %mul3A_867 : vector<128x64xf32>
    %reduce_sum3A_869 = arith.constant dense<0.000000e+00> : vector<128xf32>
    %reduce_sum3A_870 = vector.multi_reduction <add>, %mul3A_868, %reduce_sum3A_869 [1] : vector<128x64xf32> to vector<128xf32>
    %add3A_871 = arith.addf %reduce_sum3A_870, %div3A : vector<128xf32>
    %get3A_872 = arith.constant 0 : index
    %get3A_873 = arith.constant 0 : index
    %get3A_874 = memref.load %arg9[%get3A_872, %get3A_873] : memref<1x1xf32, #tpu.memory_space<smem>>
    %add3A_875 = vector.broadcast %get3A_874 : f32 to vector<128xf32>
    %add3A_876 = arith.addf %add3A_871, %add3A_875 : vector<128xf32>
    %neg3A = arith.constant 0.000000e+00 : f32
    %neg3A_877 = vector.broadcast %neg3A : f32 to vector<128xf32>
    %neg3A_878 = arith.subf %neg3A_877, %add3A_876 : vector<128xf32>
    %exp3A_879 = math.exp %neg3A_878 : vector<128xf32>
    %add3A_880 = arith.constant 1.000000e+00 : f32
    %add3A_881 = vector.broadcast %add3A_880 : f32 to vector<128xf32>
    %add3A_882 = arith.addf %add3A_881, %exp3A_879 : vector<128xf32>
    %div3A_883 = arith.constant 1.000000e+00 : f32
    %div3A_884 = vector.broadcast %div3A_883 : f32 to vector<128xf32>
    %div3A_885 = arith.divf %div3A_884, %add3A_882 : vector<128xf32>
    %swap3A_886 = arith.constant 0 : index
    %swap3A_887 = arith.constant 0 : index
    %swap3A_888 = arith.constant 0 : index
    %swap3A_889 = vector.load %arg10[%swap3A_886, %swap3A_887, %swap3A_888] : memref<1x1x128xf32, #tpu.memory_space<vmem>>, vector<1x1x128xf32>
    %swap3A_890 = vector.shape_cast %swap3A_889 : vector<1x1x128xf32> to vector<128xf32>
    %swap3A_891 = vector.shape_cast %div3A_885 : vector<128xf32> to vector<1x1x128xf32>
    tpu.vector_store %arg10[%swap3A_886, %swap3A_887, %swap3A_888], %swap3A_891 {strides = array<i32>} : memref<1x1x128xf32, #tpu.memory_space<vmem>>, vector<1x1x128xf32>,
    return
  }
  func.func @transform_0(%arg0: i32) -> (i32, i32, i32) {
    %c0_i32 = arith.constant 0 : i32
    %c0_i32_0 = arith.constant 0 : i32
    %c0_i32_1 = arith.constant 0 : i32
    return %c0_i32, %arg0, %c0_i32_0 : i32, i32, i32
  }
  func.func @transform_1(%arg0: i32) -> (i32, i32) {
    %c0_i32 = arith.constant 0 : i32
    %c0_i32_0 = arith.constant 0 : i32
    return %arg0, %c0_i32 : i32, i32
  }
  func.func @transform_2(%arg0: i32) -> (i32, i32) {
    %c0_i32 = arith.constant 0 : i32
    %c0_i32_0 = arith.constant 0 : i32
    %c0_i32_1 = arith.constant 0 : i32
    return %c0_i32, %c0_i32_0 : i32, i32
  }
  func.func @transform_3(%arg0: i32) -> (i32, i32) {
    %c0_i32 = arith.constant 0 : i32
    %c0_i32_0 = arith.constant 0 : i32
    %c0_i32_1 = arith.constant 0 : i32
    return %c0_i32, %c0_i32_0 : i32, i32
  }
  func.func @transform_4(%arg0: i32) -> (i32, i32) {
    %c0_i32 = arith.constant 0 : i32
    %c0_i32_0 = arith.constant 0 : i32
    %c0_i32_1 = arith.constant 0 : i32
    return %c0_i32, %c0_i32_0 : i32, i32
  }
  func.func @transform_5(%arg0: i32) -> (i32, i32) {
    %c0_i32 = arith.constant 0 : i32
    %c0_i32_0 = arith.constant 0 : i32
    %c0_i32_1 = arith.constant 0 : i32
    return %c0_i32, %c0_i32_0 : i32, i32
  }
  func.func @transform_6(%arg0: i32) -> (i32, i32) {
    %c0_i32 = arith.constant 0 : i32
    %c0_i32_0 = arith.constant 0 : i32
    %c0_i32_1 = arith.constant 0 : i32
    return %c0_i32, %c0_i32_0 : i32, i32
  }
  func.func @transform_7(%arg0: i32) -> (i32, i32) {
    %c0_i32 = arith.constant 0 : i32
    %c0_i32_0 = arith.constant 0 : i32
    %c0_i32_1 = arith.constant 0 : i32
    return %c0_i32, %c0_i32_0 : i32, i32
  }
  func.func @transform_8(%arg0: i32) -> (i32, i32) {
    %c0_i32 = arith.constant 0 : i32
    %c0_i32_0 = arith.constant 0 : i32
    %c0_i32_1 = arith.constant 0 : i32
    return %c0_i32, %c0_i32_0 : i32, i32
  }
  func.func @transform_9(%arg0: i32) -> (i32, i32, i32) {
    %c0_i32 = arith.constant 0 : i32
    %c0_i32_0 = arith.constant 0 : i32
    %c0_i32_1 = arith.constant 0 : i32
    return %arg0, %c0_i32, %c0_i32_0 : i32, i32, i32
  }
}

</mosaic_0001>

<sc_bundles>
// kernel: kernel.4.cloned.1.call-start
scs
__scs_entry_jumppad:
0x0: {  	(pc) =	sbr.rel $0x88, $3  }
0x1: {  	(tag) =	ssettag $0x0;
	lr =	simm.s32 $0x1  }
0x2: {  	[smem:$0x3F97] =	sst lr;
	_ =	strace $0xD0000000  }
0x3: {  	_ = 	snop  }
0x4: {  	_ = 	snop  }
0x5: {  	_ = 	snop  }
0x6: {  	_ = 	snop  }
0x7: {  	_ = 	snop  }
__scs_overlays_trampoline_lowered:
0x8: {  	[smem:$0x3FA6] =	sst s0  }
0x9: {  	[smem:$0x3FA7] =	sst s1  }
0xa: {  	[smem:$0x3FA8] =	sst s2  }
0xb: {  	[smem:$0x3FA9] =	sst s3  }
0xc: {  	[smem:$0x3FAA] =	sst s4  }
0xd: {  	[smem:$0x3FAB] =	sst s5  }
0xe: {  	[smem:$0x3FAC] =	sst s6  }
0xf: {  	[smem:$0x3FAD] =	sst s7  }
0x10: {  	[smem:$0x3FAE] =	sst s8  }
0x11: {  	[smem:$0x3FAF] =	sst s9;
	s0 =	simm.s32 @!p0 $0x0  }
0x12: {  	s1 =	sld [smem:$0x3F95];
	s0 =	simm.s32 @p0 $0x1  }
0x13: {  	[smem:$0x3FB0] =	sst s0;
	s0 =	simm.s32 @!p1 $0x0  }
0x14: {  	s2 =	sld [smem:$0x3F94];
	s0 =	simm.s32 @p1 $0x1  }
0x15: {  	[smem:$0x3FB1] =	sst s0;
	s0 =	simm.s32 @!p2 $0x0  }
0x16: {  	s3 =	sld [smem:$0x3FDB];
	s0 =	simm.s32 @p2 $0x1  }
0x17: {  	s4 =	simm.s32 $0x1BF5;
	[smem:$0x3FB3] =	sst s0  }
0x18: {  	s0 =	sld [smem:$0x3F96];
	_ =	swait.ge [sflag:s4], $0x0  }
0x19: {  	s7 =	sld [smem:$0x3F97]  }
0x1a: {  	s8 =	sadd.s32 $0xFFFFE003, lr  }
0x1b: {  	s9 =	sadd.s32 $0xFFFFFEF7, lr;
	s5 =	simm.s32 $0xFFFFFFFF;
	p2 =	slt.u32 s8, $0xFFFFF086  }
0x1c: {  	p1 =	slt.u32 s9, $0xF7A;
	s5 =	simm.s32 @!p2 $0x0  }
0x1d: {  	s5 =	simm.s32 @p1 $0x1;
	p0 =	seq.s32 s7, s2  }
0x1e: {  	s7 =	smul.u32 @!p0 $0xF7A, s2;
	p2 =	seq.s32 @!p0 s5, $0x0  }
0x1f: {  	s9 =	smul.u32 $0xF7A, s1;
	s8 =	simm.s32 @!p0 $0x1BF5;
	p2 =	por !p2, p0  }
0x20: {  	[sflag:s8] =	ssyncset.s32 @!p0 $0xFFFFF086;
	s6 =	sadd.s32 @!p0 s3, s7;
	s7 =	simm.s32 @!p0 $0x108  }
0x21: {  	s3 =	sadd.s32 s3, s9;
	s6 =	sadd.s32 @!p0 $0x88, s6;
	s7 =	simm.s32 @p2 $0x1082  }
0x22: {  	[simem:s7], [sflag:s8] =	dma.local @!p0 [hbm:s6], $0xF7A  }
0x23: {  	s9 =	sor.u32 $0xD0000000, s2;
	s6 =	simm.s32 $0x108;
	_ =	swait.ge @!p0 [sflag:s8], $0x0  }
0x24: {  	s3 =	sadd.s32 $0x88, s3;
	s6 =	simm.s32 @!p1 $0x1082;
	[sflag:s4] =	ssyncset.s32 $0xFFFFF086  }
0x25: {  	[simem:s6], [sflag:s4] =	dma.local [hbm:s3], $0xF7A  }
0x26: {  	[smem:$0x3F97] =	sst s1;
	(tag) =	ssettag s2;
	_ =	strace s9  }
0x27: {  	s1 =	sld [smem:$0x3FA7]  }
0x28: {  	s2 =	sld [smem:$0x3FA8]  }
0x29: {  	s4 =	sld [smem:$0x3FAA]  }
0x2a: {  	p0 =	seq.s32 s5, $0x0;
	s5 =	sld [smem:$0x3FAB]  }
0x2b: {  	s6 =	sld [smem:$0x3FAC]  }
0x2c: {  	s7 =	sld [smem:$0x3FAD]  }
0x2d: {  	s3 =	simm.s32 $0x108;
	s8 =	sld [smem:$0x3FAE]  }
0x2e: {  	s3 =	simm.s32 @!p0 $0x1082;
	s9 =	sld [smem:$0x3FAF]  }
0x2f: {  	lr =	sadd.s32 s0, s3;
	s0 =	sld [smem:$0x3FA6]  }
0x30: {  	s3 =	sld [smem:$0x3FA9]  }
0x31: {  	[smem:$0x3FB2] =	sst s10  }
0x32: {  	s10 =	sld [smem:$0x3FB0];
	_ =	sdelay $0x3  }
0x33: {  	p0 =	seq.s32 s10, $0x1;
	s10 =	sld [smem:$0x3FB2];
	_ =	sdelay $0x3  }
0x34: {  	[smem:$0x3FB2] =	sst s10  }
0x35: {  	s10 =	sld [smem:$0x3FB1];
	_ =	sdelay $0x3  }
0x36: {  	p1 =	seq.s32 s10, $0x1;
	s10 =	sld [smem:$0x3FB2];
	_ =	sdelay $0x3  }
0x37: {  	[smem:$0x3FB2] =	sst s10  }
0x38: {  	s10 =	sld [smem:$0x3FB3]  }
0x39: {  	_ = 	snop;
	(pc) =	sbr.ind lr, $3  }
0x3a: {  	_ = 	snop  }
0x3b: {  	_ = 	snop  }
0x3c: {  	p2 =	seq.s32 s10, $0x1;
	s10 =	sld [smem:$0x3FB2]  }
0x3d: {  	_ =	shalt  }
0x3e: {  	_ =	shalt  }
0x3f: {  	_ =	shalt  }
0x40: {  	_ =	shalt  }
0x41: {  	_ =	shalt  }
0x42: {  	_ =	shalt  }
0x43: {  	_ =	shalt  }
0x44: {  	_ =	shalt  }
0x45: {  	_ =	shalt  }
0x46: {  	_ =	shalt  }
0x47: {  	_ =	shalt  }
0x48: {  	_ =	shalt  }
0x49: {  	_ =	shalt  }
0x4a: {  	_ =	shalt  }
0x4b: {  	_ =	shalt  }
0x4c: {  	_ =	shalt  }
0x4d: {  	_ =	shalt  }
0x4e: {  	_ =	shalt  }
0x4f: {  	_ =	shalt  }
0x50: {  	_ =	shalt  }
0x51: {  	_ =	shalt  }
0x52: {  	_ =	shalt  }
0x53: {  	_ =	shalt  }
0x54: {  	_ =	shalt  }
0x55: {  	_ =	shalt  }
0x56: {  	_ =	shalt  }
0x57: {  	_ =	shalt  }
0x58: {  	_ =	shalt  }
0x59: {  	_ =	shalt  }
0x5a: {  	_ =	shalt  }
0x5b: {  	_ =	shalt  }
0x5c: {  	_ =	shalt  }
0x5d: {  	_ =	shalt  }
0x5e: {  	_ =	shalt  }
0x5f: {  	_ =	shalt  }
0x60: {  	_ =	shalt  }
0x61: {  	_ =	shalt  }
0x62: {  	_ =	shalt  }
0x63: {  	_ =	shalt  }
0x64: {  	_ =	shalt  }
0x65: {  	_ =	shalt  }
0x66: {  	_ =	shalt  }
0x67: {  	_ =	shalt  }
0x68: {  	_ =	shalt  }
0x69: {  	_ =	shalt  }
0x6a: {  	_ =	shalt  }
0x6b: {  	_ =	shalt  }
0x6c: {  	_ =	shalt  }
0x6d: {  	_ =	shalt  }
0x6e: {  	_ =	shalt  }
0x6f: {  	_ =	shalt  }
0x70: {  	_ =	shalt  }
0x71: {  	_ =	shalt  }
0x72: {  	_ =	shalt  }
0x73: {  	_ =	shalt  }
0x74: {  	_ =	shalt  }
0x75: {  	_ =	shalt  }
0x76: {  	_ =	shalt  }
0x77: {  	_ =	shalt  }
0x78: {  	_ =	shalt  }
0x79: {  	_ =	shalt  }
0x7a: {  	_ =	shalt  }
0x7b: {  	_ =	shalt  }
0x7c: {  	_ =	shalt  }
0x7d: {  	_ =	shalt  }
0x7e: {  	_ =	shalt  }
0x7f: {  	_ =	shalt  }
0x80: {  	_ =	shalt  }
0x81: {  	_ =	shalt  }
0x82: {  	_ =	shalt  }
0x83: {  	_ =	shalt  }
0x84: {  	_ =	shalt  }
0x85: {  	_ =	shalt  }
0x86: {  	_ =	shalt  }
0x87: {  	_ =	shalt  }
.Lfunc_end0:
.L_simem_size_0:
called_computation_lowered:
.L_overlay_start_0:
0x88: {  	s2 =	sld [smem:$0x3FD9]  }
0x89: {  	s3 =	sld [smem:$0x3FFE];
	_ =	sdelay $0x1  }
0x8a: {  	s1 =	srdreg.scid  }
0x8b: {  	s0 =	sand.u32 $0x1, s1  }
0x8c: {  	s16 =	sshll.u32 s0, $0xA;
	s2 =	sadd.s32 s3, s2  }
0x8d: {  	s2 =	sadd.s32 s2, s16  }
0x8e: {  	[smem:$0x3FBE] =	sst s2  }
0x8f: {  	_ = 	snop  }
0x90: {  	(tm) =	ssettm $0x1  }
0x91: {  	s17 =	sld [smem:$0x3FFB];
	_ =	sdelay $0x3  }
0x92: {  	_ =	strace s17  }
0x93: {  	s2 =	sld [smem:$0x3FFC];
	_ =	sdelay $0x3  }
0x94: {  	_ =	strace s2  }
0x95: {  	s2 =	sld [smem:$0x3FFD];
	_ =	sdelay $0x3  }
0x96: {  	_ =	strace s2  }
0x97: {  	_ =	strace $0x8FFFFFFF  }
0x98: {  	s18 =	sld [smem:$0x3FDB];
	_ =	sdelay $0x1  }
0x99: {  	s19 =	simm.s32 $_scs_section_size  }
0x9a: {  	s4 =	simm.s32 $_size__tile_overlayer_lowered;
	s5 =	simm.s32 $_tile_overlayer_lowered  }
0x9b: {  	s22 =	simm.s32 $0x1BFF;
	s21 =	sshll.u32 s5, $0x1;
	s2 =	sadd.s32 s19, s18  }
0x9c: {  	s6 =	simm.s32 $0x0;
	s20 =	sshll.u32 s4, $0x1;
	s4 =	sadd.s32 s21, s2  }
0x9d: {  	[timem:s6], [sflag:s22] =	dma.local [hbm:s4], s20  }
0x9e: {  	_ =	swait.ge [sflag:s22], s20  }
0x9f: {  	s3 =	ssub.s32 $0x0, s20;
	[sflag:s22] =	ssyncset.done $0x0  }
0xa0: {  	[sflag:s22] =	ssyncadd.s32 s3;
	_ =	sdelay $0x1  }
0xa1: {  	s23 =	simm.s32 $0x1B8B  }
0xa2: {  	_ =	swait.ge [sflag:s23], $0x1  }
0xa3: {  	[sflag:s23] =	ssyncset.done $0x0  }
0xa4: {  	s25 =	simm.s32 $0x1B8E;
	s24 =	sld [smem:$0x3FFE];
	[sflag:s23] =	ssyncadd.s32 $0xFFFFFFFF  }
0xa5: {  	s26 =	simm.s32 $execute0_lowered;
	[smem:$0x3FD2] =	sst s25  }
0xa6: {  	s4 =	sshll.u32 s26, $0x1;
	_ =	strace $0x80000046;
	[dreg:$0x1] =	wrdreg $0xFFFFFFFF  }
0xa7: {  	s28 =	simm.s32 $_size_execute0_lowered;
	s2 =	sadd.s32 s2, s4;
	[dreg:$0x0] =	wrdreg $0x0  }
0xa8: {  	s4 =	sshll.u32 s28, $0x1;
	[dreg:$0x2] =	wrdreg s2  }
0xa9: {  	[dreg:$0x3] =	wrdreg s4  }
0xaa: {  	[dreg:$0x4] =	wrdreg $0xC0  }
0xab: {  	_ =	task [dreg:s6], $0x5FFFF  }
0xac: {  	[dreg:$0x1] =	wrdreg $0xFFFFFFFF  }
0xad: {  	[dreg:$0x0] =	wrdreg $0x60  }
0xae: {  	[dreg:$0x2] =	wrdreg s24  }
0xaf: {  	[dreg:$0x3] =	wrdreg $0x9  }
0xb0: {  	_ =	task.clear_ibuf [dreg:s6], $0x4FFFF;
	_ =	strace $0x90000046  }
0xb1: {  	s29 =	simm.s32 $0x9;
	_ =	strace $0x80000048  }
0xb2: {  	_ =	swait.ge [sflag:s29], $0x1  }
0xb3: {  	[sflag:s29] =	ssyncadd.s32 $0xFFFFFFFF  }
0xb4: {  	_ =	strace $0x90000048  }
0xb5: {  	_ =	sfence  }
0xb6: {  	s30 =	sld [smem:$0x0];
	_ =	sdelay $0x2  }
0xb7: {  	s31 =	sshll.u32 s1, $0xD;
	s1 =	sshrl.u32 s1, $0x2  }
0xb8: {  	s3 =	sand.u32 $0x4000, s31;
	s1 =	sadd.s32 s1, s30  }
0xb9: {  	s0 =	sor.u32 s3, s0;
	s1 =	sshll.u32 s1, $0x11  }
0xba: {  	s0 =	sor.u32 s1, s0  }
0xbb: {  	s0 =	sadd.s32 $0x8F2B, s0  }
0xbc: {  	[sflag:s0] =	ssyncadd.remote.s32 $0x1  }
0xbd: {  	_ =	sfence.sel $0xFFFF  }
0xbe: {  	[dreg:$0x0] =	wrdreg $0xFFFFFFFF;
	(pc) =	sbr.abs _section_cstart, $3  }
0xbf: {  	[dreg:$0x1] =	wrdreg $0xFFFFFFFF  }
0xc0: {  	_ =	task.clear_ibuf [dreg:s6], $0x2FFFF;
	_ =	strace $0x9FFFFFFF  }
0xc1: {  	(tm) =	ssettm $0x7FFFFFFF  }
tec
execute0_lowered:
.L_overlay_start_1:
0x0: {  	(tag) =	ssettag $0x1  }
0x1: {  	s4 =	rddreg [dreg:$0x0]  }
0x2: {  	s0 =	rddreg [dreg:$0x1];
	s1 =	simm.s32 $0x0  }
0x3: {  	s2 =	simm.s32 $0x1000;
	[smem:$0x7FF] =	sst s1  }
0x4: {  	s3 =	simm.s32 $0x1400;
	_ =	strace $0x80000047;
	[dreg:$0x2] =	wrdreg s2  }
0x5: {  	s19 =	simm.s32 $0x1800;
	[dreg:$0x3] =	wrdreg s3  }
0x6: {  	s6 =	simm.s32 $0x1C00;
	[dreg:$0x4] =	wrdreg s19  }
0x7: {  	s20 =	simm.s32 $0x2000;
	[dreg:$0x5] =	wrdreg s6  }
0x8: {  	s21 =	simm.s32 $0x2400;
	[dreg:$0x6] =	wrdreg s20  }
0x9: {  	s22 =	simm.s32 $0x2800;
	[dreg:$0x7] =	wrdreg s21  }
0xa: {  	s23 =	simm.s32 $0x2C00;
	[dreg:$0x8] =	wrdreg s22  }
0xb: {  	s24 =	simm.s32 $0x3000;
	[dreg:$0x9] =	wrdreg s23  }
0xc: {  	s25 =	simm.s32 $0x3400;
	[dreg:$0xa] =	wrdreg s24  }
0xd: {  	s26 =	simm.s32 $0x3800;
	[dreg:$0xb] =	wrdreg s25  }
0xe: {  	s5 =	srdreg.scid;
	s28 =	simm.s32 $0x3C00;
	[dreg:$0xc] =	wrdreg s26  }
0xf: {  	s29 =	simm.s32 $0x4000;
	s30 =	simm.s32 $0x4400;
	[dreg:$0xd] =	wrdreg s28  }
0x10: {  	s31 =	simm.s32 $0x4800;
	s10 =	simm.s32 $0x4C00;
	[dreg:$0xe] =	wrdreg s29  }
0x11: {  	s11 =	simm.s32 $0x0;
	s3 =	stileid.u32;
	[dreg:$0xf] =	wrdreg s30  }
0x12: {  	s5 =	sand.u32 $0x1, s5;
	[dreg:$0x10] =	wrdreg s31;
	s7 =	sshll.u32 s3, $0x1  }
0x13: {  	s2 =	sadd.s32 $0x1600, s4;
	[dreg:$0x11] =	wrdreg s10;
	s7 =	sor.u32 s5, s7  }
0x14: {  	s10 =	simm.s32 $0x5000;
	s5 =	ssub.s32 $0x2, s5;
	s8 =	sshll.u32 s7, $0x9  }
0x15: {  	s9 =	sshrl.u32 s5, $0x1;
	s6 =	smul.u32 $0x68000, s7;
	s8 =	sadd.s32 s8, s4  }
0x16: {  	s4 =	sadd.s32 $0x27B1A00, s4;
	s9 =	ssub.s32 s5, s9;
	s5 =	sadd.s32 $0x27ADA00, s8  }
0x17: {  	s7 =	smax.u32 s9, $0x1;
	s8 =	simm.s32 $0x2;
	s9 =	simm.s32 $0x1  }
.LBB2_1:
0x18: {  	[tilespmem:s1], [sflag:$0x2] =	stream.linear.gather [hbm4b:s5+s1], $0xD00, $0x38;
	[tilespmem:$0x9000] =	vst v63  }
0x19: {  	_ =	swait.ge [sflag:s8], $0xD00  }
0x1a: {  	[sflag:s8] =	ssyncset.done $0x0  }
0x1b: {  	s12 =	simm.s32 $0x0;
	s13 =	simm.s32 $0x0;
	[sflag:s8] =	ssyncadd.s32 $0xFFFFF300  }
.LBB2_2:
0x1c: {  	v0 =	vmov s12;
	_ =	sdelay $0x2  }
0x1d: {  	s14 =	simm.s32 $0x0;
	s15 =	simm.s32 $0x5400  }
.LBB2_3:
0x1e: {  	s16 =	sshra.s32 s14, $0x2  }
0x1f: {  	v1 =	vld.idx.msk [tilespmem:v0+s16+$0x0 ss:$0x1], $0xffff;
	_ =	sdelay $0x4  }
0x20: {  	v2 =	vshra.s32 v1, $0x1F  }
0x21: {  	v2 =	vshrl.u32 v2, $0x1D  }
0x22: {  	v2 =	vadd.s32 v2, v1  }
0x23: {  	v2 =	vshrl.u32 v2, $0x3  }
0x24: {  	v2 =	vshll.u32 v2, $0x3  }
0x25: {  	v3 =	vshll.u32 v2, $0x4  }
0x26: {  	(v2sf) =	vpush v3, $0x0;
	_ =	sdelay $0x1  }
0x27: {  	(v2sf) =	vpush v3, $0x1;
	_ =	sdelay $0x1  }
0x28: {  	(v2sf) =	vpush v3, $0x2;
	_ =	sdelay $0x2  }
0x29: {  	(v2sf) =	vpush v3, $0x3;
	_ =	sdelay $0x7  }
0x2a: {  	s26 =	spop (v2sf);
	(v2sf) =	vpush v3, $0x4;
	_ =	sdelay $0x1  }
0x2b: {  	s28 =	spop (v2sf);
	(v2sf) =	vpush v3, $0x5;
	_ =	sdelay $0x1  }
0x2c: {  	s16 =	sand.u32 $0xFFFFF80, s26;
	s30 =	spop (v2sf);
	(v2sf) =	vpush v3, $0x6  }
0x2d: {  	s17 =	rddreg [dreg:$0x2];
	s16 =	sadd.s32 s2, s16  }
0x2e: {  	[tilespmem:s17], [sflag:$0x1] =	stream.linear.gather [hbm4b:s16+s1], $0x400, $0x38;
	[tilespmem:$0x9000] =	vst v63  }
0x2f: {  	s17 =	spop (v2sf);
	(v2sf) =	vpush v3, $0x7;
	_ =	sdelay $0x1  }
0x30: {  	s16 =	sand.u32 $0xFFFFF80, s28  }
0x31: {  	s29 =	rddreg [dreg:$0x3];
	s16 =	sadd.s32 s2, s16  }
0x32: {  	[tilespmem:s29], [sflag:$0x1] =	stream.linear.gather [hbm4b:s16+s1], $0x400, $0x38;
	[tilespmem:$0x9000] =	vst v63  }
0x33: {  	s16 =	sand.u32 $0xFFFFF80, s30  }
0x34: {  	s31 =	rddreg [dreg:$0x4];
	s16 =	sadd.s32 s2, s16  }
0x35: {  	[tilespmem:s31], [sflag:$0x1] =	stream.linear.gather [hbm4b:s16+s1], $0x400, $0x38;
	[tilespmem:$0x9000] =	vst v63  }
0x36: {  	s19 =	spop (v2sf);
	(v2sf) =	vpush v3, $0x8  }
0x37: {  	s16 =	sand.u32 $0xFFFFF80, s17  }
0x38: {  	s18 =	rddreg [dreg:$0x5];
	s16 =	sadd.s32 s2, s16;
	s21 =	spop (v2sf);
	(v2sf) =	vpush v3, $0x9  }
0x39: {  	[tilespmem:s18], [sflag:$0x1] =	stream.linear.gather [hbm4b:s16+s1], $0x400, $0x38;
	[tilespmem:$0x9000] =	vst v63  }
0x3a: {  	s16 =	sand.u32 $0xFFFFF80, s19;
	s23 =	spop (v2sf);
	(v2sf) =	vpush v3, $0xA  }
0x3b: {  	s20 =	rddreg [dreg:$0x6];
	s16 =	sadd.s32 s2, s16  }
0x3c: {  	[tilespmem:s20], [sflag:$0x1] =	stream.linear.gather [hbm4b:s16+s1], $0x400, $0x38;
	[tilespmem:$0x9000] =	vst v63  }
0x3d: {  	s25 =	spop (v2sf);
	(v2sf) =	vpush v3, $0xB  }
0x3e: {  	s16 =	sand.u32 $0xFFFFF80, s21  }
0x3f: {  	s22 =	rddreg [dreg:$0x7];
	s16 =	sadd.s32 s2, s16  }
0x40: {  	[tilespmem:s22], [sflag:$0x1] =	stream.linear.gather [hbm4b:s16+s1], $0x400, $0x38;
	[tilespmem:$0x9000] =	vst v63  }
0x41: {  	s16 =	sand.u32 $0xFFFFF80, s23  }
0x42: {  	s24 =	rddreg [dreg:$0x8];
	s16 =	sadd.s32 s2, s16  }
0x43: {  	[tilespmem:s24], [sflag:$0x1] =	stream.linear.gather [hbm4b:s16+s1], $0x400, $0x38;
	[tilespmem:$0x9000] =	vst v63  }
0x44: {  	s16 =	sand.u32 $0xFFFFF80, s25  }
0x45: {  	s26 =	rddreg [dreg:$0x9];
	s16 =	sadd.s32 s2, s16;
	s28 =	spop (v2sf);
	(v2sf) =	vpush v3, $0xC  }
0x46: {  	[tilespmem:s26], [sflag:$0x1] =	stream.linear.gather [hbm4b:s16+s1], $0x400, $0x38;
	[tilespmem:$0x9000] =	vst v63  }
0x47: {  	s30 =	spop (v2sf);
	(v2sf) =	vpush v3, $0xD  }
0x48: {  	s16 =	sand.u32 $0xFFFFF80, s28  }
0x49: {  	s29 =	rddreg [dreg:$0xa];
	s16 =	sadd.s32 s2, s16;
	s17 =	spop (v2sf)  }
0x4a: {  	(v2sf) =	vpush v3, $0xE;
	[tilespmem:s29], [sflag:$0x1] =	stream.linear.gather [hbm4b:s16+s1], $0x400, $0x38;
	[tilespmem:$0x9000] =	vst v63  }
0x4b: {  	s16 =	sand.u32 $0xFFFFF80, s30  }
0x4c: {  	s31 =	rddreg [dreg:$0xb];
	s19 =	spop (v2sf);
	s16 =	sadd.s32 s2, s16  }
0x4d: {  	(v2sf) =	vpush v3, $0xF;
	[tilespmem:s31], [sflag:$0x1] =	stream.linear.gather [hbm4b:s16+s1], $0x400, $0x38;
	[tilespmem:$0x9000] =	vst v63  }
0x4e: {  	s16 =	sand.u32 $0xFFFFF80, s17  }
0x4f: {  	s18 =	rddreg [dreg:$0xc];
	s16 =	sadd.s32 s2, s16  }
0x50: {  	[tilespmem:s18], [sflag:$0x1] =	stream.linear.gather [hbm4b:s16+s1], $0x400, $0x38;
	[tilespmem:$0x9000] =	vst v63  }
0x51: {  	s16 =	sand.u32 $0xFFFFF80, s19  }
0x52: {  	s20 =	rddreg [dreg:$0xd];
	s16 =	sadd.s32 s2, s16  }
0x53: {  	[tilespmem:s20], [sflag:$0x1] =	stream.linear.gather [hbm4b:s16+s1], $0x400, $0x38;
	[tilespmem:$0x9000] =	vst v63  }
0x54: {  	s21 =	spop (v2sf)  }
0x55: {  	s16 =	sand.u32 $0xFFFFF80, s21  }
0x56: {  	s22 =	rddreg [dreg:$0xe];
	s23 =	spop (v2sf);
	s16 =	sadd.s32 s2, s16  }
0x57: {  	[tilespmem:s22], [sflag:$0x1] =	stream.linear.gather [hbm4b:s16+s1], $0x400, $0x38;
	[tilespmem:$0x9000] =	vst v63  }
0x58: {  	s16 =	sand.u32 $0xFFFFF80, s23  }
0x59: {  	s24 =	rddreg [dreg:$0xf];
	s25 =	spop (v2sf);
	s16 =	sadd.s32 s2, s16  }
0x5a: {  	[tilespmem:s24], [sflag:$0x1] =	stream.linear.gather [hbm4b:s16+s1], $0x400, $0x38;
	[tilespmem:$0x9000] =	vst v63  }
0x5b: {  	s16 =	sand.u32 $0xFFFFF80, s25  }
0x5c: {  	s26 =	rddreg [dreg:$0x10];
	s28 =	spop (v2sf);
	s16 =	sadd.s32 s2, s16  }
0x5d: {  	[tilespmem:s26], [sflag:$0x1] =	stream.linear.gather [hbm4b:s16+s1], $0x400, $0x38;
	[tilespmem:$0x9000] =	vst v63  }
0x5e: {  	s16 =	sand.u32 $0xFFFFF80, s28  }
0x5f: {  	s29 =	rddreg [dreg:$0x11];
	s16 =	sadd.s32 s2, s16  }
0x60: {  	[tilespmem:s29], [sflag:$0x1] =	stream.linear.gather [hbm4b:s16+s1], $0x400, $0x38;
	[tilespmem:$0x9000] =	vst v63  }
0x61: {  	_ =	swait.ge [sflag:s9], $0x400  }
0x62: {  	[sflag:s9] =	ssyncset.done $0x0  }
0x63: {  	[sflag:s9] =	ssyncadd.s32 $0xFFFFFC00  }
0x64: {  	_ =	swait.ge [sflag:s9], $0x400  }
0x65: {  	[sflag:s9] =	ssyncset.done $0x0  }
0x66: {  	[sflag:s9] =	ssyncadd.s32 $0xFFFFFC00  }
0x67: {  	_ =	swait.ge [sflag:s9], $0x400  }
0x68: {  	[sflag:s9] =	ssyncset.done $0x0  }
0x69: {  	[sflag:s9] =	ssyncadd.s32 $0xFFFFFC00  }
0x6a: {  	_ =	swait.ge [sflag:s9], $0x400  }
0x6b: {  	[sflag:s9] =	ssyncset.done $0x0  }
0x6c: {  	[sflag:s9] =	ssyncadd.s32 $0xFFFFFC00  }
0x6d: {  	_ =	swait.ge [sflag:s9], $0x400  }
0x6e: {  	[sflag:s9] =	ssyncset.done $0x0  }
0x6f: {  	[sflag:s9] =	ssyncadd.s32 $0xFFFFFC00  }
0x70: {  	_ =	swait.ge [sflag:s9], $0x400  }
0x71: {  	[sflag:s9] =	ssyncset.done $0x0  }
0x72: {  	[sflag:s9] =	ssyncadd.s32 $0xFFFFFC00  }
0x73: {  	_ =	swait.ge [sflag:s9], $0x400  }
0x74: {  	[sflag:s9] =	ssyncset.done $0x0  }
0x75: {  	[sflag:s9] =	ssyncadd.s32 $0xFFFFFC00  }
0x76: {  	_ =	swait.ge [sflag:s9], $0x400  }
0x77: {  	[sflag:s9] =	ssyncset.done $0x0  }
0x78: {  	[sflag:s9] =	ssyncadd.s32 $0xFFFFFC00  }
0x79: {  	_ =	swait.ge [sflag:s9], $0x400  }
0x7a: {  	[sflag:s9] =	ssyncset.done $0x0  }
0x7b: {  	[sflag:s9] =	ssyncadd.s32 $0xFFFFFC00  }
0x7c: {  	_ =	swait.ge [sflag:s9], $0x400  }
0x7d: {  	[sflag:s9] =	ssyncset.done $0x0  }
0x7e: {  	[sflag:s9] =	ssyncadd.s32 $0xFFFFFC00  }
0x7f: {  	_ =	swait.ge [sflag:s9], $0x400  }
0x80: {  	[sflag:s9] =	ssyncset.done $0x0  }
0x81: {  	[sflag:s9] =	ssyncadd.s32 $0xFFFFFC00  }
0x82: {  	_ =	swait.ge [sflag:s9], $0x400  }
0x83: {  	[sflag:s9] =	ssyncset.done $0x0  }
0x84: {  	[sflag:s9] =	ssyncadd.s32 $0xFFFFFC00  }
0x85: {  	_ =	swait.ge [sflag:s9], $0x400  }
0x86: {  	[sflag:s9] =	ssyncset.done $0x0  }
0x87: {  	[sflag:s9] =	ssyncadd.s32 $0xFFFFFC00  }
0x88: {  	_ =	swait.ge [sflag:s9], $0x400  }
0x89: {  	[sflag:s9] =	ssyncset.done $0x0  }
0x8a: {  	[sflag:s9] =	ssyncadd.s32 $0xFFFFFC00  }
0x8b: {  	_ =	swait.ge [sflag:s9], $0x400  }
0x8c: {  	v1 =	vsub.s32 v1, v2;
	[sflag:s9] =	ssyncset.done $0x0  }
0x8d: {  	v1 =	vshll.u32 v1, $0x9;
	[sflag:s9] =	ssyncadd.s32 $0xFFFFFC00  }
0x8e: {  	v1 =	vshra.s32 v1, $0x2;
	_ =	swait.ge [sflag:s9], $0x400  }
0x8f: {  	(v2sf) =	vpush v1, $0x0;
	_ =	sdelay $0xd  }
0x90: {  	[sflag:s9] =	ssyncset.done $0x0  }
0x91: {  	[sflag:s9] =	ssyncadd.s32 $0xFFFFFC00;
	s30 =	spop (v2sf)  }
0x92: {  	v2 =	vld [tilespmem:s30+$0x1000];
	_ =	sdelay $0x4  }
0x93: {  	[tilespmem:s15+$0xFFFFFC00] =	vst v2  }
0x94: {  	v2 =	vld [tilespmem:s30+$0x1010];
	_ =	sdelay $0x1  }
0x95: {  	(v2sf) =	vpush v1, $0x1;
	_ =	sdelay $0x2  }
0x96: {  	[tilespmem:s15+$0xFFFFFC10] =	vst v2  }
0x97: {  	v2 =	vld [tilespmem:s30+$0x1020];
	_ =	sdelay $0x4  }
0x98: {  	[tilespmem:s15+$0xFFFFFC20] =	vst v2  }
0x99: {  	v2 =	vld [tilespmem:s30+$0x1030];
	_ =	sdelay $0x4  }
0x9a: {  	s31 =	spop (v2sf);
	[tilespmem:s15+$0xFFFFFC30] =	vst v2  }
0x9b: {  	v2 =	vld [tilespmem:s31+$0x1400];
	_ =	sdelay $0x4  }
0x9c: {  	[tilespmem:s15+$0xFFFFFC80] =	vst v2  }
0x9d: {  	v2 =	vld [tilespmem:s31+$0x1410];
	_ =	sdelay $0x1  }
0x9e: {  	(v2sf) =	vpush v1, $0x2;
	_ =	sdelay $0x2  }
0x9f: {  	[tilespmem:s15+$0xFFFFFC90] =	vst v2  }
0xa0: {  	v2 =	vld [tilespmem:s31+$0x1420];
	_ =	sdelay $0x4  }
0xa1: {  	[tilespmem:s15+$0xFFFFFCA0] =	vst v2  }
0xa2: {  	v2 =	vld [tilespmem:s31+$0x1430];
	_ =	sdelay $0x4  }
0xa3: {  	s17 =	spop (v2sf);
	[tilespmem:s15+$0xFFFFFCB0] =	vst v2  }
0xa4: {  	v2 =	vld [tilespmem:s17+$0x1800];
	_ =	sdelay $0x4  }
0xa5: {  	[tilespmem:s15+$0xFFFFFD00] =	vst v2  }
0xa6: {  	v2 =	vld [tilespmem:s17+$0x1810];
	_ =	sdelay $0x1  }
0xa7: {  	(v2sf) =	vpush v1, $0x3;
	_ =	sdelay $0x2  }
0xa8: {  	[tilespmem:s15+$0xFFFFFD10] =	vst v2  }
0xa9: {  	v2 =	vld [tilespmem:s17+$0x1820];
	_ =	sdelay $0x4  }
0xaa: {  	[tilespmem:s15+$0xFFFFFD20] =	vst v2  }
0xab: {  	v2 =	vld [tilespmem:s17+$0x1830];
	_ =	sdelay $0x4  }
0xac: {  	s18 =	spop (v2sf);
	[tilespmem:s15+$0xFFFFFD30] =	vst v2  }
0xad: {  	v2 =	vld [tilespmem:s18+$0x1C00];
	_ =	sdelay $0x4  }
0xae: {  	[tilespmem:s15+$0xFFFFFD80] =	vst v2  }
0xaf: {  	v2 =	vld [tilespmem:s18+$0x1C10];
	_ =	sdelay $0x1  }
0xb0: {  	(v2sf) =	vpush v1, $0x4;
	_ =	sdelay $0x2  }
0xb1: {  	[tilespmem:s15+$0xFFFFFD90] =	vst v2  }
0xb2: {  	v2 =	vld [tilespmem:s18+$0x1C20];
	_ =	sdelay $0x4  }
0xb3: {  	[tilespmem:s15+$0xFFFFFDA0] =	vst v2  }
0xb4: {  	v2 =	vld [tilespmem:s18+$0x1C30];
	_ =	sdelay $0x4  }
0xb5: {  	s19 =	spop (v2sf);
	[tilespmem:s15+$0xFFFFFDB0] =	vst v2  }
0xb6: {  	v2 =	vld [tilespmem:s19+$0x2000];
	_ =	sdelay $0x4  }
0xb7: {  	[tilespmem:s15+$0xFFFFFE00] =	vst v2  }
0xb8: {  	v2 =	vld [tilespmem:s19+$0x2010];
	_ =	sdelay $0x1  }
0xb9: {  	(v2sf) =	vpush v1, $0x5;
	_ =	sdelay $0x2  }
0xba: {  	[tilespmem:s15+$0xFFFFFE10] =	vst v2  }
0xbb: {  	v2 =	vld [tilespmem:s19+$0x2020];
	_ =	sdelay $0x4  }
0xbc: {  	[tilespmem:s15+$0xFFFFFE20] =	vst v2  }
0xbd: {  	v2 =	vld [tilespmem:s19+$0x2030];
	_ =	sdelay $0x4  }
0xbe: {  	s20 =	spop (v2sf);
	[tilespmem:s15+$0xFFFFFE30] =	vst v2  }
0xbf: {  	v2 =	vld [tilespmem:s20+$0x2400];
	_ =	sdelay $0x4  }
0xc0: {  	[tilespmem:s15+$0xFFFFFE80] =	vst v2  }
0xc1: {  	v2 =	vld [tilespmem:s20+$0x2410];
	_ =	sdelay $0x1  }
0xc2: {  	(v2sf) =	vpush v1, $0x6;
	_ =	sdelay $0x2  }
0xc3: {  	[tilespmem:s15+$0xFFFFFE90] =	vst v2  }
0xc4: {  	v2 =	vld [tilespmem:s20+$0x2420];
	_ =	sdelay $0x4  }
0xc5: {  	[tilespmem:s15+$0xFFFFFEA0] =	vst v2  }
0xc6: {  	v2 =	vld [tilespmem:s20+$0x2430];
	_ =	sdelay $0x4  }
0xc7: {  	s21 =	spop (v2sf);
	[tilespmem:s15+$0xFFFFFEB0] =	vst v2  }
0xc8: {  	v2 =	vld [tilespmem:s21+$0x2800];
	_ =	sdelay $0x4  }
0xc9: {  	[tilespmem:s15+$0xFFFFFF00] =	vst v2  }
0xca: {  	v2 =	vld [tilespmem:s21+$0x2810];
	_ =	sdelay $0x1  }
0xcb: {  	(v2sf) =	vpush v1, $0x7;
	_ =	sdelay $0x2  }
0xcc: {  	[tilespmem:s15+$0xFFFFFF10] =	vst v2  }
0xcd: {  	v2 =	vld [tilespmem:s21+$0x2820];
	_ =	sdelay $0x4  }
0xce: {  	[tilespmem:s15+$0xFFFFFF20] =	vst v2  }
0xcf: {  	v2 =	vld [tilespmem:s21+$0x2830];
	_ =	sdelay $0x4  }
0xd0: {  	s22 =	spop (v2sf);
	[tilespmem:s15+$0xFFFFFF30] =	vst v2  }
0xd1: {  	v2 =	vld [tilespmem:s22+$0x2C00];
	_ =	sdelay $0x4  }
0xd2: {  	[tilespmem:s15+$0xFFFFFF80] =	vst v2  }
0xd3: {  	v2 =	vld [tilespmem:s22+$0x2C10];
	_ =	sdelay $0x1  }
0xd4: {  	(v2sf) =	vpush v1, $0x8;
	_ =	sdelay $0x2  }
0xd5: {  	[tilespmem:s15+$0xFFFFFF90] =	vst v2  }
0xd6: {  	v2 =	vld [tilespmem:s22+$0x2C20];
	_ =	sdelay $0x4  }
0xd7: {  	[tilespmem:s15+$0xFFFFFFA0] =	vst v2  }
0xd8: {  	v2 =	vld [tilespmem:s22+$0x2C30];
	_ =	sdelay $0x4  }
0xd9: {  	s23 =	spop (v2sf);
	[tilespmem:s15+$0xFFFFFFB0] =	vst v2  }
0xda: {  	v2 =	vld [tilespmem:s23+$0x3000];
	_ =	sdelay $0x4  }
0xdb: {  	[tilespmem:s15+$0x0] =	vst v2  }
0xdc: {  	v2 =	vld [tilespmem:s23+$0x3010];
	_ =	sdelay $0x1  }
0xdd: {  	(v2sf) =	vpush v1, $0x9;
	_ =	sdelay $0x2  }
0xde: {  	[tilespmem:s15+$0x10] =	vst v2  }
0xdf: {  	v2 =	vld [tilespmem:s23+$0x3020];
	_ =	sdelay $0x4  }
0xe0: {  	[tilespmem:s15+$0x20] =	vst v2  }
0xe1: {  	v2 =	vld [tilespmem:s23+$0x3030];
	_ =	sdelay $0x4  }
0xe2: {  	s24 =	spop (v2sf);
	[tilespmem:s15+$0x30] =	vst v2  }
0xe3: {  	v2 =	vld [tilespmem:s24+$0x3400];
	_ =	sdelay $0x4  }
0xe4: {  	[tilespmem:s15+$0x80] =	vst v2  }
0xe5: {  	v2 =	vld [tilespmem:s24+$0x3410];
	_ =	sdelay $0x1  }
0xe6: {  	(v2sf) =	vpush v1, $0xA;
	_ =	sdelay $0x2  }
0xe7: {  	[tilespmem:s15+$0x90] =	vst v2  }
0xe8: {  	v2 =	vld [tilespmem:s24+$0x3420];
	_ =	sdelay $0x4  }
0xe9: {  	[tilespmem:s15+$0xA0] =	vst v2  }
0xea: {  	v2 =	vld [tilespmem:s24+$0x3430];
	_ =	sdelay $0x4  }
0xeb: {  	s25 =	spop (v2sf);
	[tilespmem:s15+$0xB0] =	vst v2  }
0xec: {  	v2 =	vld [tilespmem:s25+$0x3800];
	_ =	sdelay $0x4  }
0xed: {  	[tilespmem:s15+$0x100] =	vst v2  }
0xee: {  	v2 =	vld [tilespmem:s25+$0x3810];
	_ =	sdelay $0x1  }
0xef: {  	(v2sf) =	vpush v1, $0xB;
	_ =	sdelay $0x2  }
0xf0: {  	[tilespmem:s15+$0x110] =	vst v2  }
0xf1: {  	v2 =	vld [tilespmem:s25+$0x3820];
	_ =	sdelay $0x4  }
0xf2: {  	[tilespmem:s15+$0x120] =	vst v2  }
0xf3: {  	v2 =	vld [tilespmem:s25+$0x3830];
	_ =	sdelay $0x4  }
0xf4: {  	s26 =	spop (v2sf);
	[tilespmem:s15+$0x130] =	vst v2  }
0xf5: {  	v2 =	vld [tilespmem:s26+$0x3C00];
	_ =	sdelay $0x4  }
0xf6: {  	[tilespmem:s15+$0x180] =	vst v2  }
0xf7: {  	v2 =	vld [tilespmem:s26+$0x3C10];
	_ =	sdelay $0x1  }
0xf8: {  	(v2sf) =	vpush v1, $0xC;
	_ =	sdelay $0x2  }
0xf9: {  	[tilespmem:s15+$0x190] =	vst v2  }
0xfa: {  	v2 =	vld [tilespmem:s26+$0x3C20];
	_ =	sdelay $0x4  }
0xfb: {  	[tilespmem:s15+$0x1A0] =	vst v2  }
0xfc: {  	v2 =	vld [tilespmem:s26+$0x3C30];
	_ =	sdelay $0x4  }
0xfd: {  	s28 =	spop (v2sf);
	[tilespmem:s15+$0x1B0] =	vst v2  }
0xfe: {  	v2 =	vld [tilespmem:s28+$0x4000];
	_ =	sdelay $0x4  }
0xff: {  	[tilespmem:s15+$0x200] =	vst v2  }
0x100: {  	v2 =	vld [tilespmem:s28+$0x4010];
	_ =	sdelay $0x1  }
0x101: {  	(v2sf) =	vpush v1, $0xD;
	_ =	sdelay $0x2  }
0x102: {  	[tilespmem:s15+$0x210] =	vst v2  }
0x103: {  	v2 =	vld [tilespmem:s28+$0x4020];
	_ =	sdelay $0x4  }
0x104: {  	[tilespmem:s15+$0x220] =	vst v2  }
0x105: {  	v2 =	vld [tilespmem:s28+$0x4030];
	_ =	sdelay $0x4  }
0x106: {  	s29 =	spop (v2sf);
	[tilespmem:s15+$0x230] =	vst v2  }
0x107: {  	v2 =	vld [tilespmem:s29+$0x4400];
	_ =	sdelay $0x4  }
0x108: {  	[tilespmem:s15+$0x280] =	vst v2  }
0x109: {  	v2 =	vld [tilespmem:s29+$0x4410];
	_ =	sdelay $0x1  }
0x10a: {  	(v2sf) =	vpush v1, $0xE;
	_ =	sdelay $0x2  }
0x10b: {  	[tilespmem:s15+$0x290] =	vst v2  }
0x10c: {  	v2 =	vld [tilespmem:s29+$0x4420];
	_ =	sdelay $0x4  }
0x10d: {  	[tilespmem:s15+$0x2A0] =	vst v2  }
0x10e: {  	v2 =	vld [tilespmem:s29+$0x4430];
	_ =	sdelay $0x4  }
0x10f: {  	s30 =	spop (v2sf);
	[tilespmem:s15+$0x2B0] =	vst v2  }
0x110: {  	v2 =	vld [tilespmem:s30+$0x4800];
	_ =	sdelay $0x4  }
0x111: {  	[tilespmem:s15+$0x300] =	vst v2  }
0x112: {  	v2 =	vld [tilespmem:s30+$0x4810];
	_ =	sdelay $0x1  }
0x113: {  	(v2sf) =	vpush v1, $0xF;
	_ =	sdelay $0x2  }
0x114: {  	[tilespmem:s15+$0x310] =	vst v2  }
0x115: {  	v1 =	vld [tilespmem:s30+$0x4820];
	_ =	sdelay $0x4  }
0x116: {  	[tilespmem:s15+$0x320] =	vst v1  }
0x117: {  	v1 =	vld [tilespmem:s30+$0x4830];
	_ =	sdelay $0x4  }
0x118: {  	s31 =	spop (v2sf);
	[tilespmem:s15+$0x330] =	vst v1  }
0x119: {  	v1 =	vld [tilespmem:s31+$0x4C00];
	_ =	sdelay $0x4  }
0x11a: {  	[tilespmem:s15+$0x380] =	vst v1  }
0x11b: {  	v1 =	vld [tilespmem:s31+$0x4C10];
	_ =	sdelay $0x4  }
0x11c: {  	[tilespmem:s15+$0x390] =	vst v1  }
0x11d: {  	v1 =	vld [tilespmem:s31+$0x4C20];
	_ =	sdelay $0x4  }
0x11e: {  	[tilespmem:s15+$0x3A0] =	vst v1  }
0x11f: {  	p0 =	sne.s32 s14, $0x1C0;
	v1 =	vld [tilespmem:s31+$0x4C30]  }
.Ltmp0:
0x120: {  	_ = 	snop;
	(pc) =	sbr.rel @p0 .LBB2_3-.Ltmp0, $2  }
0x121: {  	_ =	sdelay $0x2  }
0x122: {  	s14 =	sadd.s32 $0x40, s14;
	[tilespmem:s15+$0x3B0] =	vst v1;
	s15 =	sadd.s32 $0x800, s15  }
0x123: {  	s14 =	sshll.u32 s13, $0xE  }
0x124: {  	s13 =	sadd.s32 $0x1, s13;
	s14 =	sadd.s32 s6, s14  }
0x125: {  	p0 =	sne.s32 s13, $0x1A;
	s14 =	sshrl.u32 s14, $0x3  }
.Ltmp1:
0x126: {  	s14 =	sadd.s32 s4, s14;
	(pc) =	sbr.rel @p0 .LBB2_2-.Ltmp1, $4  }
0x127: {  	[hbm4b:s14+s1] =	stream.linear.scatter [tilespmem:s10], [sflag:$0x2], $0x4000, $0x38;
	[tilespmem:$0x9000] =	vst v63  }
0x128: {  	_ =	swait.ge [sflag:s8], $0x4000  }
0x129: {  	[sflag:s8] =	ssyncset.done $0x0  }
0x12a: {  	s12 =	sadd.s32 $0x80, s12;
	[sflag:s8] =	ssyncadd.s32 $0xFFFFC000  }
0x12b: {  	s11 =	sadd.s32 $0x1, s11  }
0x12c: {  	p0 =	sne.s32 s11, s7  }
.Ltmp2:
0x12d: {  	_ = 	snop;
	(pc) =	sbr.rel @p0 .LBB2_1-.Ltmp2, $1  }
0x12e: {  	_ =	sdelay $0x3  }
0x12f: {  	_ =	sfence.sel $0x180000  }
0x130: {  	[bflag:$0x0] =	sbarrier.arrive $0xFFFF  }
0x131: {  	p0 =	sne.s32 s3, $0x0;
	_ =	strace $0x90000047  }
0x132: {  	s0 =	sadd.s32 @!p0 $0x100000, s0;
	[bflag:$0x2] =	sbarrier.arrive $0xFFFF  }
0x133: {  	[sflag:s0] =	ssyncadd.tile.s32 @!p0 $0x1;
	_ =	shalt  }
.Lfunc_end2:
_tile_overlayer_lowered:
.L_overlay_start_2:
0x134: {  	(tag) =	ssettag $0x2  }
0x135: {  	s0 =	rddreg [dreg:$0x0];
	s2 =	stileid.u32  }
0x136: {  	s1 =	rddreg [dreg:$0x1];
	p0 =	sne.s32 s2, $0x0  }
0x137: {  	s3 =	rddreg [dreg:$0x2];
	[bflag:$0x3] =	sbarrier.arrive $0xFFFF;
	s2 =	simm.s32 @!p0 $0x1C02  }
0x138: {  	[timem:s3], [sflag:s2] =	dma.local @!p0 [hbm:s0], s1  }
0x139: {  	s0 =	simm.s32 @!p0 $0x2  }
0x13a: {  	_ =	swait.ge @!p0 [sflag:s0], s1  }
0x13b: {  	s1 =	ssub.s32 @!p0 $0x0, s1;
	[sflag:s0] =	ssyncset.done @!p0 $0x0  }
0x13c: {  	[sflag:s0] =	ssyncadd.s32 @!p0 s1  }
0x13d: {  	[bflag:$0x3] =	sbarrier.arrive $0xFFFF  }
0x13e: {  	_ =	shalt  }

</sc_bundles>
